<compile_context>
chip_gen: v7x
topology: tpu7x:2x2x1
jax: 0.10.2.dev20260603
libtpu: 0.0.44.dev20260713+nightly
codegen_flags: <defaults>
</compile_context>

<pallas_src>
import jax
import jax.numpy as jnp
from jax import lax
from jax.experimental import pallas as pl
from jax.experimental.pallas import tpu as pltpu
from jax.experimental.pallas import tpu_sc as plsc

_N = 1000000
_D = 16
_B = 16384

_NC = 2
_NS = 16
_NW = _NC * _NS
_BPW = _B // _NW
_RPW = 2 * _BPW
_CH = _RPW // 128
_PH = 2
_RPP = _RPW // _PH
_PPP = _BPW // _PH
_GPP = _PPP // 16

def _sc_uu_body(w_hbm, idx_hbm, out_hbm, pv, bv, wr_v, uu_v, sem):
    wid = lax.axis_index("s") * _NC + lax.axis_index("c")

    pltpu.sync_copy(idx_hbm.at[wid], pv)

    for c in range(_CH):
        for k in range(8):
            x = pv[c, pl.ds(k * 16, 16)]
            bv[c, pl.ds(k * 16, 16)] = lax.shift_right_logical(x, 3)

    def phase(t):
        copies = []
        for c in range(_PH * 2):
            copies.append(pltpu.async_copy(
                w_hbm.at[bv.at[t * _PH * 2 + c]],
                wr_v.at[pl.ds(c * 128, 128)], sem))
        for cp in copies:
            cp.wait()

        def group_body(g, carry):
            lp = g * 16 + lax.iota(jnp.int32, 16)
            p = t * _PPP + lp
            rows_i = 2 * lp
            rows_j = rows_i + 1
            fi = 2 * p
            fj = fi + 1
            idx_i = plsc.load_gather(
                pv, [lax.shift_right_logical(fi, 7), lax.bitwise_and(fi, 127)])
            idx_j = plsc.load_gather(
                pv, [lax.shift_right_logical(fj, 7), lax.bitwise_and(fj, 127)])
            cbi = lax.shift_left(lax.bitwise_and(idx_i, 7), 4)
            cbj = lax.shift_left(lax.bitwise_and(idx_j, 7), 4)
            sii = jnp.zeros((16,), jnp.float32)
            sjj = jnp.zeros((16,), jnp.float32)
            sdd = jnp.zeros((16,), jnp.float32)
            for d in range(_D):
                vi = plsc.load_gather(wr_v, [rows_i, cbi + d])
                vj = plsc.load_gather(wr_v, [rows_j, cbj + d])
                diff = vi - vj
                sii = sii + vi * vi
                sjj = sjj + vj * vj
                sdd = sdd + diff * diff
            z = 2.0 * sdd
            denom = (1.0 - sii) * (1.0 - sjj)
            uu = 1.0 + z / denom
            uu_v[pl.ds(t * _PPP + g * 16, 16)] = uu
            return carry

        lax.fori_loop(0, _GPP, group_body, 0)

    for t in range(_PH):
        phase(t)

    pltpu.sync_copy(uu_v, out_hbm.at[pl.ds(wid * _BPW, _BPW)])


@jax.jit
def _sc_uu(w8, idx3):
    mesh = plsc.VectorSubcoreMesh(core_axis_name="c", subcore_axis_name="s")
    return pl.kernel(
        _sc_uu_body,
        mesh=mesh,
        compiler_params=pltpu.CompilerParams(
            needs_layout_passes=False, use_tc_tiling_on_sc=True),
        out_type=jax.ShapeDtypeStruct((_B,), jnp.float32),
        scratch_types=[
            pltpu.VMEM((_CH, 128), jnp.int32),
            pltpu.VMEM((_CH, 128), jnp.int32),
            pltpu.VMEM((_RPP, 128), jnp.float32),
            pltpu.VMEM((_BPW,), jnp.float32),
            pltpu.SemaphoreType.DMA,
        ],
    )(w8, idx3)


def _acosh_body(uu_ref, out_ref):
    uu = uu_ref[...]
    out_ref[...] = jnp.log(uu + jnp.sqrt(uu * uu - 1.0))


@jax.jit
def _tc_acosh(uu):
    return pl.pallas_call(
        _acosh_body,
        out_shape=jax.ShapeDtypeStruct(uu.shape, jnp.float32),
    )(uu)


def kernel(w, idx):
    w8 = w.reshape(_N // 8, 8 * _D)
    idx3 = idx.astype(jnp.int32).reshape(_NW, _CH, 128)
    uu = _sc_uu(w8, idx3)
    return _tc_acosh(uu)

# --- scband reference (transcript-rebuilt; emitter-appended) ---
"""Pipeline reference for scband-hyperbolic-emb-89300960018770 (READ-ONLY COPY).

The authoritative reference and input builder live on the scoring server;
editing this copy changes nothing except your own understanding.
"""

import jax, jax.numpy as jnp
import numpy as np

N = 1000000
D = 16
B = 16384


def h_proj(x, eps=1e-9):
    norms = jnp.linalg.norm(x, axis=-1)
    modified = jnp.where(norms < 1.0, 1.0, 1.0 / ((1.0 + eps) * norms))
    return x * modified[..., None]


def setup_inputs(seed: int = 0) -> dict:
    key = jax.random.key(seed)
    k1, k2 = jax.random.split(key)
    # learned hyperbolic embedding table, initialized as in the torch module:
    # h_proj(0.001 * rand(n, d))
    w = h_proj(0.001 * jax.random.uniform(k1, (N, D), dtype=jnp.float32))
    idx = jax.random.randint(k2, (B, 2), 0, N)
    return {"w": w, "idx": idx}


def reference(w, idx):
    # Hyperbolic_Emb.dist(idx): gather two rows per pair, Poincare distance, divide by scale
    wi = jnp.take(w, idx[:, 0], axis=0)
    wj = jnp.take(w, idx[:, 1], axis=0)
    z = 2.0 * jnp.sum((wi - wj) ** 2, axis=1)
    denom = (1.0 - jnp.sum(wi ** 2, axis=1)) * (1.0 - jnp.sum(wj ** 2, axis=1))
    uu = 1.0 + z / denom
    d = jnp.log(uu + jnp.sqrt(uu ** 2 - 1.0))  # acosh
    # learn_scale=False: scale_log = 0.0 -> scale = exp(tanh(0)*3) = 1.0 (kept faithful)
    scale = jnp.exp(jnp.tanh(jnp.float32(0.0)) * 3.0)
    return d / scale

if __name__ == "__main__":
    import jax
    _d = setup_inputs()
    print(jax.jit(kernel)(*tuple(_d.values())))

</pallas_src>

<mosaic_0001>
#map = affine_map<(d0, d1) -> (0, 0)>
#map1 = affine_map<(d0, d1) -> (0, 0, 0)>
#map2 = affine_map<(d0, d1) -> (0)>
module attributes {stable_mosaic.version = 14 : i64} {
  func.func @_sc_uu_body(%arg0: i32, %arg1: i32, %arg2: memref<125000x128xf32, #tpu.memory_space<hbm>>, %arg3: memref<32x8x128xi32, #tpu.memory_space<hbm>>, %arg4: memref<16384xf32, #tpu.memory_space<hbm>>, %arg5: memref<8x128xi32, #tpu.memory_space<vmem>>, %arg6: memref<8x128xi32, #tpu.memory_space<vmem>>, %arg7: memref<512x128xf32, #tpu.memory_space<vmem>>, %arg8: memref<512xf32, #tpu.memory_space<vmem>>, %arg9: memref<!tpu.dma_semaphore, #tpu.memory_space<semaphore_mem>>) attributes {dimension_semantics = [#tpu.dimension_semantics<core_parallel>, #tpu.dimension_semantics<subcore_parallel>], iteration_bounds = array<i64: 2, 16>, scalar_prefetch = 0 : i64, scratch_operands = 5 : i64, tpu.core_type = #tpu.core_type<sc_vector_subcore>, window_params = [{transform_indices = #map}, {transform_indices = #map1}, {transform_indices = #map2}]} {
    %mul3A = arith.constant 2 : i32
    %mul3A_0 = arith.muli %arg1, %mul3A : i32
    %add3A = arith.addi %mul3A_0, %arg0 : i32
    "tpu.region"() ({
      %run_scoped3A = tpu.sem_alloc : memref<!tpu.dma_semaphore, #tpu.memory_space<semaphore_mem>>
      %dma_start3A_873 = arith.constant 0 : i32
      %dma_start3A_874 = arith.constant 0 : i32
      %dma_start3A_875 = tpu.memref_slice %arg3[%add3A, %dma_start3A_873, %dma_start3A_874] : memref<32x8x128xi32, #tpu.memory_space<hbm>> -> memref<1x8x128xi32, #tpu.memory_space<hbm>>
      %dma_start3A_876 = tpu.memref_squeeze %dma_start3A_875 : memref<1x8x128xi32, #tpu.memory_space<hbm>> -> memref<8x128xi32, #tpu.memory_space<hbm>>
      %dma_start3A_877 = arith.constant 0 : i32
      %dma_start3A_878 = arith.constant 0 : i32
      %dma_start3A_879 = tpu.memref_slice %arg3[%add3A, %dma_start3A_877, %dma_start3A_878] : memref<32x8x128xi32, #tpu.memory_space<hbm>> -> memref<1x8x128xi32, #tpu.memory_space<hbm>>
      %dma_start3A_880 = tpu.memref_squeeze %dma_start3A_879 : memref<1x8x128xi32, #tpu.memory_space<hbm>> -> memref<8x128xi32, #tpu.memory_space<hbm>>
      tpu.enqueue_dma source(%dma_start3A_880 : memref<8x128xi32, #tpu.memory_space<hbm>>) target(%arg5 : memref<8x128xi32, #tpu.memory_space<vmem>>) target_semaphore(%run_scoped3A : memref<!tpu.dma_semaphore, #tpu.memory_space<semaphore_mem>>)
      %dma_wait3A_881 = arith.constant 0 : i32
      %dma_wait3A_882 = arith.constant 0 : i32
      %dma_wait3A_883 = tpu.memref_slice %arg3[%add3A, %dma_wait3A_881, %dma_wait3A_882] : memref<32x8x128xi32, #tpu.memory_space<hbm>> -> memref<1x8x128xi32, #tpu.memory_space<hbm>>
      %dma_wait3A_884 = tpu.memref_squeeze %dma_wait3A_883 : memref<1x8x128xi32, #tpu.memory_space<hbm>> -> memref<8x128xi32, #tpu.memory_space<hbm>>
      %dma_wait3A_885 = arith.constant 0 : i32
      %dma_wait3A_886 = arith.constant 0 : i32
      %dma_wait3A_887 = tpu.memref_slice %arg3[%add3A, %dma_wait3A_885, %dma_wait3A_886] : memref<32x8x128xi32, #tpu.memory_space<hbm>> -> memref<1x8x128xi32, #tpu.memory_space<hbm>>
      %dma_wait3A_888 = tpu.memref_squeeze %dma_wait3A_887 : memref<1x8x128xi32, #tpu.memory_space<hbm>> -> memref<8x128xi32, #tpu.memory_space<hbm>>
      tpu.wait_dma2 semaphore(%run_scoped3A : memref<!tpu.dma_semaphore, #tpu.memory_space<semaphore_mem>>) src(%dma_wait3A_888 : memref<8x128xi32, #tpu.memory_space<hbm>>) dst(%arg5 : memref<8x128xi32, #tpu.memory_space<vmem>>)
      tpu.yield
    }) : () -> ()
    %get3A = arith.constant 0 : i32
    %get3A_1 = arith.index_cast %get3A : i32 to index
    %get3A_2 = arith.constant 0 : index
    %get3A_3 = tpu.vector_load %arg5[%get3A_1, %get3A_2] {strides = array<i32>} : memref<8x128xi32, #tpu.memory_space<vmem>>, vector<16xi32>,
    %shift_right_logical3A = arith.constant 3 : i32
    %shift_right_logical3A_4 = vector.broadcast %shift_right_logical3A : i32 to vector<16xi32>
    %shift_right_logical3A_5 = arith.shrui %get3A_3, %shift_right_logical3A_4 : vector<16xi32>
    %swap3A = arith.constant 0 : i32
    %swap3A_6 = arith.index_cast %swap3A : i32 to index
    %swap3A_7 = arith.constant 0 : index
    %swap3A_8 = tpu.vector_load %arg6[%swap3A_6, %swap3A_7] {strides = array<i32>} : memref<8x128xi32, #tpu.memory_space<vmem>>, vector<16xi32>,
    tpu.vector_store %arg6[%swap3A_6, %swap3A_7], %shift_right_logical3A_5 {strides = array<i32>} : memref<8x128xi32, #tpu.memory_space<vmem>>, vector<16xi32>,
    %get3A_9 = arith.constant 0 : i32
    %get3A_10 = arith.index_cast %get3A_9 : i32 to index
    %get3A_11 = arith.constant 16 : index
    %get3A_12 = tpu.vector_load %arg5[%get3A_10, %get3A_11] {strides = array<i32>} : memref<8x128xi32, #tpu.memory_space<vmem>>, vector<16xi32>,
    %shift_right_logical3A_13 = arith.constant 3 : i32
    %shift_right_logical3A_14 = vector.broadcast %shift_right_logical3A_13 : i32 to vector<16xi32>
    %shift_right_logical3A_15 = arith.shrui %get3A_12, %shift_right_logical3A_14 : vector<16xi32>
    %swap3A_16 = arith.constant 0 : i32
    %swap3A_17 = arith.index_cast %swap3A_16 : i32 to index
    %swap3A_18 = arith.constant 16 : index
    %swap3A_19 = tpu.vector_load %arg6[%swap3A_17, %swap3A_18] {strides = array<i32>} : memref<8x128xi32, #tpu.memory_space<vmem>>, vector<16xi32>,
    tpu.vector_store %arg6[%swap3A_17, %swap3A_18], %shift_right_logical3A_15 {strides = array<i32>} : memref<8x128xi32, #tpu.memory_space<vmem>>, vector<16xi32>,
    %get3A_20 = arith.constant 0 : i32
    %get3A_21 = arith.index_cast %get3A_20 : i32 to index
    %get3A_22 = arith.constant 32 : index
    %get3A_23 = tpu.vector_load %arg5[%get3A_21, %get3A_22] {strides = array<i32>} : memref<8x128xi32, #tpu.memory_space<vmem>>, vector<16xi32>,
    %shift_right_logical3A_24 = arith.constant 3 : i32
    %shift_right_logical3A_25 = vector.broadcast %shift_right_logical3A_24 : i32 to vector<16xi32>
    %shift_right_logical3A_26 = arith.shrui %get3A_23, %shift_right_logical3A_25 : vector<16xi32>
    %swap3A_27 = arith.constant 0 : i32
    %swap3A_28 = arith.index_cast %swap3A_27 : i32 to index
    %swap3A_29 = arith.constant 32 : index
    %swap3A_30 = tpu.vector_load %arg6[%swap3A_28, %swap3A_29] {strides = array<i32>} : memref<8x128xi32, #tpu.memory_space<vmem>>, vector<16xi32>,
    tpu.vector_store %arg6[%swap3A_28, %swap3A_29], %shift_right_logical3A_26 {strides = array<i32>} : memref<8x128xi32, #tpu.memory_space<vmem>>, vector<16xi32>,
    %get3A_31 = arith.constant 0 : i32
    %get3A_32 = arith.index_cast %get3A_31 : i32 to index
    %get3A_33 = arith.constant 48 : index
    %get3A_34 = tpu.vector_load %arg5[%get3A_32, %get3A_33] {strides = array<i32>} : memref<8x128xi32, #tpu.memory_space<vmem>>, vector<16xi32>,
    %shift_right_logical3A_35 = arith.constant 3 : i32
    %shift_right_logical3A_36 = vector.broadcast %shift_right_logical3A_35 : i32 to vector<16xi32>
    %shift_right_logical3A_37 = arith.shrui %get3A_34, %shift_right_logical3A_36 : vector<16xi32>
    %swap3A_38 = arith.constant 0 : i32
    %swap3A_39 = arith.index_cast %swap3A_38 : i32 to index
    %swap3A_40 = arith.constant 48 : index
    %swap3A_41 = tpu.vector_load %arg6[%swap3A_39, %swap3A_40] {strides = array<i32>} : memref<8x128xi32, #tpu.memory_space<vmem>>, vector<16xi32>,
    tpu.vector_store %arg6[%swap3A_39, %swap3A_40], %shift_right_logical3A_37 {strides = array<i32>} : memref<8x128xi32, #tpu.memory_space<vmem>>, vector<16xi32>,
    %get3A_42 = arith.constant 0 : i32
    %get3A_43 = arith.index_cast %get3A_42 : i32 to index
    %get3A_44 = arith.constant 64 : index
    %get3A_45 = tpu.vector_load %arg5[%get3A_43, %get3A_44] {strides = array<i32>} : memref<8x128xi32, #tpu.memory_space<vmem>>, vector<16xi32>,
    %shift_right_logical3A_46 = arith.constant 3 : i32
    %shift_right_logical3A_47 = vector.broadcast %shift_right_logical3A_46 : i32 to vector<16xi32>
    %shift_right_logical3A_48 = arith.shrui %get3A_45, %shift_right_logical3A_47 : vector<16xi32>
    %swap3A_49 = arith.constant 0 : i32
    %swap3A_50 = arith.index_cast %swap3A_49 : i32 to index
    %swap3A_51 = arith.constant 64 : index
    %swap3A_52 = tpu.vector_load %arg6[%swap3A_50, %swap3A_51] {strides = array<i32>} : memref<8x128xi32, #tpu.memory_space<vmem>>, vector<16xi32>,
    tpu.vector_store %arg6[%swap3A_50, %swap3A_51], %shift_right_logical3A_48 {strides = array<i32>} : memref<8x128xi32, #tpu.memory_space<vmem>>, vector<16xi32>,
    %get3A_53 = arith.constant 0 : i32
    %get3A_54 = arith.index_cast %get3A_53 : i32 to index
    %get3A_55 = arith.constant 80 : index
    %get3A_56 = tpu.vector_load %arg5[%get3A_54, %get3A_55] {strides = array<i32>} : memref<8x128xi32, #tpu.memory_space<vmem>>, vector<16xi32>,
    %shift_right_logical3A_57 = arith.constant 3 : i32
    %shift_right_logical3A_58 = vector.broadcast %shift_right_logical3A_57 : i32 to vector<16xi32>
    %shift_right_logical3A_59 = arith.shrui %get3A_56, %shift_right_logical3A_58 : vector<16xi32>
    %swap3A_60 = arith.constant 0 : i32
    %swap3A_61 = arith.index_cast %swap3A_60 : i32 to index
    %swap3A_62 = arith.constant 80 : index
    %swap3A_63 = tpu.vector_load %arg6[%swap3A_61, %swap3A_62] {strides = array<i32>} : memref<8x128xi32, #tpu.memory_space<vmem>>, vector<16xi32>,
    tpu.vector_store %arg6[%swap3A_61, %swap3A_62], %shift_right_logical3A_59 {strides = array<i32>} : memref<8x128xi32, #tpu.memory_space<vmem>>, vector<16xi32>,
    %get3A_64 = arith.constant 0 : i32
    %get3A_65 = arith.index_cast %get3A_64 : i32 to index
    %get3A_66 = arith.constant 96 : index
    %get3A_67 = tpu.vector_load %arg5[%get3A_65, %get3A_66] {strides = array<i32>} : memref<8x128xi32, #tpu.memory_space<vmem>>, vector<16xi32>,
    %shift_right_logical3A_68 = arith.constant 3 : i32
    %shift_right_logical3A_69 = vector.broadcast %shift_right_logical3A_68 : i32 to vector<16xi32>
    %shift_right_logical3A_70 = arith.shrui %get3A_67, %shift_right_logical3A_69 : vector<16xi32>
    %swap3A_71 = arith.constant 0 : i32
    %swap3A_72 = arith.index_cast %swap3A_71 : i32 to index
    %swap3A_73 = arith.constant 96 : index
    %swap3A_74 = tpu.vector_load %arg6[%swap3A_72, %swap3A_73] {strides = array<i32>} : memref<8x128xi32, #tpu.memory_space<vmem>>, vector<16xi32>,
    tpu.vector_store %arg6[%swap3A_72, %swap3A_73], %shift_right_logical3A_70 {strides = array<i32>} : memref<8x128xi32, #tpu.memory_space<vmem>>, vector<16xi32>,
    %get3A_75 = arith.constant 0 : i32
    %get3A_76 = arith.index_cast %get3A_75 : i32 to index
    %get3A_77 = arith.constant 112 : index
    %get3A_78 = tpu.vector_load %arg5[%get3A_76, %get3A_77] {strides = array<i32>} : memref<8x128xi32, #tpu.memory_space<vmem>>, vector<16xi32>,
    %shift_right_logical3A_79 = arith.constant 3 : i32
    %shift_right_logical3A_80 = vector.broadcast %shift_right_logical3A_79 : i32 to vector<16xi32>
    %shift_right_logical3A_81 = arith.shrui %get3A_78, %shift_right_logical3A_80 : vector<16xi32>
    %swap3A_82 = arith.constant 0 : i32
    %swap3A_83 = arith.index_cast %swap3A_82 : i32 to index
    %swap3A_84 = arith.constant 112 : index
    %swap3A_85 = tpu.vector_load %arg6[%swap3A_83, %swap3A_84] {strides = array<i32>} : memref<8x128xi32, #tpu.memory_space<vmem>>, vector<16xi32>,
    tpu.vector_store %arg6[%swap3A_83, %swap3A_84], %shift_right_logical3A_81 {strides = array<i32>} : memref<8x128xi32, #tpu.memory_space<vmem>>, vector<16xi32>,
    %get3A_86 = arith.constant 1 : i32
    %get3A_87 = arith.index_cast %get3A_86 : i32 to index
    %get3A_88 = arith.constant 0 : index
    %get3A_89 = tpu.vector_load %arg5[%get3A_87, %get3A_88] {strides = array<i32>} : memref<8x128xi32, #tpu.memory_space<vmem>>, vector<16xi32>,
    %shift_right_logical3A_90 = arith.constant 3 : i32
    %shift_right_logical3A_91 = vector.broadcast %shift_right_logical3A_90 : i32 to vector<16xi32>
    %shift_right_logical3A_92 = arith.shrui %get3A_89, %shift_right_logical3A_91 : vector<16xi32>
    %swap3A_93 = arith.constant 1 : i32
    %swap3A_94 = arith.index_cast %swap3A_93 : i32 to index
    %swap3A_95 = arith.constant 0 : index
    %swap3A_96 = tpu.vector_load %arg6[%swap3A_94, %swap3A_95] {strides = array<i32>} : memref<8x128xi32, #tpu.memory_space<vmem>>, vector<16xi32>,
    tpu.vector_store %arg6[%swap3A_94, %swap3A_95], %shift_right_logical3A_92 {strides = array<i32>} : memref<8x128xi32, #tpu.memory_space<vmem>>, vector<16xi32>,
    %get3A_97 = arith.constant 1 : i32
    %get3A_98 = arith.index_cast %get3A_97 : i32 to index
    %get3A_99 = arith.constant 16 : index
    %get3A_100 = tpu.vector_load %arg5[%get3A_98, %get3A_99] {strides = array<i32>} : memref<8x128xi32, #tpu.memory_space<vmem>>, vector<16xi32>,
    %shift_right_logical3A_101 = arith.constant 3 : i32
    %shift_right_logical3A_102 = vector.broadcast %shift_right_logical3A_101 : i32 to vector<16xi32>
    %shift_right_logical3A_103 = arith.shrui %get3A_100, %shift_right_logical3A_102 : vector<16xi32>
    %swap3A_104 = arith.constant 1 : i32
    %swap3A_105 = arith.index_cast %swap3A_104 : i32 to index
    %swap3A_106 = arith.constant 16 : index
    %swap3A_107 = tpu.vector_load %arg6[%swap3A_105, %swap3A_106] {strides = array<i32>} : memref<8x128xi32, #tpu.memory_space<vmem>>, vector<16xi32>,
    tpu.vector_store %arg6[%swap3A_105, %swap3A_106], %shift_right_logical3A_103 {strides = array<i32>} : memref<8x128xi32, #tpu.memory_space<vmem>>, vector<16xi32>,
    %get3A_108 = arith.constant 1 : i32
    %get3A_109 = arith.index_cast %get3A_108 : i32 to index
    %get3A_110 = arith.constant 32 : index
    %get3A_111 = tpu.vector_load %arg5[%get3A_109, %get3A_110] {strides = array<i32>} : memref<8x128xi32, #tpu.memory_space<vmem>>, vector<16xi32>,
    %shift_right_logical3A_112 = arith.constant 3 : i32
    %shift_right_logical3A_113 = vector.broadcast %shift_right_logical3A_112 : i32 to vector<16xi32>
    %shift_right_logical3A_114 = arith.shrui %get3A_111, %shift_right_logical3A_113 : vector<16xi32>
    %swap3A_115 = arith.constant 1 : i32
    %swap3A_116 = arith.index_cast %swap3A_115 : i32 to index
    %swap3A_117 = arith.constant 32 : index
    %swap3A_118 = tpu.vector_load %arg6[%swap3A_116, %swap3A_117] {strides = array<i32>} : memref<8x128xi32, #tpu.memory_space<vmem>>, vector<16xi32>,
    tpu.vector_store %arg6[%swap3A_116, %swap3A_117], %shift_right_logical3A_114 {strides = array<i32>} : memref<8x128xi32, #tpu.memory_space<vmem>>, vector<16xi32>,
    %get3A_119 = arith.constant 1 : i32
    %get3A_120 = arith.index_cast %get3A_119 : i32 to index
    %get3A_121 = arith.constant 48 : index
    %get3A_122 = tpu.vector_load %arg5[%get3A_120, %get3A_121] {strides = array<i32>} : memref<8x128xi32, #tpu.memory_space<vmem>>, vector<16xi32>,
    %shift_right_logical3A_123 = arith.constant 3 : i32
    %shift_right_logical3A_124 = vector.broadcast %shift_right_logical3A_123 : i32 to vector<16xi32>
    %shift_right_logical3A_125 = arith.shrui %get3A_122, %shift_right_logical3A_124 : vector<16xi32>
    %swap3A_126 = arith.constant 1 : i32
    %swap3A_127 = arith.index_cast %swap3A_126 : i32 to index
    %swap3A_128 = arith.constant 48 : index
    %swap3A_129 = tpu.vector_load %arg6[%swap3A_127, %swap3A_128] {strides = array<i32>} : memref<8x128xi32, #tpu.memory_space<vmem>>, vector<16xi32>,
    tpu.vector_store %arg6[%swap3A_127, %swap3A_128], %shift_right_logical3A_125 {strides = array<i32>} : memref<8x128xi32, #tpu.memory_space<vmem>>, vector<16xi32>,
    %get3A_130 = arith.constant 1 : i32
    %get3A_131 = arith.index_cast %get3A_130 : i32 to index
    %get3A_132 = arith.constant 64 : index
    %get3A_133 = tpu.vector_load %arg5[%get3A_131, %get3A_132] {strides = array<i32>} : memref<8x128xi32, #tpu.memory_space<vmem>>, vector<16xi32>,
    %shift_right_logical3A_134 = arith.constant 3 : i32
    %shift_right_logical3A_135 = vector.broadcast %shift_right_logical3A_134 : i32 to vector<16xi32>
    %shift_right_logical3A_136 = arith.shrui %get3A_133, %shift_right_logical3A_135 : vector<16xi32>
    %swap3A_137 = arith.constant 1 : i32
    %swap3A_138 = arith.index_cast %swap3A_137 : i32 to index
    %swap3A_139 = arith.constant 64 : index
    %swap3A_140 = tpu.vector_load %arg6[%swap3A_138, %swap3A_139] {strides = array<i32>} : memref<8x128xi32, #tpu.memory_space<vmem>>, vector<16xi32>,
    tpu.vector_store %arg6[%swap3A_138, %swap3A_139], %shift_right_logical3A_136 {strides = array<i32>} : memref<8x128xi32, #tpu.memory_space<vmem>>, vector<16xi32>,
    %get3A_141 = arith.constant 1 : i32
    %get3A_142 = arith.index_cast %get3A_141 : i32 to index
    %get3A_143 = arith.constant 80 : index
    %get3A_144 = tpu.vector_load %arg5[%get3A_142, %get3A_143] {strides = array<i32>} : memref<8x128xi32, #tpu.memory_space<vmem>>, vector<16xi32>,
    %shift_right_logical3A_145 = arith.constant 3 : i32
    %shift_right_logical3A_146 = vector.broadcast %shift_right_logical3A_145 : i32 to vector<16xi32>
    %shift_right_logical3A_147 = arith.shrui %get3A_144, %shift_right_logical3A_146 : vector<16xi32>
    %swap3A_148 = arith.constant 1 : i32
    %swap3A_149 = arith.index_cast %swap3A_148 : i32 to index
    %swap3A_150 = arith.constant 80 : index
    %swap3A_151 = tpu.vector_load %arg6[%swap3A_149, %swap3A_150] {strides = array<i32>} : memref<8x128xi32, #tpu.memory_space<vmem>>, vector<16xi32>,
    tpu.vector_store %arg6[%swap3A_149, %swap3A_150], %shift_right_logical3A_147 {strides = array<i32>} : memref<8x128xi32, #tpu.memory_space<vmem>>, vector<16xi32>,
    %get3A_152 = arith.constant 1 : i32
    %get3A_153 = arith.index_cast %get3A_152 : i32 to index
    %get3A_154 = arith.constant 96 : index
    %get3A_155 = tpu.vector_load %arg5[%get3A_153, %get3A_154] {strides = array<i32>} : memref<8x128xi32, #tpu.memory_space<vmem>>, vector<16xi32>,
    %shift_right_logical3A_156 = arith.constant 3 : i32
    %shift_right_logical3A_157 = vector.broadcast %shift_right_logical3A_156 : i32 to vector<16xi32>
    %shift_right_logical3A_158 = arith.shrui %get3A_155, %shift_right_logical3A_157 : vector<16xi32>
    %swap3A_159 = arith.constant 1 : i32
    %swap3A_160 = arith.index_cast %swap3A_159 : i32 to index
    %swap3A_161 = arith.constant 96 : index
    %swap3A_162 = tpu.vector_load %arg6[%swap3A_160, %swap3A_161] {strides = array<i32>} : memref<8x128xi32, #tpu.memory_space<vmem>>, vector<16xi32>,
    tpu.vector_store %arg6[%swap3A_160, %swap3A_161], %shift_right_logical3A_158 {strides = array<i32>} : memref<8x128xi32, #tpu.memory_space<vmem>>, vector<16xi32>,
    %get3A_163 = arith.constant 1 : i32
    %get3A_164 = arith.index_cast %get3A_163 : i32 to index
    %get3A_165 = arith.constant 112 : index
    %get3A_166 = tpu.vector_load %arg5[%get3A_164, %get3A_165] {strides = array<i32>} : memref<8x128xi32, #tpu.memory_space<vmem>>, vector<16xi32>,
    %shift_right_logical3A_167 = arith.constant 3 : i32
    %shift_right_logical3A_168 = vector.broadcast %shift_right_logical3A_167 : i32 to vector<16xi32>
    %shift_right_logical3A_169 = arith.shrui %get3A_166, %shift_right_logical3A_168 : vector<16xi32>
    %swap3A_170 = arith.constant 1 : i32
    %swap3A_171 = arith.index_cast %swap3A_170 : i32 to index
    %swap3A_172 = arith.constant 112 : index
    %swap3A_173 = tpu.vector_load %arg6[%swap3A_171, %swap3A_172] {strides = array<i32>} : memref<8x128xi32, #tpu.memory_space<vmem>>, vector<16xi32>,
    tpu.vector_store %arg6[%swap3A_171, %swap3A_172], %shift_right_logical3A_169 {strides = array<i32>} : memref<8x128xi32, #tpu.memory_space<vmem>>, vector<16xi32>,
    %get3A_174 = arith.constant 2 : i32
    %get3A_175 = arith.index_cast %get3A_174 : i32 to index
    %get3A_176 = arith.constant 0 : index
    %get3A_177 = tpu.vector_load %arg5[%get3A_175, %get3A_176] {strides = array<i32>} : memref<8x128xi32, #tpu.memory_space<vmem>>, vector<16xi32>,
    %shift_right_logical3A_178 = arith.constant 3 : i32
    %shift_right_logical3A_179 = vector.broadcast %shift_right_logical3A_178 : i32 to vector<16xi32>
    %shift_right_logical3A_180 = arith.shrui %get3A_177, %shift_right_logical3A_179 : vector<16xi32>
    %swap3A_181 = arith.constant 2 : i32
    %swap3A_182 = arith.index_cast %swap3A_181 : i32 to index
    %swap3A_183 = arith.constant 0 : index
    %swap3A_184 = tpu.vector_load %arg6[%swap3A_182, %swap3A_183] {strides = array<i32>} : memref<8x128xi32, #tpu.memory_space<vmem>>, vector<16xi32>,
    tpu.vector_store %arg6[%swap3A_182, %swap3A_183], %shift_right_logical3A_180 {strides = array<i32>} : memref<8x128xi32, #tpu.memory_space<vmem>>, vector<16xi32>,
    %get3A_185 = arith.constant 2 : i32
    %get3A_186 = arith.index_cast %get3A_185 : i32 to index
    %get3A_187 = arith.constant 16 : index
    %get3A_188 = tpu.vector_load %arg5[%get3A_186, %get3A_187] {strides = array<i32>} : memref<8x128xi32, #tpu.memory_space<vmem>>, vector<16xi32>,
    %shift_right_logical3A_189 = arith.constant 3 : i32
    %shift_right_logical3A_190 = vector.broadcast %shift_right_logical3A_189 : i32 to vector<16xi32>
    %shift_right_logical3A_191 = arith.shrui %get3A_188, %shift_right_logical3A_190 : vector<16xi32>
    %swap3A_192 = arith.constant 2 : i32
    %swap3A_193 = arith.index_cast %swap3A_192 : i32 to index
    %swap3A_194 = arith.constant 16 : index
    %swap3A_195 = tpu.vector_load %arg6[%swap3A_193, %swap3A_194] {strides = array<i32>} : memref<8x128xi32, #tpu.memory_space<vmem>>, vector<16xi32>,
    tpu.vector_store %arg6[%swap3A_193, %swap3A_194], %shift_right_logical3A_191 {strides = array<i32>} : memref<8x128xi32, #tpu.memory_space<vmem>>, vector<16xi32>,
    %get3A_196 = arith.constant 2 : i32
    %get3A_197 = arith.index_cast %get3A_196 : i32 to index
    %get3A_198 = arith.constant 32 : index
    %get3A_199 = tpu.vector_load %arg5[%get3A_197, %get3A_198] {strides = array<i32>} : memref<8x128xi32, #tpu.memory_space<vmem>>, vector<16xi32>,
    %shift_right_logical3A_200 = arith.constant 3 : i32
    %shift_right_logical3A_201 = vector.broadcast %shift_right_logical3A_200 : i32 to vector<16xi32>
    %shift_right_logical3A_202 = arith.shrui %get3A_199, %shift_right_logical3A_201 : vector<16xi32>
    %swap3A_203 = arith.constant 2 : i32
    %swap3A_204 = arith.index_cast %swap3A_203 : i32 to index
    %swap3A_205 = arith.constant 32 : index
    %swap3A_206 = tpu.vector_load %arg6[%swap3A_204, %swap3A_205] {strides = array<i32>} : memref<8x128xi32, #tpu.memory_space<vmem>>, vector<16xi32>,
    tpu.vector_store %arg6[%swap3A_204, %swap3A_205], %shift_right_logical3A_202 {strides = array<i32>} : memref<8x128xi32, #tpu.memory_space<vmem>>, vector<16xi32>,
    %get3A_207 = arith.constant 2 : i32
    %get3A_208 = arith.index_cast %get3A_207 : i32 to index
    %get3A_209 = arith.constant 48 : index
    %get3A_210 = tpu.vector_load %arg5[%get3A_208, %get3A_209] {strides = array<i32>} : memref<8x128xi32, #tpu.memory_space<vmem>>, vector<16xi32>,
    %shift_right_logical3A_211 = arith.constant 3 : i32
    %shift_right_logical3A_212 = vector.broadcast %shift_right_logical3A_211 : i32 to vector<16xi32>
    %shift_right_logical3A_213 = arith.shrui %get3A_210, %shift_right_logical3A_212 : vector<16xi32>
    %swap3A_214 = arith.constant 2 : i32
    %swap3A_215 = arith.index_cast %swap3A_214 : i32 to index
    %swap3A_216 = arith.constant 48 : index
    %swap3A_217 = tpu.vector_load %arg6[%swap3A_215, %swap3A_216] {strides = array<i32>} : memref<8x128xi32, #tpu.memory_space<vmem>>, vector<16xi32>,
    tpu.vector_store %arg6[%swap3A_215, %swap3A_216], %shift_right_logical3A_213 {strides = array<i32>} : memref<8x128xi32, #tpu.memory_space<vmem>>, vector<16xi32>,
    %get3A_218 = arith.constant 2 : i32
    %get3A_219 = arith.index_cast %get3A_218 : i32 to index
    %get3A_220 = arith.constant 64 : index
    %get3A_221 = tpu.vector_load %arg5[%get3A_219, %get3A_220] {strides = array<i32>} : memref<8x128xi32, #tpu.memory_space<vmem>>, vector<16xi32>,
    %shift_right_logical3A_222 = arith.constant 3 : i32
    %shift_right_logical3A_223 = vector.broadcast %shift_right_logical3A_222 : i32 to vector<16xi32>
    %shift_right_logical3A_224 = arith.shrui %get3A_221, %shift_right_logical3A_223 : vector<16xi32>
    %swap3A_225 = arith.constant 2 : i32
    %swap3A_226 = arith.index_cast %swap3A_225 : i32 to index
    %swap3A_227 = arith.constant 64 : index
    %swap3A_228 = tpu.vector_load %arg6[%swap3A_226, %swap3A_227] {strides = array<i32>} : memref<8x128xi32, #tpu.memory_space<vmem>>, vector<16xi32>,
    tpu.vector_store %arg6[%swap3A_226, %swap3A_227], %shift_right_logical3A_224 {strides = array<i32>} : memref<8x128xi32, #tpu.memory_space<vmem>>, vector<16xi32>,
    %get3A_229 = arith.constant 2 : i32
    %get3A_230 = arith.index_cast %get3A_229 : i32 to index
    %get3A_231 = arith.constant 80 : index
    %get3A_232 = tpu.vector_load %arg5[%get3A_230, %get3A_231] {strides = array<i32>} : memref<8x128xi32, #tpu.memory_space<vmem>>, vector<16xi32>,
    %shift_right_logical3A_233 = arith.constant 3 : i32
    %shift_right_logical3A_234 = vector.broadcast %shift_right_logical3A_233 : i32 to vector<16xi32>
    %shift_right_logical3A_235 = arith.shrui %get3A_232, %shift_right_logical3A_234 : vector<16xi32>
    %swap3A_236 = arith.constant 2 : i32
    %swap3A_237 = arith.index_cast %swap3A_236 : i32 to index
    %swap3A_238 = arith.constant 80 : index
    %swap3A_239 = tpu.vector_load %arg6[%swap3A_237, %swap3A_238] {strides = array<i32>} : memref<8x128xi32, #tpu.memory_space<vmem>>, vector<16xi32>,
    tpu.vector_store %arg6[%swap3A_237, %swap3A_238], %shift_right_logical3A_235 {strides = array<i32>} : memref<8x128xi32, #tpu.memory_space<vmem>>, vector<16xi32>,
    %get3A_240 = arith.constant 2 : i32
    %get3A_241 = arith.index_cast %get3A_240 : i32 to index
    %get3A_242 = arith.constant 96 : index
    %get3A_243 = tpu.vector_load %arg5[%get3A_241, %get3A_242] {strides = array<i32>} : memref<8x128xi32, #tpu.memory_space<vmem>>, vector<16xi32>,
    %shift_right_logical3A_244 = arith.constant 3 : i32
    %shift_right_logical3A_245 = vector.broadcast %shift_right_logical3A_244 : i32 to vector<16xi32>
    %shift_right_logical3A_246 = arith.shrui %get3A_243, %shift_right_logical3A_245 : vector<16xi32>
    %swap3A_247 = arith.constant 2 : i32
    %swap3A_248 = arith.index_cast %swap3A_247 : i32 to index
    %swap3A_249 = arith.constant 96 : index
    %swap3A_250 = tpu.vector_load %arg6[%swap3A_248, %swap3A_249] {strides = array<i32>} : memref<8x128xi32, #tpu.memory_space<vmem>>, vector<16xi32>,
    tpu.vector_store %arg6[%swap3A_248, %swap3A_249], %shift_right_logical3A_246 {strides = array<i32>} : memref<8x128xi32, #tpu.memory_space<vmem>>, vector<16xi32>,
    %get3A_251 = arith.constant 2 : i32
    %get3A_252 = arith.index_cast %get3A_251 : i32 to index
    %get3A_253 = arith.constant 112 : index
    %get3A_254 = tpu.vector_load %arg5[%get3A_252, %get3A_253] {strides = array<i32>} : memref<8x128xi32, #tpu.memory_space<vmem>>, vector<16xi32>,
    %shift_right_logical3A_255 = arith.constant 3 : i32
    %shift_right_logical3A_256 = vector.broadcast %shift_right_logical3A_255 : i32 to vector<16xi32>
    %shift_right_logical3A_257 = arith.shrui %get3A_254, %shift_right_logical3A_256 : vector<16xi32>
    %swap3A_258 = arith.constant 2 : i32
    %swap3A_259 = arith.index_cast %swap3A_258 : i32 to index
    %swap3A_260 = arith.constant 112 : index
    %swap3A_261 = tpu.vector_load %arg6[%swap3A_259, %swap3A_260] {strides = array<i32>} : memref<8x128xi32, #tpu.memory_space<vmem>>, vector<16xi32>,
    tpu.vector_store %arg6[%swap3A_259, %swap3A_260], %shift_right_logical3A_257 {strides = array<i32>} : memref<8x128xi32, #tpu.memory_space<vmem>>, vector<16xi32>,
    %get3A_262 = arith.constant 3 : i32
    %get3A_263 = arith.index_cast %get3A_262 : i32 to index
    %get3A_264 = arith.constant 0 : index
    %get3A_265 = tpu.vector_load %arg5[%get3A_263, %get3A_264] {strides = array<i32>} : memref<8x128xi32, #tpu.memory_space<vmem>>, vector<16xi32>,
    %shift_right_logical3A_266 = arith.constant 3 : i32
    %shift_right_logical3A_267 = vector.broadcast %shift_right_logical3A_266 : i32 to vector<16xi32>
    %shift_right_logical3A_268 = arith.shrui %get3A_265, %shift_right_logical3A_267 : vector<16xi32>
    %swap3A_269 = arith.constant 3 : i32
    %swap3A_270 = arith.index_cast %swap3A_269 : i32 to index
    %swap3A_271 = arith.constant 0 : index
    %swap3A_272 = tpu.vector_load %arg6[%swap3A_270, %swap3A_271] {strides = array<i32>} : memref<8x128xi32, #tpu.memory_space<vmem>>, vector<16xi32>,
    tpu.vector_store %arg6[%swap3A_270, %swap3A_271], %shift_right_logical3A_268 {strides = array<i32>} : memref<8x128xi32, #tpu.memory_space<vmem>>, vector<16xi32>,
    %get3A_273 = arith.constant 3 : i32
    %get3A_274 = arith.index_cast %get3A_273 : i32 to index
    %get3A_275 = arith.constant 16 : index
    %get3A_276 = tpu.vector_load %arg5[%get3A_274, %get3A_275] {strides = array<i32>} : memref<8x128xi32, #tpu.memory_space<vmem>>, vector<16xi32>,
    %shift_right_logical3A_277 = arith.constant 3 : i32
    %shift_right_logical3A_278 = vector.broadcast %shift_right_logical3A_277 : i32 to vector<16xi32>
    %shift_right_logical3A_279 = arith.shrui %get3A_276, %shift_right_logical3A_278 : vector<16xi32>
    %swap3A_280 = arith.constant 3 : i32
    %swap3A_281 = arith.index_cast %swap3A_280 : i32 to index
    %swap3A_282 = arith.constant 16 : index
    %swap3A_283 = tpu.vector_load %arg6[%swap3A_281, %swap3A_282] {strides = array<i32>} : memref<8x128xi32, #tpu.memory_space<vmem>>, vector<16xi32>,
    tpu.vector_store %arg6[%swap3A_281, %swap3A_282], %shift_right_logical3A_279 {strides = array<i32>} : memref<8x128xi32, #tpu.memory_space<vmem>>, vector<16xi32>,
    %get3A_284 = arith.constant 3 : i32
    %get3A_285 = arith.index_cast %get3A_284 : i32 to index
    %get3A_286 = arith.constant 32 : index
    %get3A_287 = tpu.vector_load %arg5[%get3A_285, %get3A_286] {strides = array<i32>} : memref<8x128xi32, #tpu.memory_space<vmem>>, vector<16xi32>,
    %shift_right_logical3A_288 = arith.constant 3 : i32
    %shift_right_logical3A_289 = vector.broadcast %shift_right_logical3A_288 : i32 to vector<16xi32>
    %shift_right_logical3A_290 = arith.shrui %get3A_287, %shift_right_logical3A_289 : vector<16xi32>
    %swap3A_291 = arith.constant 3 : i32
    %swap3A_292 = arith.index_cast %swap3A_291 : i32 to index
    %swap3A_293 = arith.constant 32 : index
    %swap3A_294 = tpu.vector_load %arg6[%swap3A_292, %swap3A_293] {strides = array<i32>} : memref<8x128xi32, #tpu.memory_space<vmem>>, vector<16xi32>,
    tpu.vector_store %arg6[%swap3A_292, %swap3A_293], %shift_right_logical3A_290 {strides = array<i32>} : memref<8x128xi32, #tpu.memory_space<vmem>>, vector<16xi32>,
    %get3A_295 = arith.constant 3 : i32
    %get3A_296 = arith.index_cast %get3A_295 : i32 to index
    %get3A_297 = arith.constant 48 : index
    %get3A_298 = tpu.vector_load %arg5[%get3A_296, %get3A_297] {strides = array<i32>} : memref<8x128xi32, #tpu.memory_space<vmem>>, vector<16xi32>,
    %shift_right_logical3A_299 = arith.constant 3 : i32
    %shift_right_logical3A_300 = vector.broadcast %shift_right_logical3A_299 : i32 to vector<16xi32>
    %shift_right_logical3A_301 = arith.shrui %get3A_298, %shift_right_logical3A_300 : vector<16xi32>
    %swap3A_302 = arith.constant 3 : i32
    %swap3A_303 = arith.index_cast %swap3A_302 : i32 to index
    %swap3A_304 = arith.constant 48 : index
    %swap3A_305 = tpu.vector_load %arg6[%swap3A_303, %swap3A_304] {strides = array<i32>} : memref<8x128xi32, #tpu.memory_space<vmem>>, vector<16xi32>,
    tpu.vector_store %arg6[%swap3A_303, %swap3A_304], %shift_right_logical3A_301 {strides = array<i32>} : memref<8x128xi32, #tpu.memory_space<vmem>>, vector<16xi32>,
    %get3A_306 = arith.constant 3 : i32
    %get3A_307 = arith.index_cast %get3A_306 : i32 to index
    %get3A_308 = arith.constant 64 : index
    %get3A_309 = tpu.vector_load %arg5[%get3A_307, %get3A_308] {strides = array<i32>} : memref<8x128xi32, #tpu.memory_space<vmem>>, vector<16xi32>,
    %shift_right_logical3A_310 = arith.constant 3 : i32
    %shift_right_logical3A_311 = vector.broadcast %shift_right_logical3A_310 : i32 to vector<16xi32>
    %shift_right_logical3A_312 = arith.shrui %get3A_309, %shift_right_logical3A_311 : vector<16xi32>
    %swap3A_313 = arith.constant 3 : i32
    %swap3A_314 = arith.index_cast %swap3A_313 : i32 to index
    %swap3A_315 = arith.constant 64 : index
    %swap3A_316 = tpu.vector_load %arg6[%swap3A_314, %swap3A_315] {strides = array<i32>} : memref<8x128xi32, #tpu.memory_space<vmem>>, vector<16xi32>,
    tpu.vector_store %arg6[%swap3A_314, %swap3A_315], %shift_right_logical3A_312 {strides = array<i32>} : memref<8x128xi32, #tpu.memory_space<vmem>>, vector<16xi32>,
    %get3A_317 = arith.constant 3 : i32
    %get3A_318 = arith.index_cast %get3A_317 : i32 to index
    %get3A_319 = arith.constant 80 : index
    %get3A_320 = tpu.vector_load %arg5[%get3A_318, %get3A_319] {strides = array<i32>} : memref<8x128xi32, #tpu.memory_space<vmem>>, vector<16xi32>,
    %shift_right_logical3A_321 = arith.constant 3 : i32
    %shift_right_logical3A_322 = vector.broadcast %shift_right_logical3A_321 : i32 to vector<16xi32>
    %shift_right_logical3A_323 = arith.shrui %get3A_320, %shift_right_logical3A_322 : vector<16xi32>
    %swap3A_324 = arith.constant 3 : i32
    %swap3A_325 = arith.index_cast %swap3A_324 : i32 to index
    %swap3A_326 = arith.constant 80 : index
    %swap3A_327 = tpu.vector_load %arg6[%swap3A_325, %swap3A_326] {strides = array<i32>} : memref<8x128xi32, #tpu.memory_space<vmem>>, vector<16xi32>,
    tpu.vector_store %arg6[%swap3A_325, %swap3A_326], %shift_right_logical3A_323 {strides = array<i32>} : memref<8x128xi32, #tpu.memory_space<vmem>>, vector<16xi32>,
    %get3A_328 = arith.constant 3 : i32
    %get3A_329 = arith.index_cast %get3A_328 : i32 to index
    %get3A_330 = arith.constant 96 : index
    %get3A_331 = tpu.vector_load %arg5[%get3A_329, %get3A_330] {strides = array<i32>} : memref<8x128xi32, #tpu.memory_space<vmem>>, vector<16xi32>,
    %shift_right_logical3A_332 = arith.constant 3 : i32
    %shift_right_logical3A_333 = vector.broadcast %shift_right_logical3A_332 : i32 to vector<16xi32>
    %shift_right_logical3A_334 = arith.shrui %get3A_331, %shift_right_logical3A_333 : vector<16xi32>
    %swap3A_335 = arith.constant 3 : i32
    %swap3A_336 = arith.index_cast %swap3A_335 : i32 to index
    %swap3A_337 = arith.constant 96 : index
    %swap3A_338 = tpu.vector_load %arg6[%swap3A_336, %swap3A_337] {strides = array<i32>} : memref<8x128xi32, #tpu.memory_space<vmem>>, vector<16xi32>,
    tpu.vector_store %arg6[%swap3A_336, %swap3A_337], %shift_right_logical3A_334 {strides = array<i32>} : memref<8x128xi32, #tpu.memory_space<vmem>>, vector<16xi32>,
    %get3A_339 = arith.constant 3 : i32
    %get3A_340 = arith.index_cast %get3A_339 : i32 to index
    %get3A_341 = arith.constant 112 : index
    %get3A_342 = tpu.vector_load %arg5[%get3A_340, %get3A_341] {strides = array<i32>} : memref<8x128xi32, #tpu.memory_space<vmem>>, vector<16xi32>,
    %shift_right_logical3A_343 = arith.constant 3 : i32
    %shift_right_logical3A_344 = vector.broadcast %shift_right_logical3A_343 : i32 to vector<16xi32>
    %shift_right_logical3A_345 = arith.shrui %get3A_342, %shift_right_logical3A_344 : vector<16xi32>
    %swap3A_346 = arith.constant 3 : i32
    %swap3A_347 = arith.index_cast %swap3A_346 : i32 to index
    %swap3A_348 = arith.constant 112 : index
    %swap3A_349 = tpu.vector_load %arg6[%swap3A_347, %swap3A_348] {strides = array<i32>} : memref<8x128xi32, #tpu.memory_space<vmem>>, vector<16xi32>,
    tpu.vector_store %arg6[%swap3A_347, %swap3A_348], %shift_right_logical3A_345 {strides = array<i32>} : memref<8x128xi32, #tpu.memory_space<vmem>>, vector<16xi32>,
    %get3A_350 = arith.constant 4 : i32
    %get3A_351 = arith.index_cast %get3A_350 : i32 to index
    %get3A_352 = arith.constant 0 : index
    %get3A_353 = tpu.vector_load %arg5[%get3A_351, %get3A_352] {strides = array<i32>} : memref<8x128xi32, #tpu.memory_space<vmem>>, vector<16xi32>,
    %shift_right_logical3A_354 = arith.constant 3 : i32
    %shift_right_logical3A_355 = vector.broadcast %shift_right_logical3A_354 : i32 to vector<16xi32>
    %shift_right_logical3A_356 = arith.shrui %get3A_353, %shift_right_logical3A_355 : vector<16xi32>
    %swap3A_357 = arith.constant 4 : i32
    %swap3A_358 = arith.index_cast %swap3A_357 : i32 to index
    %swap3A_359 = arith.constant 0 : index
    %swap3A_360 = tpu.vector_load %arg6[%swap3A_358, %swap3A_359] {strides = array<i32>} : memref<8x128xi32, #tpu.memory_space<vmem>>, vector<16xi32>,
    tpu.vector_store %arg6[%swap3A_358, %swap3A_359], %shift_right_logical3A_356 {strides = array<i32>} : memref<8x128xi32, #tpu.memory_space<vmem>>, vector<16xi32>,
    %get3A_361 = arith.constant 4 : i32
    %get3A_362 = arith.index_cast %get3A_361 : i32 to index
    %get3A_363 = arith.constant 16 : index
    %get3A_364 = tpu.vector_load %arg5[%get3A_362, %get3A_363] {strides = array<i32>} : memref<8x128xi32, #tpu.memory_space<vmem>>, vector<16xi32>,
    %shift_right_logical3A_365 = arith.constant 3 : i32
    %shift_right_logical3A_366 = vector.broadcast %shift_right_logical3A_365 : i32 to vector<16xi32>
    %shift_right_logical3A_367 = arith.shrui %get3A_364, %shift_right_logical3A_366 : vector<16xi32>
    %swap3A_368 = arith.constant 4 : i32
    %swap3A_369 = arith.index_cast %swap3A_368 : i32 to index
    %swap3A_370 = arith.constant 16 : index
    %swap3A_371 = tpu.vector_load %arg6[%swap3A_369, %swap3A_370] {strides = array<i32>} : memref<8x128xi32, #tpu.memory_space<vmem>>, vector<16xi32>,
    tpu.vector_store %arg6[%swap3A_369, %swap3A_370], %shift_right_logical3A_367 {strides = array<i32>} : memref<8x128xi32, #tpu.memory_space<vmem>>, vector<16xi32>,
    %get3A_372 = arith.constant 4 : i32
    %get3A_373 = arith.index_cast %get3A_372 : i32 to index
    %get3A_374 = arith.constant 32 : index
    %get3A_375 = tpu.vector_load %arg5[%get3A_373, %get3A_374] {strides = array<i32>} : memref<8x128xi32, #tpu.memory_space<vmem>>, vector<16xi32>,
    %shift_right_logical3A_376 = arith.constant 3 : i32
    %shift_right_logical3A_377 = vector.broadcast %shift_right_logical3A_376 : i32 to vector<16xi32>
    %shift_right_logical3A_378 = arith.shrui %get3A_375, %shift_right_logical3A_377 : vector<16xi32>
    %swap3A_379 = arith.constant 4 : i32
    %swap3A_380 = arith.index_cast %swap3A_379 : i32 to index
    %swap3A_381 = arith.constant 32 : index
    %swap3A_382 = tpu.vector_load %arg6[%swap3A_380, %swap3A_381] {strides = array<i32>} : memref<8x128xi32, #tpu.memory_space<vmem>>, vector<16xi32>,
    tpu.vector_store %arg6[%swap3A_380, %swap3A_381], %shift_right_logical3A_378 {strides = array<i32>} : memref<8x128xi32, #tpu.memory_space<vmem>>, vector<16xi32>,
    %get3A_383 = arith.constant 4 : i32
    %get3A_384 = arith.index_cast %get3A_383 : i32 to index
    %get3A_385 = arith.constant 48 : index
    %get3A_386 = tpu.vector_load %arg5[%get3A_384, %get3A_385] {strides = array<i32>} : memref<8x128xi32, #tpu.memory_space<vmem>>, vector<16xi32>,
    %shift_right_logical3A_387 = arith.constant 3 : i32
    %shift_right_logical3A_388 = vector.broadcast %shift_right_logical3A_387 : i32 to vector<16xi32>
    %shift_right_logical3A_389 = arith.shrui %get3A_386, %shift_right_logical3A_388 : vector<16xi32>
    %swap3A_390 = arith.constant 4 : i32
    %swap3A_391 = arith.index_cast %swap3A_390 : i32 to index
    %swap3A_392 = arith.constant 48 : index
    %swap3A_393 = tpu.vector_load %arg6[%swap3A_391, %swap3A_392] {strides = array<i32>} : memref<8x128xi32, #tpu.memory_space<vmem>>, vector<16xi32>,
    tpu.vector_store %arg6[%swap3A_391, %swap3A_392], %shift_right_logical3A_389 {strides = array<i32>} : memref<8x128xi32, #tpu.memory_space<vmem>>, vector<16xi32>,
    %get3A_394 = arith.constant 4 : i32
    %get3A_395 = arith.index_cast %get3A_394 : i32 to index
    %get3A_396 = arith.constant 64 : index
    %get3A_397 = tpu.vector_load %arg5[%get3A_395, %get3A_396] {strides = array<i32>} : memref<8x128xi32, #tpu.memory_space<vmem>>, vector<16xi32>,
    %shift_right_logical3A_398 = arith.constant 3 : i32
    %shift_right_logical3A_399 = vector.broadcast %shift_right_logical3A_398 : i32 to vector<16xi32>
    %shift_right_logical3A_400 = arith.shrui %get3A_397, %shift_right_logical3A_399 : vector<16xi32>
    %swap3A_401 = arith.constant 4 : i32
    %swap3A_402 = arith.index_cast %swap3A_401 : i32 to index
    %swap3A_403 = arith.constant 64 : index
    %swap3A_404 = tpu.vector_load %arg6[%swap3A_402, %swap3A_403] {strides = array<i32>} : memref<8x128xi32, #tpu.memory_space<vmem>>, vector<16xi32>,
    tpu.vector_store %arg6[%swap3A_402, %swap3A_403], %shift_right_logical3A_400 {strides = array<i32>} : memref<8x128xi32, #tpu.memory_space<vmem>>, vector<16xi32>,
    %get3A_405 = arith.constant 4 : i32
    %get3A_406 = arith.index_cast %get3A_405 : i32 to index
    %get3A_407 = arith.constant 80 : index
    %get3A_408 = tpu.vector_load %arg5[%get3A_406, %get3A_407] {strides = array<i32>} : memref<8x128xi32, #tpu.memory_space<vmem>>, vector<16xi32>,
    %shift_right_logical3A_409 = arith.constant 3 : i32
    %shift_right_logical3A_410 = vector.broadcast %shift_right_logical3A_409 : i32 to vector<16xi32>
    %shift_right_logical3A_411 = arith.shrui %get3A_408, %shift_right_logical3A_410 : vector<16xi32>
    %swap3A_412 = arith.constant 4 : i32
    %swap3A_413 = arith.index_cast %swap3A_412 : i32 to index
    %swap3A_414 = arith.constant 80 : index
    %swap3A_415 = tpu.vector_load %arg6[%swap3A_413, %swap3A_414] {strides = array<i32>} : memref<8x128xi32, #tpu.memory_space<vmem>>, vector<16xi32>,
    tpu.vector_store %arg6[%swap3A_413, %swap3A_414], %shift_right_logical3A_411 {strides = array<i32>} : memref<8x128xi32, #tpu.memory_space<vmem>>, vector<16xi32>,
    %get3A_416 = arith.constant 4 : i32
    %get3A_417 = arith.index_cast %get3A_416 : i32 to index
    %get3A_418 = arith.constant 96 : index
    %get3A_419 = tpu.vector_load %arg5[%get3A_417, %get3A_418] {strides = array<i32>} : memref<8x128xi32, #tpu.memory_space<vmem>>, vector<16xi32>,
    %shift_right_logical3A_420 = arith.constant 3 : i32
    %shift_right_logical3A_421 = vector.broadcast %shift_right_logical3A_420 : i32 to vector<16xi32>
    %shift_right_logical3A_422 = arith.shrui %get3A_419, %shift_right_logical3A_421 : vector<16xi32>
    %swap3A_423 = arith.constant 4 : i32
    %swap3A_424 = arith.index_cast %swap3A_423 : i32 to index
    %swap3A_425 = arith.constant 96 : index
    %swap3A_426 = tpu.vector_load %arg6[%swap3A_424, %swap3A_425] {strides = array<i32>} : memref<8x128xi32, #tpu.memory_space<vmem>>, vector<16xi32>,
    tpu.vector_store %arg6[%swap3A_424, %swap3A_425], %shift_right_logical3A_422 {strides = array<i32>} : memref<8x128xi32, #tpu.memory_space<vmem>>, vector<16xi32>,
    %get3A_427 = arith.constant 4 : i32
    %get3A_428 = arith.index_cast %get3A_427 : i32 to index
    %get3A_429 = arith.constant 112 : index
    %get3A_430 = tpu.vector_load %arg5[%get3A_428, %get3A_429] {strides = array<i32>} : memref<8x128xi32, #tpu.memory_space<vmem>>, vector<16xi32>,
    %shift_right_logical3A_431 = arith.constant 3 : i32
    %shift_right_logical3A_432 = vector.broadcast %shift_right_logical3A_431 : i32 to vector<16xi32>
    %shift_right_logical3A_433 = arith.shrui %get3A_430, %shift_right_logical3A_432 : vector<16xi32>
    %swap3A_434 = arith.constant 4 : i32
    %swap3A_435 = arith.index_cast %swap3A_434 : i32 to index
    %swap3A_436 = arith.constant 112 : index
    %swap3A_437 = tpu.vector_load %arg6[%swap3A_435, %swap3A_436] {strides = array<i32>} : memref<8x128xi32, #tpu.memory_space<vmem>>, vector<16xi32>,
    tpu.vector_store %arg6[%swap3A_435, %swap3A_436], %shift_right_logical3A_433 {strides = array<i32>} : memref<8x128xi32, #tpu.memory_space<vmem>>, vector<16xi32>,
    %get3A_438 = arith.constant 5 : i32
    %get3A_439 = arith.index_cast %get3A_438 : i32 to index
    %get3A_440 = arith.constant 0 : index
    %get3A_441 = tpu.vector_load %arg5[%get3A_439, %get3A_440] {strides = array<i32>} : memref<8x128xi32, #tpu.memory_space<vmem>>, vector<16xi32>,
    %shift_right_logical3A_442 = arith.constant 3 : i32
    %shift_right_logical3A_443 = vector.broadcast %shift_right_logical3A_442 : i32 to vector<16xi32>
    %shift_right_logical3A_444 = arith.shrui %get3A_441, %shift_right_logical3A_443 : vector<16xi32>
    %swap3A_445 = arith.constant 5 : i32
    %swap3A_446 = arith.index_cast %swap3A_445 : i32 to index
    %swap3A_447 = arith.constant 0 : index
    %swap3A_448 = tpu.vector_load %arg6[%swap3A_446, %swap3A_447] {strides = array<i32>} : memref<8x128xi32, #tpu.memory_space<vmem>>, vector<16xi32>,
    tpu.vector_store %arg6[%swap3A_446, %swap3A_447], %shift_right_logical3A_444 {strides = array<i32>} : memref<8x128xi32, #tpu.memory_space<vmem>>, vector<16xi32>,
    %get3A_449 = arith.constant 5 : i32
    %get3A_450 = arith.index_cast %get3A_449 : i32 to index
    %get3A_451 = arith.constant 16 : index
    %get3A_452 = tpu.vector_load %arg5[%get3A_450, %get3A_451] {strides = array<i32>} : memref<8x128xi32, #tpu.memory_space<vmem>>, vector<16xi32>,
    %shift_right_logical3A_453 = arith.constant 3 : i32
    %shift_right_logical3A_454 = vector.broadcast %shift_right_logical3A_453 : i32 to vector<16xi32>
    %shift_right_logical3A_455 = arith.shrui %get3A_452, %shift_right_logical3A_454 : vector<16xi32>
    %swap3A_456 = arith.constant 5 : i32
    %swap3A_457 = arith.index_cast %swap3A_456 : i32 to index
    %swap3A_458 = arith.constant 16 : index
    %swap3A_459 = tpu.vector_load %arg6[%swap3A_457, %swap3A_458] {strides = array<i32>} : memref<8x128xi32, #tpu.memory_space<vmem>>, vector<16xi32>,
    tpu.vector_store %arg6[%swap3A_457, %swap3A_458], %shift_right_logical3A_455 {strides = array<i32>} : memref<8x128xi32, #tpu.memory_space<vmem>>, vector<16xi32>,
    %get3A_460 = arith.constant 5 : i32
    %get3A_461 = arith.index_cast %get3A_460 : i32 to index
    %get3A_462 = arith.constant 32 : index
    %get3A_463 = tpu.vector_load %arg5[%get3A_461, %get3A_462] {strides = array<i32>} : memref<8x128xi32, #tpu.memory_space<vmem>>, vector<16xi32>,
    %shift_right_logical3A_464 = arith.constant 3 : i32
    %shift_right_logical3A_465 = vector.broadcast %shift_right_logical3A_464 : i32 to vector<16xi32>
    %shift_right_logical3A_466 = arith.shrui %get3A_463, %shift_right_logical3A_465 : vector<16xi32>
    %swap3A_467 = arith.constant 5 : i32
    %swap3A_468 = arith.index_cast %swap3A_467 : i32 to index
    %swap3A_469 = arith.constant 32 : index
    %swap3A_470 = tpu.vector_load %arg6[%swap3A_468, %swap3A_469] {strides = array<i32>} : memref<8x128xi32, #tpu.memory_space<vmem>>, vector<16xi32>,
    tpu.vector_store %arg6[%swap3A_468, %swap3A_469], %shift_right_logical3A_466 {strides = array<i32>} : memref<8x128xi32, #tpu.memory_space<vmem>>, vector<16xi32>,
    %get3A_471 = arith.constant 5 : i32
    %get3A_472 = arith.index_cast %get3A_471 : i32 to index
    %get3A_473 = arith.constant 48 : index
    %get3A_474 = tpu.vector_load %arg5[%get3A_472, %get3A_473] {strides = array<i32>} : memref<8x128xi32, #tpu.memory_space<vmem>>, vector<16xi32>,
    %shift_right_logical3A_475 = arith.constant 3 : i32
    %shift_right_logical3A_476 = vector.broadcast %shift_right_logical3A_475 : i32 to vector<16xi32>
    %shift_right_logical3A_477 = arith.shrui %get3A_474, %shift_right_logical3A_476 : vector<16xi32>
    %swap3A_478 = arith.constant 5 : i32
    %swap3A_479 = arith.index_cast %swap3A_478 : i32 to index
    %swap3A_480 = arith.constant 48 : index
    %swap3A_481 = tpu.vector_load %arg6[%swap3A_479, %swap3A_480] {strides = array<i32>} : memref<8x128xi32, #tpu.memory_space<vmem>>, vector<16xi32>,
    tpu.vector_store %arg6[%swap3A_479, %swap3A_480], %shift_right_logical3A_477 {strides = array<i32>} : memref<8x128xi32, #tpu.memory_space<vmem>>, vector<16xi32>,
    %get3A_482 = arith.constant 5 : i32
    %get3A_483 = arith.index_cast %get3A_482 : i32 to index
    %get3A_484 = arith.constant 64 : index
    %get3A_485 = tpu.vector_load %arg5[%get3A_483, %get3A_484] {strides = array<i32>} : memref<8x128xi32, #tpu.memory_space<vmem>>, vector<16xi32>,
    %shift_right_logical3A_486 = arith.constant 3 : i32
    %shift_right_logical3A_487 = vector.broadcast %shift_right_logical3A_486 : i32 to vector<16xi32>
    %shift_right_logical3A_488 = arith.shrui %get3A_485, %shift_right_logical3A_487 : vector<16xi32>
    %swap3A_489 = arith.constant 5 : i32
    %swap3A_490 = arith.index_cast %swap3A_489 : i32 to index
    %swap3A_491 = arith.constant 64 : index
    %swap3A_492 = tpu.vector_load %arg6[%swap3A_490, %swap3A_491] {strides = array<i32>} : memref<8x128xi32, #tpu.memory_space<vmem>>, vector<16xi32>,
    tpu.vector_store %arg6[%swap3A_490, %swap3A_491], %shift_right_logical3A_488 {strides = array<i32>} : memref<8x128xi32, #tpu.memory_space<vmem>>, vector<16xi32>,
    %get3A_493 = arith.constant 5 : i32
    %get3A_494 = arith.index_cast %get3A_493 : i32 to index
    %get3A_495 = arith.constant 80 : index
    %get3A_496 = tpu.vector_load %arg5[%get3A_494, %get3A_495] {strides = array<i32>} : memref<8x128xi32, #tpu.memory_space<vmem>>, vector<16xi32>,
    %shift_right_logical3A_497 = arith.constant 3 : i32
    %shift_right_logical3A_498 = vector.broadcast %shift_right_logical3A_497 : i32 to vector<16xi32>
    %shift_right_logical3A_499 = arith.shrui %get3A_496, %shift_right_logical3A_498 : vector<16xi32>
    %swap3A_500 = arith.constant 5 : i32
    %swap3A_501 = arith.index_cast %swap3A_500 : i32 to index
    %swap3A_502 = arith.constant 80 : index
    %swap3A_503 = tpu.vector_load %arg6[%swap3A_501, %swap3A_502] {strides = array<i32>} : memref<8x128xi32, #tpu.memory_space<vmem>>, vector<16xi32>,
    tpu.vector_store %arg6[%swap3A_501, %swap3A_502], %shift_right_logical3A_499 {strides = array<i32>} : memref<8x128xi32, #tpu.memory_space<vmem>>, vector<16xi32>,
    %get3A_504 = arith.constant 5 : i32
    %get3A_505 = arith.index_cast %get3A_504 : i32 to index
    %get3A_506 = arith.constant 96 : index
    %get3A_507 = tpu.vector_load %arg5[%get3A_505, %get3A_506] {strides = array<i32>} : memref<8x128xi32, #tpu.memory_space<vmem>>, vector<16xi32>,
    %shift_right_logical3A_508 = arith.constant 3 : i32
    %shift_right_logical3A_509 = vector.broadcast %shift_right_logical3A_508 : i32 to vector<16xi32>
    %shift_right_logical3A_510 = arith.shrui %get3A_507, %shift_right_logical3A_509 : vector<16xi32>
    %swap3A_511 = arith.constant 5 : i32
    %swap3A_512 = arith.index_cast %swap3A_511 : i32 to index
    %swap3A_513 = arith.constant 96 : index
    %swap3A_514 = tpu.vector_load %arg6[%swap3A_512, %swap3A_513] {strides = array<i32>} : memref<8x128xi32, #tpu.memory_space<vmem>>, vector<16xi32>,
    tpu.vector_store %arg6[%swap3A_512, %swap3A_513], %shift_right_logical3A_510 {strides = array<i32>} : memref<8x128xi32, #tpu.memory_space<vmem>>, vector<16xi32>,
    %get3A_515 = arith.constant 5 : i32
    %get3A_516 = arith.index_cast %get3A_515 : i32 to index
    %get3A_517 = arith.constant 112 : index
    %get3A_518 = tpu.vector_load %arg5[%get3A_516, %get3A_517] {strides = array<i32>} : memref<8x128xi32, #tpu.memory_space<vmem>>, vector<16xi32>,
    %shift_right_logical3A_519 = arith.constant 3 : i32
    %shift_right_logical3A_520 = vector.broadcast %shift_right_logical3A_519 : i32 to vector<16xi32>
    %shift_right_logical3A_521 = arith.shrui %get3A_518, %shift_right_logical3A_520 : vector<16xi32>
    %swap3A_522 = arith.constant 5 : i32
    %swap3A_523 = arith.index_cast %swap3A_522 : i32 to index
    %swap3A_524 = arith.constant 112 : index
    %swap3A_525 = tpu.vector_load %arg6[%swap3A_523, %swap3A_524] {strides = array<i32>} : memref<8x128xi32, #tpu.memory_space<vmem>>, vector<16xi32>,
    tpu.vector_store %arg6[%swap3A_523, %swap3A_524], %shift_right_logical3A_521 {strides = array<i32>} : memref<8x128xi32, #tpu.memory_space<vmem>>, vector<16xi32>,
    %get3A_526 = arith.constant 6 : i32
    %get3A_527 = arith.index_cast %get3A_526 : i32 to index
    %get3A_528 = arith.constant 0 : index
    %get3A_529 = tpu.vector_load %arg5[%get3A_527, %get3A_528] {strides = array<i32>} : memref<8x128xi32, #tpu.memory_space<vmem>>, vector<16xi32>,
    %shift_right_logical3A_530 = arith.constant 3 : i32
    %shift_right_logical3A_531 = vector.broadcast %shift_right_logical3A_530 : i32 to vector<16xi32>
    %shift_right_logical3A_532 = arith.shrui %get3A_529, %shift_right_logical3A_531 : vector<16xi32>
    %swap3A_533 = arith.constant 6 : i32
    %swap3A_534 = arith.index_cast %swap3A_533 : i32 to index
    %swap3A_535 = arith.constant 0 : index
    %swap3A_536 = tpu.vector_load %arg6[%swap3A_534, %swap3A_535] {strides = array<i32>} : memref<8x128xi32, #tpu.memory_space<vmem>>, vector<16xi32>,
    tpu.vector_store %arg6[%swap3A_534, %swap3A_535], %shift_right_logical3A_532 {strides = array<i32>} : memref<8x128xi32, #tpu.memory_space<vmem>>, vector<16xi32>,
    %get3A_537 = arith.constant 6 : i32
    %get3A_538 = arith.index_cast %get3A_537 : i32 to index
    %get3A_539 = arith.constant 16 : index
    %get3A_540 = tpu.vector_load %arg5[%get3A_538, %get3A_539] {strides = array<i32>} : memref<8x128xi32, #tpu.memory_space<vmem>>, vector<16xi32>,
    %shift_right_logical3A_541 = arith.constant 3 : i32
    %shift_right_logical3A_542 = vector.broadcast %shift_right_logical3A_541 : i32 to vector<16xi32>
    %shift_right_logical3A_543 = arith.shrui %get3A_540, %shift_right_logical3A_542 : vector<16xi32>
    %swap3A_544 = arith.constant 6 : i32
    %swap3A_545 = arith.index_cast %swap3A_544 : i32 to index
    %swap3A_546 = arith.constant 16 : index
    %swap3A_547 = tpu.vector_load %arg6[%swap3A_545, %swap3A_546] {strides = array<i32>} : memref<8x128xi32, #tpu.memory_space<vmem>>, vector<16xi32>,
    tpu.vector_store %arg6[%swap3A_545, %swap3A_546], %shift_right_logical3A_543 {strides = array<i32>} : memref<8x128xi32, #tpu.memory_space<vmem>>, vector<16xi32>,
    %get3A_548 = arith.constant 6 : i32
    %get3A_549 = arith.index_cast %get3A_548 : i32 to index
    %get3A_550 = arith.constant 32 : index
    %get3A_551 = tpu.vector_load %arg5[%get3A_549, %get3A_550] {strides = array<i32>} : memref<8x128xi32, #tpu.memory_space<vmem>>, vector<16xi32>,
    %shift_right_logical3A_552 = arith.constant 3 : i32
    %shift_right_logical3A_553 = vector.broadcast %shift_right_logical3A_552 : i32 to vector<16xi32>
    %shift_right_logical3A_554 = arith.shrui %get3A_551, %shift_right_logical3A_553 : vector<16xi32>
    %swap3A_555 = arith.constant 6 : i32
    %swap3A_556 = arith.index_cast %swap3A_555 : i32 to index
    %swap3A_557 = arith.constant 32 : index
    %swap3A_558 = tpu.vector_load %arg6[%swap3A_556, %swap3A_557] {strides = array<i32>} : memref<8x128xi32, #tpu.memory_space<vmem>>, vector<16xi32>,
    tpu.vector_store %arg6[%swap3A_556, %swap3A_557], %shift_right_logical3A_554 {strides = array<i32>} : memref<8x128xi32, #tpu.memory_space<vmem>>, vector<16xi32>,
    %get3A_559 = arith.constant 6 : i32
    %get3A_560 = arith.index_cast %get3A_559 : i32 to index
    %get3A_561 = arith.constant 48 : index
    %get3A_562 = tpu.vector_load %arg5[%get3A_560, %get3A_561] {strides = array<i32>} : memref<8x128xi32, #tpu.memory_space<vmem>>, vector<16xi32>,
    %shift_right_logical3A_563 = arith.constant 3 : i32
    %shift_right_logical3A_564 = vector.broadcast %shift_right_logical3A_563 : i32 to vector<16xi32>
    %shift_right_logical3A_565 = arith.shrui %get3A_562, %shift_right_logical3A_564 : vector<16xi32>
    %swap3A_566 = arith.constant 6 : i32
    %swap3A_567 = arith.index_cast %swap3A_566 : i32 to index
    %swap3A_568 = arith.constant 48 : index
    %swap3A_569 = tpu.vector_load %arg6[%swap3A_567, %swap3A_568] {strides = array<i32>} : memref<8x128xi32, #tpu.memory_space<vmem>>, vector<16xi32>,
    tpu.vector_store %arg6[%swap3A_567, %swap3A_568], %shift_right_logical3A_565 {strides = array<i32>} : memref<8x128xi32, #tpu.memory_space<vmem>>, vector<16xi32>,
    %get3A_570 = arith.constant 6 : i32
    %get3A_571 = arith.index_cast %get3A_570 : i32 to index
    %get3A_572 = arith.constant 64 : index
    %get3A_573 = tpu.vector_load %arg5[%get3A_571, %get3A_572] {strides = array<i32>} : memref<8x128xi32, #tpu.memory_space<vmem>>, vector<16xi32>,
    %shift_right_logical3A_574 = arith.constant 3 : i32
    %shift_right_logical3A_575 = vector.broadcast %shift_right_logical3A_574 : i32 to vector<16xi32>
    %shift_right_logical3A_576 = arith.shrui %get3A_573, %shift_right_logical3A_575 : vector<16xi32>
    %swap3A_577 = arith.constant 6 : i32
    %swap3A_578 = arith.index_cast %swap3A_577 : i32 to index
    %swap3A_579 = arith.constant 64 : index
    %swap3A_580 = tpu.vector_load %arg6[%swap3A_578, %swap3A_579] {strides = array<i32>} : memref<8x128xi32, #tpu.memory_space<vmem>>, vector<16xi32>,
    tpu.vector_store %arg6[%swap3A_578, %swap3A_579], %shift_right_logical3A_576 {strides = array<i32>} : memref<8x128xi32, #tpu.memory_space<vmem>>, vector<16xi32>,
    %get3A_581 = arith.constant 6 : i32
    %get3A_582 = arith.index_cast %get3A_581 : i32 to index
    %get3A_583 = arith.constant 80 : index
    %get3A_584 = tpu.vector_load %arg5[%get3A_582, %get3A_583] {strides = array<i32>} : memref<8x128xi32, #tpu.memory_space<vmem>>, vector<16xi32>,
    %shift_right_logical3A_585 = arith.constant 3 : i32
    %shift_right_logical3A_586 = vector.broadcast %shift_right_logical3A_585 : i32 to vector<16xi32>
    %shift_right_logical3A_587 = arith.shrui %get3A_584, %shift_right_logical3A_586 : vector<16xi32>
    %swap3A_588 = arith.constant 6 : i32
    %swap3A_589 = arith.index_cast %swap3A_588 : i32 to index
    %swap3A_590 = arith.constant 80 : index
    %swap3A_591 = tpu.vector_load %arg6[%swap3A_589, %swap3A_590] {strides = array<i32>} : memref<8x128xi32, #tpu.memory_space<vmem>>, vector<16xi32>,
    tpu.vector_store %arg6[%swap3A_589, %swap3A_590], %shift_right_logical3A_587 {strides = array<i32>} : memref<8x128xi32, #tpu.memory_space<vmem>>, vector<16xi32>,
    %get3A_592 = arith.constant 6 : i32
    %get3A_593 = arith.index_cast %get3A_592 : i32 to index
    %get3A_594 = arith.constant 96 : index
    %get3A_595 = tpu.vector_load %arg5[%get3A_593, %get3A_594] {strides = array<i32>} : memref<8x128xi32, #tpu.memory_space<vmem>>, vector<16xi32>,
    %shift_right_logical3A_596 = arith.constant 3 : i32
    %shift_right_logical3A_597 = vector.broadcast %shift_right_logical3A_596 : i32 to vector<16xi32>
    %shift_right_logical3A_598 = arith.shrui %get3A_595, %shift_right_logical3A_597 : vector<16xi32>
    %swap3A_599 = arith.constant 6 : i32
    %swap3A_600 = arith.index_cast %swap3A_599 : i32 to index
    %swap3A_601 = arith.constant 96 : index
    %swap3A_602 = tpu.vector_load %arg6[%swap3A_600, %swap3A_601] {strides = array<i32>} : memref<8x128xi32, #tpu.memory_space<vmem>>, vector<16xi32>,
    tpu.vector_store %arg6[%swap3A_600, %swap3A_601], %shift_right_logical3A_598 {strides = array<i32>} : memref<8x128xi32, #tpu.memory_space<vmem>>, vector<16xi32>,
    %get3A_603 = arith.constant 6 : i32
    %get3A_604 = arith.index_cast %get3A_603 : i32 to index
    %get3A_605 = arith.constant 112 : index
    %get3A_606 = tpu.vector_load %arg5[%get3A_604, %get3A_605] {strides = array<i32>} : memref<8x128xi32, #tpu.memory_space<vmem>>, vector<16xi32>,
    %shift_right_logical3A_607 = arith.constant 3 : i32
    %shift_right_logical3A_608 = vector.broadcast %shift_right_logical3A_607 : i32 to vector<16xi32>
    %shift_right_logical3A_609 = arith.shrui %get3A_606, %shift_right_logical3A_608 : vector<16xi32>
    %swap3A_610 = arith.constant 6 : i32
    %swap3A_611 = arith.index_cast %swap3A_610 : i32 to index
    %swap3A_612 = arith.constant 112 : index
    %swap3A_613 = tpu.vector_load %arg6[%swap3A_611, %swap3A_612] {strides = array<i32>} : memref<8x128xi32, #tpu.memory_space<vmem>>, vector<16xi32>,
    tpu.vector_store %arg6[%swap3A_611, %swap3A_612], %shift_right_logical3A_609 {strides = array<i32>} : memref<8x128xi32, #tpu.memory_space<vmem>>, vector<16xi32>,
    %get3A_614 = arith.constant 7 : i32
    %get3A_615 = arith.index_cast %get3A_614 : i32 to index
    %get3A_616 = arith.constant 0 : index
    %get3A_617 = tpu.vector_load %arg5[%get3A_615, %get3A_616] {strides = array<i32>} : memref<8x128xi32, #tpu.memory_space<vmem>>, vector<16xi32>,
    %shift_right_logical3A_618 = arith.constant 3 : i32
    %shift_right_logical3A_619 = vector.broadcast %shift_right_logical3A_618 : i32 to vector<16xi32>
    %shift_right_logical3A_620 = arith.shrui %get3A_617, %shift_right_logical3A_619 : vector<16xi32>
    %swap3A_621 = arith.constant 7 : i32
    %swap3A_622 = arith.index_cast %swap3A_621 : i32 to index
    %swap3A_623 = arith.constant 0 : index
    %swap3A_624 = tpu.vector_load %arg6[%swap3A_622, %swap3A_623] {strides = array<i32>} : memref<8x128xi32, #tpu.memory_space<vmem>>, vector<16xi32>,
    tpu.vector_store %arg6[%swap3A_622, %swap3A_623], %shift_right_logical3A_620 {strides = array<i32>} : memref<8x128xi32, #tpu.memory_space<vmem>>, vector<16xi32>,
    %get3A_625 = arith.constant 7 : i32
    %get3A_626 = arith.index_cast %get3A_625 : i32 to index
    %get3A_627 = arith.constant 16 : index
    %get3A_628 = tpu.vector_load %arg5[%get3A_626, %get3A_627] {strides = array<i32>} : memref<8x128xi32, #tpu.memory_space<vmem>>, vector<16xi32>,
    %shift_right_logical3A_629 = arith.constant 3 : i32
    %shift_right_logical3A_630 = vector.broadcast %shift_right_logical3A_629 : i32 to vector<16xi32>
    %shift_right_logical3A_631 = arith.shrui %get3A_628, %shift_right_logical3A_630 : vector<16xi32>
    %swap3A_632 = arith.constant 7 : i32
    %swap3A_633 = arith.index_cast %swap3A_632 : i32 to index
    %swap3A_634 = arith.constant 16 : index
    %swap3A_635 = tpu.vector_load %arg6[%swap3A_633, %swap3A_634] {strides = array<i32>} : memref<8x128xi32, #tpu.memory_space<vmem>>, vector<16xi32>,
    tpu.vector_store %arg6[%swap3A_633, %swap3A_634], %shift_right_logical3A_631 {strides = array<i32>} : memref<8x128xi32, #tpu.memory_space<vmem>>, vector<16xi32>,
    %get3A_636 = arith.constant 7 : i32
    %get3A_637 = arith.index_cast %get3A_636 : i32 to index
    %get3A_638 = arith.constant 32 : index
    %get3A_639 = tpu.vector_load %arg5[%get3A_637, %get3A_638] {strides = array<i32>} : memref<8x128xi32, #tpu.memory_space<vmem>>, vector<16xi32>,
    %shift_right_logical3A_640 = arith.constant 3 : i32
    %shift_right_logical3A_641 = vector.broadcast %shift_right_logical3A_640 : i32 to vector<16xi32>
    %shift_right_logical3A_642 = arith.shrui %get3A_639, %shift_right_logical3A_641 : vector<16xi32>
    %swap3A_643 = arith.constant 7 : i32
    %swap3A_644 = arith.index_cast %swap3A_643 : i32 to index
    %swap3A_645 = arith.constant 32 : index
    %swap3A_646 = tpu.vector_load %arg6[%swap3A_644, %swap3A_645] {strides = array<i32>} : memref<8x128xi32, #tpu.memory_space<vmem>>, vector<16xi32>,
    tpu.vector_store %arg6[%swap3A_644, %swap3A_645], %shift_right_logical3A_642 {strides = array<i32>} : memref<8x128xi32, #tpu.memory_space<vmem>>, vector<16xi32>,
    %get3A_647 = arith.constant 7 : i32
    %get3A_648 = arith.index_cast %get3A_647 : i32 to index
    %get3A_649 = arith.constant 48 : index
    %get3A_650 = tpu.vector_load %arg5[%get3A_648, %get3A_649] {strides = array<i32>} : memref<8x128xi32, #tpu.memory_space<vmem>>, vector<16xi32>,
    %shift_right_logical3A_651 = arith.constant 3 : i32
    %shift_right_logical3A_652 = vector.broadcast %shift_right_logical3A_651 : i32 to vector<16xi32>
    %shift_right_logical3A_653 = arith.shrui %get3A_650, %shift_right_logical3A_652 : vector<16xi32>
    %swap3A_654 = arith.constant 7 : i32
    %swap3A_655 = arith.index_cast %swap3A_654 : i32 to index
    %swap3A_656 = arith.constant 48 : index
    %swap3A_657 = tpu.vector_load %arg6[%swap3A_655, %swap3A_656] {strides = array<i32>} : memref<8x128xi32, #tpu.memory_space<vmem>>, vector<16xi32>,
    tpu.vector_store %arg6[%swap3A_655, %swap3A_656], %shift_right_logical3A_653 {strides = array<i32>} : memref<8x128xi32, #tpu.memory_space<vmem>>, vector<16xi32>,
    %get3A_658 = arith.constant 7 : i32
    %get3A_659 = arith.index_cast %get3A_658 : i32 to index
    %get3A_660 = arith.constant 64 : index
    %get3A_661 = tpu.vector_load %arg5[%get3A_659, %get3A_660] {strides = array<i32>} : memref<8x128xi32, #tpu.memory_space<vmem>>, vector<16xi32>,
    %shift_right_logical3A_662 = arith.constant 3 : i32
    %shift_right_logical3A_663 = vector.broadcast %shift_right_logical3A_662 : i32 to vector<16xi32>
    %shift_right_logical3A_664 = arith.shrui %get3A_661, %shift_right_logical3A_663 : vector<16xi32>
    %swap3A_665 = arith.constant 7 : i32
    %swap3A_666 = arith.index_cast %swap3A_665 : i32 to index
    %swap3A_667 = arith.constant 64 : index
    %swap3A_668 = tpu.vector_load %arg6[%swap3A_666, %swap3A_667] {strides = array<i32>} : memref<8x128xi32, #tpu.memory_space<vmem>>, vector<16xi32>,
    tpu.vector_store %arg6[%swap3A_666, %swap3A_667], %shift_right_logical3A_664 {strides = array<i32>} : memref<8x128xi32, #tpu.memory_space<vmem>>, vector<16xi32>,
    %get3A_669 = arith.constant 7 : i32
    %get3A_670 = arith.index_cast %get3A_669 : i32 to index
    %get3A_671 = arith.constant 80 : index
    %get3A_672 = tpu.vector_load %arg5[%get3A_670, %get3A_671] {strides = array<i32>} : memref<8x128xi32, #tpu.memory_space<vmem>>, vector<16xi32>,
    %shift_right_logical3A_673 = arith.constant 3 : i32
    %shift_right_logical3A_674 = vector.broadcast %shift_right_logical3A_673 : i32 to vector<16xi32>
    %shift_right_logical3A_675 = arith.shrui %get3A_672, %shift_right_logical3A_674 : vector<16xi32>
    %swap3A_676 = arith.constant 7 : i32
    %swap3A_677 = arith.index_cast %swap3A_676 : i32 to index
    %swap3A_678 = arith.constant 80 : index
    %swap3A_679 = tpu.vector_load %arg6[%swap3A_677, %swap3A_678] {strides = array<i32>} : memref<8x128xi32, #tpu.memory_space<vmem>>, vector<16xi32>,
    tpu.vector_store %arg6[%swap3A_677, %swap3A_678], %shift_right_logical3A_675 {strides = array<i32>} : memref<8x128xi32, #tpu.memory_space<vmem>>, vector<16xi32>,
    %get3A_680 = arith.constant 7 : i32
    %get3A_681 = arith.index_cast %get3A_680 : i32 to index
    %get3A_682 = arith.constant 96 : index
    %get3A_683 = tpu.vector_load %arg5[%get3A_681, %get3A_682] {strides = array<i32>} : memref<8x128xi32, #tpu.memory_space<vmem>>, vector<16xi32>,
    %shift_right_logical3A_684 = arith.constant 3 : i32
    %shift_right_logical3A_685 = vector.broadcast %shift_right_logical3A_684 : i32 to vector<16xi32>
    %shift_right_logical3A_686 = arith.shrui %get3A_683, %shift_right_logical3A_685 : vector<16xi32>
    %swap3A_687 = arith.constant 7 : i32
    %swap3A_688 = arith.index_cast %swap3A_687 : i32 to index
    %swap3A_689 = arith.constant 96 : index
    %swap3A_690 = tpu.vector_load %arg6[%swap3A_688, %swap3A_689] {strides = array<i32>} : memref<8x128xi32, #tpu.memory_space<vmem>>, vector<16xi32>,
    tpu.vector_store %arg6[%swap3A_688, %swap3A_689], %shift_right_logical3A_686 {strides = array<i32>} : memref<8x128xi32, #tpu.memory_space<vmem>>, vector<16xi32>,
    %get3A_691 = arith.constant 7 : i32
    %get3A_692 = arith.index_cast %get3A_691 : i32 to index
    %get3A_693 = arith.constant 112 : index
    %get3A_694 = tpu.vector_load %arg5[%get3A_692, %get3A_693] {strides = array<i32>} : memref<8x128xi32, #tpu.memory_space<vmem>>, vector<16xi32>,
    %shift_right_logical3A_695 = arith.constant 3 : i32
    %shift_right_logical3A_696 = vector.broadcast %shift_right_logical3A_695 : i32 to vector<16xi32>
    %shift_right_logical3A_697 = arith.shrui %get3A_694, %shift_right_logical3A_696 : vector<16xi32>
    %swap3A_698 = arith.constant 7 : i32
    %swap3A_699 = arith.index_cast %swap3A_698 : i32 to index
    %swap3A_700 = arith.constant 112 : index
    %swap3A_701 = tpu.vector_load %arg6[%swap3A_699, %swap3A_700] {strides = array<i32>} : memref<8x128xi32, #tpu.memory_space<vmem>>, vector<16xi32>,
    tpu.vector_store %arg6[%swap3A_699, %swap3A_700], %shift_right_logical3A_697 {strides = array<i32>} : memref<8x128xi32, #tpu.memory_space<vmem>>, vector<16xi32>,
    %dma_start3A = arith.constant 0 : i32
    %dma_start3A_702 = arith.constant 0 : i32
    %dma_start3A_703 = arith.constant 0 : i32
    %dma_start3A_704 = tpu.memref_slice %arg7[%dma_start3A_702, %dma_start3A_703] : memref<512x128xf32, #tpu.memory_space<vmem>> -> memref<128x128xf32, #tpu.memory_space<vmem>>
    %dma_start3A_705 = arith.constant 0 : i32
    %dma_start3A_706 = tpu.memref_slice %arg6[%dma_start3A, %dma_start3A_705] : memref<8x128xi32, #tpu.memory_space<vmem>> -> memref<1x128xi32, #tpu.memory_space<vmem>>
    %dma_start3A_707 = tpu.memref_squeeze %dma_start3A_706 : memref<1x128xi32, #tpu.memory_space<vmem>> -> memref<128xi32, #tpu.memory_space<vmem>>
    %dma_start3A_708 = arith.constant 0 : i32
    %dma_start3A_709 = arith.constant 0 : i32
    %dma_start3A_710 = tpu.memref_slice %arg2[%dma_start3A_708, %dma_start3A_709] : memref<125000x128xf32, #tpu.memory_space<hbm>> -> memref<125000x128xf32, #tpu.memory_space<hbm>>
    tpu.enqueue_indirect_dma source(%dma_start3A_710 : memref<125000x128xf32, #tpu.memory_space<hbm>>) target(%dma_start3A_704 : memref<128x128xf32, #tpu.memory_space<vmem>>) offsets(%dma_start3A_707 : memref<128xi32, #tpu.memory_space<vmem>>) semaphore(%arg9 : memref<!tpu.dma_semaphore, #tpu.memory_space<semaphore_mem>>)
    %dma_start3A_711 = arith.constant 1 : i32
    %dma_start3A_712 = arith.constant 128 : i32
    %dma_start3A_713 = arith.constant 0 : i32
    %dma_start3A_714 = tpu.memref_slice %arg7[%dma_start3A_712, %dma_start3A_713] : memref<512x128xf32, #tpu.memory_space<vmem>> -> memref<128x128xf32, #tpu.memory_space<vmem>>
    %dma_start3A_715 = arith.constant 0 : i32
    %dma_start3A_716 = tpu.memref_slice %arg6[%dma_start3A_711, %dma_start3A_715] : memref<8x128xi32, #tpu.memory_space<vmem>> -> memref<1x128xi32, #tpu.memory_space<vmem>>
    %dma_start3A_717 = tpu.memref_squeeze %dma_start3A_716 : memref<1x128xi32, #tpu.memory_space<vmem>> -> memref<128xi32, #tpu.memory_space<vmem>>
    %dma_start3A_718 = arith.constant 0 : i32
    %dma_start3A_719 = arith.constant 0 : i32
    %dma_start3A_720 = tpu.memref_slice %arg2[%dma_start3A_718, %dma_start3A_719] : memref<125000x128xf32, #tpu.memory_space<hbm>> -> memref<125000x128xf32, #tpu.memory_space<hbm>>
    tpu.enqueue_indirect_dma source(%dma_start3A_720 : memref<125000x128xf32, #tpu.memory_space<hbm>>) target(%dma_start3A_714 : memref<128x128xf32, #tpu.memory_space<vmem>>) offsets(%dma_start3A_717 : memref<128xi32, #tpu.memory_space<vmem>>) semaphore(%arg9 : memref<!tpu.dma_semaphore, #tpu.memory_space<semaphore_mem>>)
    %dma_start3A_721 = arith.constant 2 : i32
    %dma_start3A_722 = arith.constant 256 : i32
    %dma_start3A_723 = arith.constant 0 : i32
    %dma_start3A_724 = tpu.memref_slice %arg7[%dma_start3A_722, %dma_start3A_723] : memref<512x128xf32, #tpu.memory_space<vmem>> -> memref<128x128xf32, #tpu.memory_space<vmem>>
    %dma_start3A_725 = arith.constant 0 : i32
    %dma_start3A_726 = tpu.memref_slice %arg6[%dma_start3A_721, %dma_start3A_725] : memref<8x128xi32, #tpu.memory_space<vmem>> -> memref<1x128xi32, #tpu.memory_space<vmem>>
    %dma_start3A_727 = tpu.memref_squeeze %dma_start3A_726 : memref<1x128xi32, #tpu.memory_space<vmem>> -> memref<128xi32, #tpu.memory_space<vmem>>
    %dma_start3A_728 = arith.constant 0 : i32
    %dma_start3A_729 = arith.constant 0 : i32
    %dma_start3A_730 = tpu.memref_slice %arg2[%dma_start3A_728, %dma_start3A_729] : memref<125000x128xf32, #tpu.memory_space<hbm>> -> memref<125000x128xf32, #tpu.memory_space<hbm>>
    tpu.enqueue_indirect_dma source(%dma_start3A_730 : memref<125000x128xf32, #tpu.memory_space<hbm>>) target(%dma_start3A_724 : memref<128x128xf32, #tpu.memory_space<vmem>>) offsets(%dma_start3A_727 : memref<128xi32, #tpu.memory_space<vmem>>) semaphore(%arg9 : memref<!tpu.dma_semaphore, #tpu.memory_space<semaphore_mem>>)
    %dma_start3A_731 = arith.constant 3 : i32
    %dma_start3A_732 = arith.constant 384 : i32
    %dma_start3A_733 = arith.constant 0 : i32
    %dma_start3A_734 = tpu.memref_slice %arg7[%dma_start3A_732, %dma_start3A_733] : memref<512x128xf32, #tpu.memory_space<vmem>> -> memref<128x128xf32, #tpu.memory_space<vmem>>
    %dma_start3A_735 = arith.constant 0 : i32
    %dma_start3A_736 = tpu.memref_slice %arg6[%dma_start3A_731, %dma_start3A_735] : memref<8x128xi32, #tpu.memory_space<vmem>> -> memref<1x128xi32, #tpu.memory_space<vmem>>
    %dma_start3A_737 = tpu.memref_squeeze %dma_start3A_736 : memref<1x128xi32, #tpu.memory_space<vmem>> -> memref<128xi32, #tpu.memory_space<vmem>>
    %dma_start3A_738 = arith.constant 0 : i32
    %dma_start3A_739 = arith.constant 0 : i32
    %dma_start3A_740 = tpu.memref_slice %arg2[%dma_start3A_738, %dma_start3A_739] : memref<125000x128xf32, #tpu.memory_space<hbm>> -> memref<125000x128xf32, #tpu.memory_space<hbm>>
    tpu.enqueue_indirect_dma source(%dma_start3A_740 : memref<125000x128xf32, #tpu.memory_space<hbm>>) target(%dma_start3A_734 : memref<128x128xf32, #tpu.memory_space<vmem>>) offsets(%dma_start3A_737 : memref<128xi32, #tpu.memory_space<vmem>>) semaphore(%arg9 : memref<!tpu.dma_semaphore, #tpu.memory_space<semaphore_mem>>)
    %dma_wait3A = arith.constant 0 : i32
    %dma_wait3A_741 = arith.constant 0 : i32
    %dma_wait3A_742 = arith.constant 0 : i32
    %dma_wait3A_743 = tpu.memref_slice %arg7[%dma_wait3A_741, %dma_wait3A_742] : memref<512x128xf32, #tpu.memory_space<vmem>> -> memref<128x128xf32, #tpu.memory_space<vmem>>
    %dma_wait3A_744 = arith.constant 0 : i32
    %dma_wait3A_745 = tpu.memref_slice %arg6[%dma_wait3A, %dma_wait3A_744] : memref<8x128xi32, #tpu.memory_space<vmem>> -> memref<1x128xi32, #tpu.memory_space<vmem>>
    %dma_wait3A_746 = tpu.memref_squeeze %dma_wait3A_745 : memref<1x128xi32, #tpu.memory_space<vmem>> -> memref<128xi32, #tpu.memory_space<vmem>>
    %dma_wait3A_747 = arith.constant 0 : i32
    %dma_wait3A_748 = arith.constant 0 : i32
    %dma_wait3A_749 = tpu.memref_slice %arg2[%dma_wait3A_747, %dma_wait3A_748] : memref<125000x128xf32, #tpu.memory_space<hbm>> -> memref<125000x128xf32, #tpu.memory_space<hbm>>
    tpu.wait_indirect_dma semaphore(%arg9 : memref<!tpu.dma_semaphore, #tpu.memory_space<semaphore_mem>>) src(%dma_wait3A_749 : memref<125000x128xf32, #tpu.memory_space<hbm>>) dst(%dma_wait3A_743 : memref<128x128xf32, #tpu.memory_space<vmem>>)
    %dma_wait3A_750 = arith.constant 1 : i32
    %dma_wait3A_751 = arith.constant 128 : i32
    %dma_wait3A_752 = arith.constant 0 : i32
    %dma_wait3A_753 = tpu.memref_slice %arg7[%dma_wait3A_751, %dma_wait3A_752] : memref<512x128xf32, #tpu.memory_space<vmem>> -> memref<128x128xf32, #tpu.memory_space<vmem>>
    %dma_wait3A_754 = arith.constant 0 : i32
    %dma_wait3A_755 = tpu.memref_slice %arg6[%dma_wait3A_750, %dma_wait3A_754] : memref<8x128xi32, #tpu.memory_space<vmem>> -> memref<1x128xi32, #tpu.memory_space<vmem>>
    %dma_wait3A_756 = tpu.memref_squeeze %dma_wait3A_755 : memref<1x128xi32, #tpu.memory_space<vmem>> -> memref<128xi32, #tpu.memory_space<vmem>>
    %dma_wait3A_757 = arith.constant 0 : i32
    %dma_wait3A_758 = arith.constant 0 : i32
    %dma_wait3A_759 = tpu.memref_slice %arg2[%dma_wait3A_757, %dma_wait3A_758] : memref<125000x128xf32, #tpu.memory_space<hbm>> -> memref<125000x128xf32, #tpu.memory_space<hbm>>
    tpu.wait_indirect_dma semaphore(%arg9 : memref<!tpu.dma_semaphore, #tpu.memory_space<semaphore_mem>>) src(%dma_wait3A_759 : memref<125000x128xf32, #tpu.memory_space<hbm>>) dst(%dma_wait3A_753 : memref<128x128xf32, #tpu.memory_space<vmem>>)
    %dma_wait3A_760 = arith.constant 2 : i32
    %dma_wait3A_761 = arith.constant 256 : i32
    %dma_wait3A_762 = arith.constant 0 : i32
    %dma_wait3A_763 = tpu.memref_slice %arg7[%dma_wait3A_761, %dma_wait3A_762] : memref<512x128xf32, #tpu.memory_space<vmem>> -> memref<128x128xf32, #tpu.memory_space<vmem>>
    %dma_wait3A_764 = arith.constant 0 : i32
    %dma_wait3A_765 = tpu.memref_slice %arg6[%dma_wait3A_760, %dma_wait3A_764] : memref<8x128xi32, #tpu.memory_space<vmem>> -> memref<1x128xi32, #tpu.memory_space<vmem>>
    %dma_wait3A_766 = tpu.memref_squeeze %dma_wait3A_765 : memref<1x128xi32, #tpu.memory_space<vmem>> -> memref<128xi32, #tpu.memory_space<vmem>>
    %dma_wait3A_767 = arith.constant 0 : i32
    %dma_wait3A_768 = arith.constant 0 : i32
    %dma_wait3A_769 = tpu.memref_slice %arg2[%dma_wait3A_767, %dma_wait3A_768] : memref<125000x128xf32, #tpu.memory_space<hbm>> -> memref<125000x128xf32, #tpu.memory_space<hbm>>
    tpu.wait_indirect_dma semaphore(%arg9 : memref<!tpu.dma_semaphore, #tpu.memory_space<semaphore_mem>>) src(%dma_wait3A_769 : memref<125000x128xf32, #tpu.memory_space<hbm>>) dst(%dma_wait3A_763 : memref<128x128xf32, #tpu.memory_space<vmem>>)
    %dma_wait3A_770 = arith.constant 3 : i32
    %dma_wait3A_771 = arith.constant 384 : i32
    %dma_wait3A_772 = arith.constant 0 : i32
    %dma_wait3A_773 = tpu.memref_slice %arg7[%dma_wait3A_771, %dma_wait3A_772] : memref<512x128xf32, #tpu.memory_space<vmem>> -> memref<128x128xf32, #tpu.memory_space<vmem>>
    %dma_wait3A_774 = arith.constant 0 : i32
    %dma_wait3A_775 = tpu.memref_slice %arg6[%dma_wait3A_770, %dma_wait3A_774] : memref<8x128xi32, #tpu.memory_space<vmem>> -> memref<1x128xi32, #tpu.memory_space<vmem>>
    %dma_wait3A_776 = tpu.memref_squeeze %dma_wait3A_775 : memref<1x128xi32, #tpu.memory_space<vmem>> -> memref<128xi32, #tpu.memory_space<vmem>>
    %dma_wait3A_777 = arith.constant 0 : i32
    %dma_wait3A_778 = arith.constant 0 : i32
    %dma_wait3A_779 = tpu.memref_slice %arg2[%dma_wait3A_777, %dma_wait3A_778] : memref<125000x128xf32, #tpu.memory_space<hbm>> -> memref<125000x128xf32, #tpu.memory_space<hbm>>
    tpu.wait_indirect_dma semaphore(%arg9 : memref<!tpu.dma_semaphore, #tpu.memory_space<semaphore_mem>>) src(%dma_wait3A_779 : memref<125000x128xf32, #tpu.memory_space<hbm>>) dst(%dma_wait3A_773 : memref<128x128xf32, #tpu.memory_space<vmem>>)
    %scan3A = arith.constant 0 : i32
    %scan3A_780 = arith.constant 0 : i32
    %scan3A_781 = arith.constant 16 : i32
    %scan3A_782 = arith.addi %scan3A_780, %scan3A_781 : i32
    %scan3A_783 = arith.constant 1 : i32
    scf.for %scan3A_873 = %scan3A_780 to %scan3A_782 step %scan3A_783  : i32 {
      %mul3A_874 = arith.constant 16 : i32
      %mul3A_875 = arith.muli %scan3A_873, %mul3A_874 : i32
      %iota3A = tpu.iota {dimensions = array<i32: 0>} : vector<16xi32>
      %add3A_876 = vector.broadcast %mul3A_875 : i32 to vector<16xi32>
      %add3A_877 = arith.addi %add3A_876, %iota3A : vector<16xi32>
      %add3A_878 = arith.constant 0 : i32
      %add3A_879 = vector.broadcast %add3A_878 : i32 to vector<16xi32>
      %add3A_880 = arith.addi %add3A_879, %add3A_877 : vector<16xi32>
      %mul3A_881 = arith.constant 2 : i32
      %mul3A_882 = vector.broadcast %mul3A_881 : i32 to vector<16xi32>
      %mul3A_883 = arith.muli %mul3A_882, %add3A_877 : vector<16xi32>
      %add3A_884 = arith.constant 1 : i32
      %add3A_885 = vector.broadcast %add3A_884 : i32 to vector<16xi32>
      %add3A_886 = arith.addi %mul3A_883, %add3A_885 : vector<16xi32>
      %mul3A_887 = arith.constant 2 : i32
      %mul3A_888 = vector.broadcast %mul3A_887 : i32 to vector<16xi32>
      %mul3A_889 = arith.muli %mul3A_888, %add3A_880 : vector<16xi32>
      %add3A_890 = arith.constant 1 : i32
      %add3A_891 = vector.broadcast %add3A_890 : i32 to vector<16xi32>
      %add3A_892 = arith.addi %mul3A_889, %add3A_891 : vector<16xi32>
      %shift_right_logical3A_893 = arith.constant 7 : i32
      %shift_right_logical3A_894 = vector.broadcast %shift_right_logical3A_893 : i32 to vector<16xi32>
      %shift_right_logical3A_895 = arith.shrui %mul3A_889, %shift_right_logical3A_894 : vector<16xi32>
      %and3A = arith.constant 127 : i32
      %and3A_896 = vector.broadcast %and3A : i32 to vector<16xi32>
      %and3A_897 = arith.andi %mul3A_889, %and3A_896 : vector<16xi32>
      %gather3A = tpu.vector_load_idx %arg5[%shift_right_logical3A_895, %and3A_897] : memref<8x128xi32, #tpu.memory_space<vmem>>[vector<16xi32>, vector<16xi32>], vector<16xi32>,
      %shift_right_logical3A_898 = arith.constant 7 : i32
      %shift_right_logical3A_899 = vector.broadcast %shift_right_logical3A_898 : i32 to vector<16xi32>
      %shift_right_logical3A_900 = arith.shrui %add3A_892, %shift_right_logical3A_899 : vector<16xi32>
      %and3A_901 = arith.constant 127 : i32
      %and3A_902 = vector.broadcast %and3A_901 : i32 to vector<16xi32>
      %and3A_903 = arith.andi %add3A_892, %and3A_902 : vector<16xi32>
      %gather3A_904 = tpu.vector_load_idx %arg5[%shift_right_logical3A_900, %and3A_903] : memref<8x128xi32, #tpu.memory_space<vmem>>[vector<16xi32>, vector<16xi32>], vector<16xi32>,
      %and3A_905 = arith.constant 7 : i32
      %and3A_906 = vector.broadcast %and3A_905 : i32 to vector<16xi32>
      %and3A_907 = arith.andi %gather3A, %and3A_906 : vector<16xi32>
      %shift_left3A = arith.constant 4 : i32
      %shift_left3A_908 = vector.broadcast %shift_left3A : i32 to vector<16xi32>
      %shift_left3A_909 = arith.shli %and3A_907, %shift_left3A_908 : vector<16xi32>
      %and3A_910 = arith.constant 7 : i32
      %and3A_911 = vector.broadcast %and3A_910 : i32 to vector<16xi32>
      %and3A_912 = arith.andi %gather3A_904, %and3A_911 : vector<16xi32>
      %shift_left3A_913 = arith.constant 4 : i32
      %shift_left3A_914 = vector.broadcast %shift_left3A_913 : i32 to vector<16xi32>
      %shift_left3A_915 = arith.shli %and3A_912, %shift_left3A_914 : vector<16xi32>
      %broadcast_in_dim3A = arith.constant 0.000000e+00 : f32
      %broadcast_in_dim3A_916 = vector.broadcast %broadcast_in_dim3A : f32 to vector<16xf32>
      %broadcast_in_dim3A_917 = arith.constant 0.000000e+00 : f32
      %broadcast_in_dim3A_918 = vector.broadcast %broadcast_in_dim3A_917 : f32 to vector<16xf32>
      %broadcast_in_dim3A_919 = arith.constant 0.000000e+00 : f32
      %broadcast_in_dim3A_920 = vector.broadcast %broadcast_in_dim3A_919 : f32 to vector<16xf32>
      %add3A_921 = arith.constant 0 : i32
      %add3A_922 = vector.broadcast %add3A_921 : i32 to vector<16xi32>
      %add3A_923 = arith.addi %shift_left3A_909, %add3A_922 : vector<16xi32>
      %gather3A_924 = tpu.vector_load_idx %arg7[%mul3A_883, %add3A_923] : memref<512x128xf32, #tpu.memory_space<vmem>>[vector<16xi32>, vector<16xi32>], vector<16xf32>,
      %add3A_925 = arith.constant 0 : i32
      %add3A_926 = vector.broadcast %add3A_925 : i32 to vector<16xi32>
      %add3A_927 = arith.addi %shift_left3A_915, %add3A_926 : vector<16xi32>
      %gather3A_928 = tpu.vector_load_idx %arg7[%add3A_886, %add3A_927] : memref<512x128xf32, #tpu.memory_space<vmem>>[vector<16xi32>, vector<16xi32>], vector<16xf32>,
      %sub3A = arith.subf %gather3A_924, %gather3A_928 : vector<16xf32>
      %mul3A_929 = arith.mulf %gather3A_924, %gather3A_924 : vector<16xf32>
      %add3A_930 = arith.addf %broadcast_in_dim3A_916, %mul3A_929 : vector<16xf32>
      %mul3A_931 = arith.mulf %gather3A_928, %gather3A_928 : vector<16xf32>
      %add3A_932 = arith.addf %broadcast_in_dim3A_918, %mul3A_931 : vector<16xf32>
      %mul3A_933 = arith.mulf %sub3A, %sub3A : vector<16xf32>
      %add3A_934 = arith.addf %broadcast_in_dim3A_920, %mul3A_933 : vector<16xf32>
      %add3A_935 = arith.constant 1 : i32
      %add3A_936 = vector.broadcast %add3A_935 : i32 to vector<16xi32>
      %add3A_937 = arith.addi %shift_left3A_909, %add3A_936 : vector<16xi32>
      %gather3A_938 = tpu.vector_load_idx %arg7[%mul3A_883, %add3A_937] : memref<512x128xf32, #tpu.memory_space<vmem>>[vector<16xi32>, vector<16xi32>], vector<16xf32>,
      %add3A_939 = arith.constant 1 : i32
      %add3A_940 = vector.broadcast %add3A_939 : i32 to vector<16xi32>
      %add3A_941 = arith.addi %shift_left3A_915, %add3A_940 : vector<16xi32>
      %gather3A_942 = tpu.vector_load_idx %arg7[%add3A_886, %add3A_941] : memref<512x128xf32, #tpu.memory_space<vmem>>[vector<16xi32>, vector<16xi32>], vector<16xf32>,
      %sub3A_943 = arith.subf %gather3A_938, %gather3A_942 : vector<16xf32>
      %mul3A_944 = arith.mulf %gather3A_938, %gather3A_938 : vector<16xf32>
      %add3A_945 = arith.addf %add3A_930, %mul3A_944 : vector<16xf32>
      %mul3A_946 = arith.mulf %gather3A_942, %gather3A_942 : vector<16xf32>
      %add3A_947 = arith.addf %add3A_932, %mul3A_946 : vector<16xf32>
      %mul3A_948 = arith.mulf %sub3A_943, %sub3A_943 : vector<16xf32>
      %add3A_949 = arith.addf %add3A_934, %mul3A_948 : vector<16xf32>
      %add3A_950 = arith.constant 2 : i32
      %add3A_951 = vector.broadcast %add3A_950 : i32 to vector<16xi32>
      %add3A_952 = arith.addi %shift_left3A_909, %add3A_951 : vector<16xi32>
      %gather3A_953 = tpu.vector_load_idx %arg7[%mul3A_883, %add3A_952] : memref<512x128xf32, #tpu.memory_space<vmem>>[vector<16xi32>, vector<16xi32>], vector<16xf32>,
      %add3A_954 = arith.constant 2 : i32
      %add3A_955 = vector.broadcast %add3A_954 : i32 to vector<16xi32>
      %add3A_956 = arith.addi %shift_left3A_915, %add3A_955 : vector<16xi32>
      %gather3A_957 = tpu.vector_load_idx %arg7[%add3A_886, %add3A_956] : memref<512x128xf32, #tpu.memory_space<vmem>>[vector<16xi32>, vector<16xi32>], vector<16xf32>,
      %sub3A_958 = arith.subf %gather3A_953, %gather3A_957 : vector<16xf32>
      %mul3A_959 = arith.mulf %gather3A_953, %gather3A_953 : vector<16xf32>
      %add3A_960 = arith.addf %add3A_945, %mul3A_959 : vector<16xf32>
      %mul3A_961 = arith.mulf %gather3A_957, %gather3A_957 : vector<16xf32>
      %add3A_962 = arith.addf %add3A_947, %mul3A_961 : vector<16xf32>
      %mul3A_963 = arith.mulf %sub3A_958, %sub3A_958 : vector<16xf32>
      %add3A_964 = arith.addf %add3A_949, %mul3A_963 : vector<16xf32>
      %add3A_965 = arith.constant 3 : i32
      %add3A_966 = vector.broadcast %add3A_965 : i32 to vector<16xi32>
      %add3A_967 = arith.addi %shift_left3A_909, %add3A_966 : vector<16xi32>
      %gather3A_968 = tpu.vector_load_idx %arg7[%mul3A_883, %add3A_967] : memref<512x128xf32, #tpu.memory_space<vmem>>[vector<16xi32>, vector<16xi32>], vector<16xf32>,
      %add3A_969 = arith.constant 3 : i32
      %add3A_970 = vector.broadcast %add3A_969 : i32 to vector<16xi32>
      %add3A_971 = arith.addi %shift_left3A_915, %add3A_970 : vector<16xi32>
      %gather3A_972 = tpu.vector_load_idx %arg7[%add3A_886, %add3A_971] : memref<512x128xf32, #tpu.memory_space<vmem>>[vector<16xi32>, vector<16xi32>], vector<16xf32>,
      %sub3A_973 = arith.subf %gather3A_968, %gather3A_972 : vector<16xf32>
      %mul3A_974 = arith.mulf %gather3A_968, %gather3A_968 : vector<16xf32>
      %add3A_975 = arith.addf %add3A_960, %mul3A_974 : vector<16xf32>
      %mul3A_976 = arith.mulf %gather3A_972, %gather3A_972 : vector<16xf32>
      %add3A_977 = arith.addf %add3A_962, %mul3A_976 : vector<16xf32>
      %mul3A_978 = arith.mulf %sub3A_973, %sub3A_973 : vector<16xf32>
      %add3A_979 = arith.addf %add3A_964, %mul3A_978 : vector<16xf32>
      %add3A_980 = arith.constant 4 : i32
      %add3A_981 = vector.broadcast %add3A_980 : i32 to vector<16xi32>
      %add3A_982 = arith.addi %shift_left3A_909, %add3A_981 : vector<16xi32>
      %gather3A_983 = tpu.vector_load_idx %arg7[%mul3A_883, %add3A_982] : memref<512x128xf32, #tpu.memory_space<vmem>>[vector<16xi32>, vector<16xi32>], vector<16xf32>,
      %add3A_984 = arith.constant 4 : i32
      %add3A_985 = vector.broadcast %add3A_984 : i32 to vector<16xi32>
      %add3A_986 = arith.addi %shift_left3A_915, %add3A_985 : vector<16xi32>
      %gather3A_987 = tpu.vector_load_idx %arg7[%add3A_886, %add3A_986] : memref<512x128xf32, #tpu.memory_space<vmem>>[vector<16xi32>, vector<16xi32>], vector<16xf32>,
      %sub3A_988 = arith.subf %gather3A_983, %gather3A_987 : vector<16xf32>
      %mul3A_989 = arith.mulf %gather3A_983, %gather3A_983 : vector<16xf32>
      %add3A_990 = arith.addf %add3A_975, %mul3A_989 : vector<16xf32>
      %mul3A_991 = arith.mulf %gather3A_987, %gather3A_987 : vector<16xf32>
      %add3A_992 = arith.addf %add3A_977, %mul3A_991 : vector<16xf32>
      %mul3A_993 = arith.mulf %sub3A_988, %sub3A_988 : vector<16xf32>
      %add3A_994 = arith.addf %add3A_979, %mul3A_993 : vector<16xf32>
      %add3A_995 = arith.constant 5 : i32
      %add3A_996 = vector.broadcast %add3A_995 : i32 to vector<16xi32>
      %add3A_997 = arith.addi %shift_left3A_909, %add3A_996 : vector<16xi32>
      %gather3A_998 = tpu.vector_load_idx %arg7[%mul3A_883, %add3A_997] : memref<512x128xf32, #tpu.memory_space<vmem>>[vector<16xi32>, vector<16xi32>], vector<16xf32>,
      %add3A_999 = arith.constant 5 : i32
      %add3A_1000 = vector.broadcast %add3A_999 : i32 to vector<16xi32>
      %add3A_1001 = arith.addi %shift_left3A_915, %add3A_1000 : vector<16xi32>
      %gather3A_1002 = tpu.vector_load_idx %arg7[%add3A_886, %add3A_1001] : memref<512x128xf32, #tpu.memory_space<vmem>>[vector<16xi32>, vector<16xi32>], vector<16xf32>,
      %sub3A_1003 = arith.subf %gather3A_998, %gather3A_1002 : vector<16xf32>
      %mul3A_1004 = arith.mulf %gather3A_998, %gather3A_998 : vector<16xf32>
      %add3A_1005 = arith.addf %add3A_990, %mul3A_1004 : vector<16xf32>
      %mul3A_1006 = arith.mulf %gather3A_1002, %gather3A_1002 : vector<16xf32>
      %add3A_1007 = arith.addf %add3A_992, %mul3A_1006 : vector<16xf32>
      %mul3A_1008 = arith.mulf %sub3A_1003, %sub3A_1003 : vector<16xf32>
      %add3A_1009 = arith.addf %add3A_994, %mul3A_1008 : vector<16xf32>
      %add3A_1010 = arith.constant 6 : i32
      %add3A_1011 = vector.broadcast %add3A_1010 : i32 to vector<16xi32>
      %add3A_1012 = arith.addi %shift_left3A_909, %add3A_1011 : vector<16xi32>
      %gather3A_1013 = tpu.vector_load_idx %arg7[%mul3A_883, %add3A_1012] : memref<512x128xf32, #tpu.memory_space<vmem>>[vector<16xi32>, vector<16xi32>], vector<16xf32>,
      %add3A_1014 = arith.constant 6 : i32
      %add3A_1015 = vector.broadcast %add3A_1014 : i32 to vector<16xi32>
      %add3A_1016 = arith.addi %shift_left3A_915, %add3A_1015 : vector<16xi32>
      %gather3A_1017 = tpu.vector_load_idx %arg7[%add3A_886, %add3A_1016] : memref<512x128xf32, #tpu.memory_space<vmem>>[vector<16xi32>, vector<16xi32>], vector<16xf32>,
      %sub3A_1018 = arith.subf %gather3A_1013, %gather3A_1017 : vector<16xf32>
      %mul3A_1019 = arith.mulf %gather3A_1013, %gather3A_1013 : vector<16xf32>
      %add3A_1020 = arith.addf %add3A_1005, %mul3A_1019 : vector<16xf32>
      %mul3A_1021 = arith.mulf %gather3A_1017, %gather3A_1017 : vector<16xf32>
      %add3A_1022 = arith.addf %add3A_1007, %mul3A_1021 : vector<16xf32>
      %mul3A_1023 = arith.mulf %sub3A_1018, %sub3A_1018 : vector<16xf32>
      %add3A_1024 = arith.addf %add3A_1009, %mul3A_1023 : vector<16xf32>
      %add3A_1025 = arith.constant 7 : i32
      %add3A_1026 = vector.broadcast %add3A_1025 : i32 to vector<16xi32>
      %add3A_1027 = arith.addi %shift_left3A_909, %add3A_1026 : vector<16xi32>
      %gather3A_1028 = tpu.vector_load_idx %arg7[%mul3A_883, %add3A_1027] : memref<512x128xf32, #tpu.memory_space<vmem>>[vector<16xi32>, vector<16xi32>], vector<16xf32>,
      %add3A_1029 = arith.constant 7 : i32
      %add3A_1030 = vector.broadcast %add3A_1029 : i32 to vector<16xi32>
      %add3A_1031 = arith.addi %shift_left3A_915, %add3A_1030 : vector<16xi32>
      %gather3A_1032 = tpu.vector_load_idx %arg7[%add3A_886, %add3A_1031] : memref<512x128xf32, #tpu.memory_space<vmem>>[vector<16xi32>, vector<16xi32>], vector<16xf32>,
      %sub3A_1033 = arith.subf %gather3A_1028, %gather3A_1032 : vector<16xf32>
      %mul3A_1034 = arith.mulf %gather3A_1028, %gather3A_1028 : vector<16xf32>
      %add3A_1035 = arith.addf %add3A_1020, %mul3A_1034 : vector<16xf32>
      %mul3A_1036 = arith.mulf %gather3A_1032, %gather3A_1032 : vector<16xf32>
      %add3A_1037 = arith.addf %add3A_1022, %mul3A_1036 : vector<16xf32>
      %mul3A_1038 = arith.mulf %sub3A_1033, %sub3A_1033 : vector<16xf32>
      %add3A_1039 = arith.addf %add3A_1024, %mul3A_1038 : vector<16xf32>
      %add3A_1040 = arith.constant 8 : i32
      %add3A_1041 = vector.broadcast %add3A_1040 : i32 to vector<16xi32>
      %add3A_1042 = arith.addi %shift_left3A_909, %add3A_1041 : vector<16xi32>
      %gather3A_1043 = tpu.vector_load_idx %arg7[%mul3A_883, %add3A_1042] : memref<512x128xf32, #tpu.memory_space<vmem>>[vector<16xi32>, vector<16xi32>], vector<16xf32>,
      %add3A_1044 = arith.constant 8 : i32
      %add3A_1045 = vector.broadcast %add3A_1044 : i32 to vector<16xi32>
      %add3A_1046 = arith.addi %shift_left3A_915, %add3A_1045 : vector<16xi32>
      %gather3A_1047 = tpu.vector_load_idx %arg7[%add3A_886, %add3A_1046] : memref<512x128xf32, #tpu.memory_space<vmem>>[vector<16xi32>, vector<16xi32>], vector<16xf32>,
      %sub3A_1048 = arith.subf %gather3A_1043, %gather3A_1047 : vector<16xf32>
      %mul3A_1049 = arith.mulf %gather3A_1043, %gather3A_1043 : vector<16xf32>
      %add3A_1050 = arith.addf %add3A_1035, %mul3A_1049 : vector<16xf32>
      %mul3A_1051 = arith.mulf %gather3A_1047, %gather3A_1047 : vector<16xf32>
      %add3A_1052 = arith.addf %add3A_1037, %mul3A_1051 : vector<16xf32>
      %mul3A_1053 = arith.mulf %sub3A_1048, %sub3A_1048 : vector<16xf32>
      %add3A_1054 = arith.addf %add3A_1039, %mul3A_1053 : vector<16xf32>
      %add3A_1055 = arith.constant 9 : i32
      %add3A_1056 = vector.broadcast %add3A_1055 : i32 to vector<16xi32>
      %add3A_1057 = arith.addi %shift_left3A_909, %add3A_1056 : vector<16xi32>
      %gather3A_1058 = tpu.vector_load_idx %arg7[%mul3A_883, %add3A_1057] : memref<512x128xf32, #tpu.memory_space<vmem>>[vector<16xi32>, vector<16xi32>], vector<16xf32>,
      %add3A_1059 = arith.constant 9 : i32
      %add3A_1060 = vector.broadcast %add3A_1059 : i32 to vector<16xi32>
      %add3A_1061 = arith.addi %shift_left3A_915, %add3A_1060 : vector<16xi32>
      %gather3A_1062 = tpu.vector_load_idx %arg7[%add3A_886, %add3A_1061] : memref<512x128xf32, #tpu.memory_space<vmem>>[vector<16xi32>, vector<16xi32>], vector<16xf32>,
      %sub3A_1063 = arith.subf %gather3A_1058, %gather3A_1062 : vector<16xf32>
      %mul3A_1064 = arith.mulf %gather3A_1058, %gather3A_1058 : vector<16xf32>
      %add3A_1065 = arith.addf %add3A_1050, %mul3A_1064 : vector<16xf32>
      %mul3A_1066 = arith.mulf %gather3A_1062, %gather3A_1062 : vector<16xf32>
      %add3A_1067 = arith.addf %add3A_1052, %mul3A_1066 : vector<16xf32>
      %mul3A_1068 = arith.mulf %sub3A_1063, %sub3A_1063 : vector<16xf32>
      %add3A_1069 = arith.addf %add3A_1054, %mul3A_1068 : vector<16xf32>
      %add3A_1070 = arith.constant 10 : i32
      %add3A_1071 = vector.broadcast %add3A_1070 : i32 to vector<16xi32>
      %add3A_1072 = arith.addi %shift_left3A_909, %add3A_1071 : vector<16xi32>
      %gather3A_1073 = tpu.vector_load_idx %arg7[%mul3A_883, %add3A_1072] : memref<512x128xf32, #tpu.memory_space<vmem>>[vector<16xi32>, vector<16xi32>], vector<16xf32>,
      %add3A_1074 = arith.constant 10 : i32
      %add3A_1075 = vector.broadcast %add3A_1074 : i32 to vector<16xi32>
      %add3A_1076 = arith.addi %shift_left3A_915, %add3A_1075 : vector<16xi32>
      %gather3A_1077 = tpu.vector_load_idx %arg7[%add3A_886, %add3A_1076] : memref<512x128xf32, #tpu.memory_space<vmem>>[vector<16xi32>, vector<16xi32>], vector<16xf32>,
      %sub3A_1078 = arith.subf %gather3A_1073, %gather3A_1077 : vector<16xf32>
      %mul3A_1079 = arith.mulf %gather3A_1073, %gather3A_1073 : vector<16xf32>
      %add3A_1080 = arith.addf %add3A_1065, %mul3A_1079 : vector<16xf32>
      %mul3A_1081 = arith.mulf %gather3A_1077, %gather3A_1077 : vector<16xf32>
      %add3A_1082 = arith.addf %add3A_1067, %mul3A_1081 : vector<16xf32>
      %mul3A_1083 = arith.mulf %sub3A_1078, %sub3A_1078 : vector<16xf32>
      %add3A_1084 = arith.addf %add3A_1069, %mul3A_1083 : vector<16xf32>
      %add3A_1085 = arith.constant 11 : i32
      %add3A_1086 = vector.broadcast %add3A_1085 : i32 to vector<16xi32>
      %add3A_1087 = arith.addi %shift_left3A_909, %add3A_1086 : vector<16xi32>
      %gather3A_1088 = tpu.vector_load_idx %arg7[%mul3A_883, %add3A_1087] : memref<512x128xf32, #tpu.memory_space<vmem>>[vector<16xi32>, vector<16xi32>], vector<16xf32>,
      %add3A_1089 = arith.constant 11 : i32
      %add3A_1090 = vector.broadcast %add3A_1089 : i32 to vector<16xi32>
      %add3A_1091 = arith.addi %shift_left3A_915, %add3A_1090 : vector<16xi32>
      %gather3A_1092 = tpu.vector_load_idx %arg7[%add3A_886, %add3A_1091] : memref<512x128xf32, #tpu.memory_space<vmem>>[vector<16xi32>, vector<16xi32>], vector<16xf32>,
      %sub3A_1093 = arith.subf %gather3A_1088, %gather3A_1092 : vector<16xf32>
      %mul3A_1094 = arith.mulf %gather3A_1088, %gather3A_1088 : vector<16xf32>
      %add3A_1095 = arith.addf %add3A_1080, %mul3A_1094 : vector<16xf32>
      %mul3A_1096 = arith.mulf %gather3A_1092, %gather3A_1092 : vector<16xf32>
      %add3A_1097 = arith.addf %add3A_1082, %mul3A_1096 : vector<16xf32>
      %mul3A_1098 = arith.mulf %sub3A_1093, %sub3A_1093 : vector<16xf32>
      %add3A_1099 = arith.addf %add3A_1084, %mul3A_1098 : vector<16xf32>
      %add3A_1100 = arith.constant 12 : i32
      %add3A_1101 = vector.broadcast %add3A_1100 : i32 to vector<16xi32>
      %add3A_1102 = arith.addi %shift_left3A_909, %add3A_1101 : vector<16xi32>
      %gather3A_1103 = tpu.vector_load_idx %arg7[%mul3A_883, %add3A_1102] : memref<512x128xf32, #tpu.memory_space<vmem>>[vector<16xi32>, vector<16xi32>], vector<16xf32>,
      %add3A_1104 = arith.constant 12 : i32
      %add3A_1105 = vector.broadcast %add3A_1104 : i32 to vector<16xi32>
      %add3A_1106 = arith.addi %shift_left3A_915, %add3A_1105 : vector<16xi32>
      %gather3A_1107 = tpu.vector_load_idx %arg7[%add3A_886, %add3A_1106] : memref<512x128xf32, #tpu.memory_space<vmem>>[vector<16xi32>, vector<16xi32>], vector<16xf32>,
      %sub3A_1108 = arith.subf %gather3A_1103, %gather3A_1107 : vector<16xf32>
      %mul3A_1109 = arith.mulf %gather3A_1103, %gather3A_1103 : vector<16xf32>
      %add3A_1110 = arith.addf %add3A_1095, %mul3A_1109 : vector<16xf32>
      %mul3A_1111 = arith.mulf %gather3A_1107, %gather3A_1107 : vector<16xf32>
      %add3A_1112 = arith.addf %add3A_1097, %mul3A_1111 : vector<16xf32>
      %mul3A_1113 = arith.mulf %sub3A_1108, %sub3A_1108 : vector<16xf32>
      %add3A_1114 = arith.addf %add3A_1099, %mul3A_1113 : vector<16xf32>
      %add3A_1115 = arith.constant 13 : i32
      %add3A_1116 = vector.broadcast %add3A_1115 : i32 to vector<16xi32>
      %add3A_1117 = arith.addi %shift_left3A_909, %add3A_1116 : vector<16xi32>
      %gather3A_1118 = tpu.vector_load_idx %arg7[%mul3A_883, %add3A_1117] : memref<512x128xf32, #tpu.memory_space<vmem>>[vector<16xi32>, vector<16xi32>], vector<16xf32>,
      %add3A_1119 = arith.constant 13 : i32
      %add3A_1120 = vector.broadcast %add3A_1119 : i32 to vector<16xi32>
      %add3A_1121 = arith.addi %shift_left3A_915, %add3A_1120 : vector<16xi32>
      %gather3A_1122 = tpu.vector_load_idx %arg7[%add3A_886, %add3A_1121] : memref<512x128xf32, #tpu.memory_space<vmem>>[vector<16xi32>, vector<16xi32>], vector<16xf32>,
      %sub3A_1123 = arith.subf %gather3A_1118, %gather3A_1122 : vector<16xf32>
      %mul3A_1124 = arith.mulf %gather3A_1118, %gather3A_1118 : vector<16xf32>
      %add3A_1125 = arith.addf %add3A_1110, %mul3A_1124 : vector<16xf32>
      %mul3A_1126 = arith.mulf %gather3A_1122, %gather3A_1122 : vector<16xf32>
      %add3A_1127 = arith.addf %add3A_1112, %mul3A_1126 : vector<16xf32>
      %mul3A_1128 = arith.mulf %sub3A_1123, %sub3A_1123 : vector<16xf32>
      %add3A_1129 = arith.addf %add3A_1114, %mul3A_1128 : vector<16xf32>
      %add3A_1130 = arith.constant 14 : i32
      %add3A_1131 = vector.broadcast %add3A_1130 : i32 to vector<16xi32>
      %add3A_1132 = arith.addi %shift_left3A_909, %add3A_1131 : vector<16xi32>
      %gather3A_1133 = tpu.vector_load_idx %arg7[%mul3A_883, %add3A_1132] : memref<512x128xf32, #tpu.memory_space<vmem>>[vector<16xi32>, vector<16xi32>], vector<16xf32>,
      %add3A_1134 = arith.constant 14 : i32
      %add3A_1135 = vector.broadcast %add3A_1134 : i32 to vector<16xi32>
      %add3A_1136 = arith.addi %shift_left3A_915, %add3A_1135 : vector<16xi32>
      %gather3A_1137 = tpu.vector_load_idx %arg7[%add3A_886, %add3A_1136] : memref<512x128xf32, #tpu.memory_space<vmem>>[vector<16xi32>, vector<16xi32>], vector<16xf32>,
      %sub3A_1138 = arith.subf %gather3A_1133, %gather3A_1137 : vector<16xf32>
      %mul3A_1139 = arith.mulf %gather3A_1133, %gather3A_1133 : vector<16xf32>
      %add3A_1140 = arith.addf %add3A_1125, %mul3A_1139 : vector<16xf32>
      %mul3A_1141 = arith.mulf %gather3A_1137, %gather3A_1137 : vector<16xf32>
      %add3A_1142 = arith.addf %add3A_1127, %mul3A_1141 : vector<16xf32>
      %mul3A_1143 = arith.mulf %sub3A_1138, %sub3A_1138 : vector<16xf32>
      %add3A_1144 = arith.addf %add3A_1129, %mul3A_1143 : vector<16xf32>
      %add3A_1145 = arith.constant 15 : i32
      %add3A_1146 = vector.broadcast %add3A_1145 : i32 to vector<16xi32>
      %add3A_1147 = arith.addi %shift_left3A_909, %add3A_1146 : vector<16xi32>
      %gather3A_1148 = tpu.vector_load_idx %arg7[%mul3A_883, %add3A_1147] : memref<512x128xf32, #tpu.memory_space<vmem>>[vector<16xi32>, vector<16xi32>], vector<16xf32>,
      %add3A_1149 = arith.constant 15 : i32
      %add3A_1150 = vector.broadcast %add3A_1149 : i32 to vector<16xi32>
      %add3A_1151 = arith.addi %shift_left3A_915, %add3A_1150 : vector<16xi32>
      %gather3A_1152 = tpu.vector_load_idx %arg7[%add3A_886, %add3A_1151] : memref<512x128xf32, #tpu.memory_space<vmem>>[vector<16xi32>, vector<16xi32>], vector<16xf32>,
      %sub3A_1153 = arith.subf %gather3A_1148, %gather3A_1152 : vector<16xf32>
      %mul3A_1154 = arith.mulf %gather3A_1148, %gather3A_1148 : vector<16xf32>
      %add3A_1155 = arith.addf %add3A_1140, %mul3A_1154 : vector<16xf32>
      %mul3A_1156 = arith.mulf %gather3A_1152, %gather3A_1152 : vector<16xf32>
      %add3A_1157 = arith.addf %add3A_1142, %mul3A_1156 : vector<16xf32>
      %mul3A_1158 = arith.mulf %sub3A_1153, %sub3A_1153 : vector<16xf32>
      %add3A_1159 = arith.addf %add3A_1144, %mul3A_1158 : vector<16xf32>
      %mul3A_1160 = arith.constant 2.000000e+00 : f32
      %mul3A_1161 = vector.broadcast %mul3A_1160 : f32 to vector<16xf32>
      %mul3A_1162 = arith.mulf %mul3A_1161, %add3A_1159 : vector<16xf32>
      %sub3A_1163 = arith.constant 1.000000e+00 : f32
      %sub3A_1164 = vector.broadcast %sub3A_1163 : f32 to vector<16xf32>
      %sub3A_1165 = arith.subf %sub3A_1164, %add3A_1155 : vector<16xf32>
      %sub3A_1166 = arith.constant 1.000000e+00 : f32
      %sub3A_1167 = vector.broadcast %sub3A_1166 : f32 to vector<16xf32>
      %sub3A_1168 = arith.subf %sub3A_1167, %add3A_1157 : vector<16xf32>
      %mul3A_1169 = arith.mulf %sub3A_1165, %sub3A_1168 : vector<16xf32>
      %div3A = arith.divf %mul3A_1162, %mul3A_1169 : vector<16xf32>
      %add3A_1170 = arith.constant 1.000000e+00 : f32
      %add3A_1171 = vector.broadcast %add3A_1170 : f32 to vector<16xf32>
      %add3A_1172 = arith.addf %add3A_1171, %div3A : vector<16xf32>
      %mul3A_1173 = arith.constant 16 : i32
      %mul3A_1174 = arith.muli %scan3A_873, %mul3A_1173 : i32
      %add3A_1175 = arith.constant 0 : i32
      %add3A_1176 = arith.addi %add3A_1175, %mul3A_1174 : i32
      %swap3A_1177 = arith.index_cast %add3A_1176 : i32 to index
      %swap3A_1178 = tpu.vector_load %arg8[%swap3A_1177] {strides = array<i32>} : memref<512xf32, #tpu.memory_space<vmem>>, vector<16xf32>,
      tpu.vector_store %arg8[%swap3A_1177], %add3A_1172 {strides = array<i32>} : memref<512xf32, #tpu.memory_space<vmem>>, vector<16xf32>,
    }
    %scan3A_784 = arith.constant 16 : i32
    %dma_start3A_785 = arith.constant 4 : i32
    %dma_start3A_786 = arith.constant 0 : i32
    %dma_start3A_787 = arith.constant 0 : i32
    %dma_start3A_788 = tpu.memref_slice %arg7[%dma_start3A_786, %dma_start3A_787] : memref<512x128xf32, #tpu.memory_space<vmem>> -> memref<128x128xf32, #tpu.memory_space<vmem>>
    %dma_start3A_789 = arith.constant 0 : i32
    %dma_start3A_790 = tpu.memref_slice %arg6[%dma_start3A_785, %dma_start3A_789] : memref<8x128xi32, #tpu.memory_space<vmem>> -> memref<1x128xi32, #tpu.memory_space<vmem>>
    %dma_start3A_791 = tpu.memref_squeeze %dma_start3A_790 : memref<1x128xi32, #tpu.memory_space<vmem>> -> memref<128xi32, #tpu.memory_space<vmem>>
    %dma_start3A_792 = arith.constant 0 : i32
    %dma_start3A_793 = arith.constant 0 : i32
    %dma_start3A_794 = tpu.memref_slice %arg2[%dma_start3A_792, %dma_start3A_793] : memref<125000x128xf32, #tpu.memory_space<hbm>> -> memref<125000x128xf32, #tpu.memory_space<hbm>>
    tpu.enqueue_indirect_dma source(%dma_start3A_794 : memref<125000x128xf32, #tpu.memory_space<hbm>>) target(%dma_start3A_788 : memref<128x128xf32, #tpu.memory_space<vmem>>) offsets(%dma_start3A_791 : memref<128xi32, #tpu.memory_space<vmem>>) semaphore(%arg9 : memref<!tpu.dma_semaphore, #tpu.memory_space<semaphore_mem>>)
    %dma_start3A_795 = arith.constant 5 : i32
    %dma_start3A_796 = arith.constant 128 : i32
    %dma_start3A_797 = arith.constant 0 : i32
    %dma_start3A_798 = tpu.memref_slice %arg7[%dma_start3A_796, %dma_start3A_797] : memref<512x128xf32, #tpu.memory_space<vmem>> -> memref<128x128xf32, #tpu.memory_space<vmem>>
    %dma_start3A_799 = arith.constant 0 : i32
    %dma_start3A_800 = tpu.memref_slice %arg6[%dma_start3A_795, %dma_start3A_799] : memref<8x128xi32, #tpu.memory_space<vmem>> -> memref<1x128xi32, #tpu.memory_space<vmem>>
    %dma_start3A_801 = tpu.memref_squeeze %dma_start3A_800 : memref<1x128xi32, #tpu.memory_space<vmem>> -> memref<128xi32, #tpu.memory_space<vmem>>
    %dma_start3A_802 = arith.constant 0 : i32
    %dma_start3A_803 = arith.constant 0 : i32
    %dma_start3A_804 = tpu.memref_slice %arg2[%dma_start3A_802, %dma_start3A_803] : memref<125000x128xf32, #tpu.memory_space<hbm>> -> memref<125000x128xf32, #tpu.memory_space<hbm>>
    tpu.enqueue_indirect_dma source(%dma_start3A_804 : memref<125000x128xf32, #tpu.memory_space<hbm>>) target(%dma_start3A_798 : memref<128x128xf32, #tpu.memory_space<vmem>>) offsets(%dma_start3A_801 : memref<128xi32, #tpu.memory_space<vmem>>) semaphore(%arg9 : memref<!tpu.dma_semaphore, #tpu.memory_space<semaphore_mem>>)
    %dma_start3A_805 = arith.constant 6 : i32
    %dma_start3A_806 = arith.constant 256 : i32
    %dma_start3A_807 = arith.constant 0 : i32
    %dma_start3A_808 = tpu.memref_slice %arg7[%dma_start3A_806, %dma_start3A_807] : memref<512x128xf32, #tpu.memory_space<vmem>> -> memref<128x128xf32, #tpu.memory_space<vmem>>
    %dma_start3A_809 = arith.constant 0 : i32
    %dma_start3A_810 = tpu.memref_slice %arg6[%dma_start3A_805, %dma_start3A_809] : memref<8x128xi32, #tpu.memory_space<vmem>> -> memref<1x128xi32, #tpu.memory_space<vmem>>
    %dma_start3A_811 = tpu.memref_squeeze %dma_start3A_810 : memref<1x128xi32, #tpu.memory_space<vmem>> -> memref<128xi32, #tpu.memory_space<vmem>>
    %dma_start3A_812 = arith.constant 0 : i32
    %dma_start3A_813 = arith.constant 0 : i32
    %dma_start3A_814 = tpu.memref_slice %arg2[%dma_start3A_812, %dma_start3A_813] : memref<125000x128xf32, #tpu.memory_space<hbm>> -> memref<125000x128xf32, #tpu.memory_space<hbm>>
    tpu.enqueue_indirect_dma source(%dma_start3A_814 : memref<125000x128xf32, #tpu.memory_space<hbm>>) target(%dma_start3A_808 : memref<128x128xf32, #tpu.memory_space<vmem>>) offsets(%dma_start3A_811 : memref<128xi32, #tpu.memory_space<vmem>>) semaphore(%arg9 : memref<!tpu.dma_semaphore, #tpu.memory_space<semaphore_mem>>)
    %dma_start3A_815 = arith.constant 7 : i32
    %dma_start3A_816 = arith.constant 384 : i32
    %dma_start3A_817 = arith.constant 0 : i32
    %dma_start3A_818 = tpu.memref_slice %arg7[%dma_start3A_816, %dma_start3A_817] : memref<512x128xf32, #tpu.memory_space<vmem>> -> memref<128x128xf32, #tpu.memory_space<vmem>>
    %dma_start3A_819 = arith.constant 0 : i32
    %dma_start3A_820 = tpu.memref_slice %arg6[%dma_start3A_815, %dma_start3A_819] : memref<8x128xi32, #tpu.memory_space<vmem>> -> memref<1x128xi32, #tpu.memory_space<vmem>>
    %dma_start3A_821 = tpu.memref_squeeze %dma_start3A_820 : memref<1x128xi32, #tpu.memory_space<vmem>> -> memref<128xi32, #tpu.memory_space<vmem>>
    %dma_start3A_822 = arith.constant 0 : i32
    %dma_start3A_823 = arith.constant 0 : i32
    %dma_start3A_824 = tpu.memref_slice %arg2[%dma_start3A_822, %dma_start3A_823] : memref<125000x128xf32, #tpu.memory_space<hbm>> -> memref<125000x128xf32, #tpu.memory_space<hbm>>
    tpu.enqueue_indirect_dma source(%dma_start3A_824 : memref<125000x128xf32, #tpu.memory_space<hbm>>) target(%dma_start3A_818 : memref<128x128xf32, #tpu.memory_space<vmem>>) offsets(%dma_start3A_821 : memref<128xi32, #tpu.memory_space<vmem>>) semaphore(%arg9 : memref<!tpu.dma_semaphore, #tpu.memory_space<semaphore_mem>>)
    %dma_wait3A_825 = arith.constant 4 : i32
    %dma_wait3A_826 = arith.constant 0 : i32
    %dma_wait3A_827 = arith.constant 0 : i32
    %dma_wait3A_828 = tpu.memref_slice %arg7[%dma_wait3A_826, %dma_wait3A_827] : memref<512x128xf32, #tpu.memory_space<vmem>> -> memref<128x128xf32, #tpu.memory_space<vmem>>
    %dma_wait3A_829 = arith.constant 0 : i32
    %dma_wait3A_830 = tpu.memref_slice %arg6[%dma_wait3A_825, %dma_wait3A_829] : memref<8x128xi32, #tpu.memory_space<vmem>> -> memref<1x128xi32, #tpu.memory_space<vmem>>
    %dma_wait3A_831 = tpu.memref_squeeze %dma_wait3A_830 : memref<1x128xi32, #tpu.memory_space<vmem>> -> memref<128xi32, #tpu.memory_space<vmem>>
    %dma_wait3A_832 = arith.constant 0 : i32
    %dma_wait3A_833 = arith.constant 0 : i32
    %dma_wait3A_834 = tpu.memref_slice %arg2[%dma_wait3A_832, %dma_wait3A_833] : memref<125000x128xf32, #tpu.memory_space<hbm>> -> memref<125000x128xf32, #tpu.memory_space<hbm>>
    tpu.wait_indirect_dma semaphore(%arg9 : memref<!tpu.dma_semaphore, #tpu.memory_space<semaphore_mem>>) src(%dma_wait3A_834 : memref<125000x128xf32, #tpu.memory_space<hbm>>) dst(%dma_wait3A_828 : memref<128x128xf32, #tpu.memory_space<vmem>>)
    %dma_wait3A_835 = arith.constant 5 : i32
    %dma_wait3A_836 = arith.constant 128 : i32
    %dma_wait3A_837 = arith.constant 0 : i32
    %dma_wait3A_838 = tpu.memref_slice %arg7[%dma_wait3A_836, %dma_wait3A_837] : memref<512x128xf32, #tpu.memory_space<vmem>> -> memref<128x128xf32, #tpu.memory_space<vmem>>
    %dma_wait3A_839 = arith.constant 0 : i32
    %dma_wait3A_840 = tpu.memref_slice %arg6[%dma_wait3A_835, %dma_wait3A_839] : memref<8x128xi32, #tpu.memory_space<vmem>> -> memref<1x128xi32, #tpu.memory_space<vmem>>
    %dma_wait3A_841 = tpu.memref_squeeze %dma_wait3A_840 : memref<1x128xi32, #tpu.memory_space<vmem>> -> memref<128xi32, #tpu.memory_space<vmem>>
    %dma_wait3A_842 = arith.constant 0 : i32
    %dma_wait3A_843 = arith.constant 0 : i32
    %dma_wait3A_844 = tpu.memref_slice %arg2[%dma_wait3A_842, %dma_wait3A_843] : memref<125000x128xf32, #tpu.memory_space<hbm>> -> memref<125000x128xf32, #tpu.memory_space<hbm>>
    tpu.wait_indirect_dma semaphore(%arg9 : memref<!tpu.dma_semaphore, #tpu.memory_space<semaphore_mem>>) src(%dma_wait3A_844 : memref<125000x128xf32, #tpu.memory_space<hbm>>) dst(%dma_wait3A_838 : memref<128x128xf32, #tpu.memory_space<vmem>>)
    %dma_wait3A_845 = arith.constant 6 : i32
    %dma_wait3A_846 = arith.constant 256 : i32
    %dma_wait3A_847 = arith.constant 0 : i32
    %dma_wait3A_848 = tpu.memref_slice %arg7[%dma_wait3A_846, %dma_wait3A_847] : memref<512x128xf32, #tpu.memory_space<vmem>> -> memref<128x128xf32, #tpu.memory_space<vmem>>
    %dma_wait3A_849 = arith.constant 0 : i32
    %dma_wait3A_850 = tpu.memref_slice %arg6[%dma_wait3A_845, %dma_wait3A_849] : memref<8x128xi32, #tpu.memory_space<vmem>> -> memref<1x128xi32, #tpu.memory_space<vmem>>
    %dma_wait3A_851 = tpu.memref_squeeze %dma_wait3A_850 : memref<1x128xi32, #tpu.memory_space<vmem>> -> memref<128xi32, #tpu.memory_space<vmem>>
    %dma_wait3A_852 = arith.constant 0 : i32
    %dma_wait3A_853 = arith.constant 0 : i32
    %dma_wait3A_854 = tpu.memref_slice %arg2[%dma_wait3A_852, %dma_wait3A_853] : memref<125000x128xf32, #tpu.memory_space<hbm>> -> memref<125000x128xf32, #tpu.memory_space<hbm>>
    tpu.wait_indirect_dma semaphore(%arg9 : memref<!tpu.dma_semaphore, #tpu.memory_space<semaphore_mem>>) src(%dma_wait3A_854 : memref<125000x128xf32, #tpu.memory_space<hbm>>) dst(%dma_wait3A_848 : memref<128x128xf32, #tpu.memory_space<vmem>>)
    %dma_wait3A_855 = arith.constant 7 : i32
    %dma_wait3A_856 = arith.constant 384 : i32
    %dma_wait3A_857 = arith.constant 0 : i32
    %dma_wait3A_858 = tpu.memref_slice %arg7[%dma_wait3A_856, %dma_wait3A_857] : memref<512x128xf32, #tpu.memory_space<vmem>> -> memref<128x128xf32, #tpu.memory_space<vmem>>
    %dma_wait3A_859 = arith.constant 0 : i32
    %dma_wait3A_860 = tpu.memref_slice %arg6[%dma_wait3A_855, %dma_wait3A_859] : memref<8x128xi32, #tpu.memory_space<vmem>> -> memref<1x128xi32, #tpu.memory_space<vmem>>
    %dma_wait3A_861 = tpu.memref_squeeze %dma_wait3A_860 : memref<1x128xi32, #tpu.memory_space<vmem>> -> memref<128xi32, #tpu.memory_space<vmem>>
    %dma_wait3A_862 = arith.constant 0 : i32
    %dma_wait3A_863 = arith.constant 0 : i32
    %dma_wait3A_864 = tpu.memref_slice %arg2[%dma_wait3A_862, %dma_wait3A_863] : memref<125000x128xf32, #tpu.memory_space<hbm>> -> memref<125000x128xf32, #tpu.memory_space<hbm>>
    tpu.wait_indirect_dma semaphore(%arg9 : memref<!tpu.dma_semaphore, #tpu.memory_space<semaphore_mem>>) src(%dma_wait3A_864 : memref<125000x128xf32, #tpu.memory_space<hbm>>) dst(%dma_wait3A_858 : memref<128x128xf32, #tpu.memory_space<vmem>>)
    %scan3A_865 = arith.constant 0 : i32
    %scan3A_866 = arith.constant 0 : i32
    %scan3A_867 = arith.constant 16 : i32
    %scan3A_868 = arith.addi %scan3A_866, %scan3A_867 : i32
    %scan3A_869 = arith.constant 1 : i32
    scf.for %scan3A_873 = %scan3A_866 to %scan3A_868 step %scan3A_869  : i32 {
      %mul3A_874 = arith.constant 16 : i32
      %mul3A_875 = arith.muli %scan3A_873, %mul3A_874 : i32
      %iota3A = tpu.iota {dimensions = array<i32: 0>} : vector<16xi32>
      %add3A_876 = vector.broadcast %mul3A_875 : i32 to vector<16xi32>
      %add3A_877 = arith.addi %add3A_876, %iota3A : vector<16xi32>
      %add3A_878 = arith.constant 256 : i32
      %add3A_879 = vector.broadcast %add3A_878 : i32 to vector<16xi32>
      %add3A_880 = arith.addi %add3A_879, %add3A_877 : vector<16xi32>
      %mul3A_881 = arith.constant 2 : i32
      %mul3A_882 = vector.broadcast %mul3A_881 : i32 to vector<16xi32>
      %mul3A_883 = arith.muli %mul3A_882, %add3A_877 : vector<16xi32>
      %add3A_884 = arith.constant 1 : i32
      %add3A_885 = vector.broadcast %add3A_884 : i32 to vector<16xi32>
      %add3A_886 = arith.addi %mul3A_883, %add3A_885 : vector<16xi32>
      %mul3A_887 = arith.constant 2 : i32
      %mul3A_888 = vector.broadcast %mul3A_887 : i32 to vector<16xi32>
      %mul3A_889 = arith.muli %mul3A_888, %add3A_880 : vector<16xi32>
      %add3A_890 = arith.constant 1 : i32
      %add3A_891 = vector.broadcast %add3A_890 : i32 to vector<16xi32>
      %add3A_892 = arith.addi %mul3A_889, %add3A_891 : vector<16xi32>
      %shift_right_logical3A_893 = arith.constant 7 : i32
      %shift_right_logical3A_894 = vector.broadcast %shift_right_logical3A_893 : i32 to vector<16xi32>
      %shift_right_logical3A_895 = arith.shrui %mul3A_889, %shift_right_logical3A_894 : vector<16xi32>
      %and3A = arith.constant 127 : i32
      %and3A_896 = vector.broadcast %and3A : i32 to vector<16xi32>
      %and3A_897 = arith.andi %mul3A_889, %and3A_896 : vector<16xi32>
      %gather3A = tpu.vector_load_idx %arg5[%shift_right_logical3A_895, %and3A_897] : memref<8x128xi32, #tpu.memory_space<vmem>>[vector<16xi32>, vector<16xi32>], vector<16xi32>,
      %shift_right_logical3A_898 = arith.constant 7 : i32
      %shift_right_logical3A_899 = vector.broadcast %shift_right_logical3A_898 : i32 to vector<16xi32>
      %shift_right_logical3A_900 = arith.shrui %add3A_892, %shift_right_logical3A_899 : vector<16xi32>
      %and3A_901 = arith.constant 127 : i32
      %and3A_902 = vector.broadcast %and3A_901 : i32 to vector<16xi32>
      %and3A_903 = arith.andi %add3A_892, %and3A_902 : vector<16xi32>
      %gather3A_904 = tpu.vector_load_idx %arg5[%shift_right_logical3A_900, %and3A_903] : memref<8x128xi32, #tpu.memory_space<vmem>>[vector<16xi32>, vector<16xi32>], vector<16xi32>,
      %and3A_905 = arith.constant 7 : i32
      %and3A_906 = vector.broadcast %and3A_905 : i32 to vector<16xi32>
      %and3A_907 = arith.andi %gather3A, %and3A_906 : vector<16xi32>
      %shift_left3A = arith.constant 4 : i32
      %shift_left3A_908 = vector.broadcast %shift_left3A : i32 to vector<16xi32>
      %shift_left3A_909 = arith.shli %and3A_907, %shift_left3A_908 : vector<16xi32>
      %and3A_910 = arith.constant 7 : i32
      %and3A_911 = vector.broadcast %and3A_910 : i32 to vector<16xi32>
      %and3A_912 = arith.andi %gather3A_904, %and3A_911 : vector<16xi32>
      %shift_left3A_913 = arith.constant 4 : i32
      %shift_left3A_914 = vector.broadcast %shift_left3A_913 : i32 to vector<16xi32>
      %shift_left3A_915 = arith.shli %and3A_912, %shift_left3A_914 : vector<16xi32>
      %broadcast_in_dim3A = arith.constant 0.000000e+00 : f32
      %broadcast_in_dim3A_916 = vector.broadcast %broadcast_in_dim3A : f32 to vector<16xf32>
      %broadcast_in_dim3A_917 = arith.constant 0.000000e+00 : f32
      %broadcast_in_dim3A_918 = vector.broadcast %broadcast_in_dim3A_917 : f32 to vector<16xf32>
      %broadcast_in_dim3A_919 = arith.constant 0.000000e+00 : f32
      %broadcast_in_dim3A_920 = vector.broadcast %broadcast_in_dim3A_919 : f32 to vector<16xf32>
      %add3A_921 = arith.constant 0 : i32
      %add3A_922 = vector.broadcast %add3A_921 : i32 to vector<16xi32>
      %add3A_923 = arith.addi %shift_left3A_909, %add3A_922 : vector<16xi32>
      %gather3A_924 = tpu.vector_load_idx %arg7[%mul3A_883, %add3A_923] : memref<512x128xf32, #tpu.memory_space<vmem>>[vector<16xi32>, vector<16xi32>], vector<16xf32>,
      %add3A_925 = arith.constant 0 : i32
      %add3A_926 = vector.broadcast %add3A_925 : i32 to vector<16xi32>
      %add3A_927 = arith.addi %shift_left3A_915, %add3A_926 : vector<16xi32>
      %gather3A_928 = tpu.vector_load_idx %arg7[%add3A_886, %add3A_927] : memref<512x128xf32, #tpu.memory_space<vmem>>[vector<16xi32>, vector<16xi32>], vector<16xf32>,
      %sub3A = arith.subf %gather3A_924, %gather3A_928 : vector<16xf32>
      %mul3A_929 = arith.mulf %gather3A_924, %gather3A_924 : vector<16xf32>
      %add3A_930 = arith.addf %broadcast_in_dim3A_916, %mul3A_929 : vector<16xf32>
      %mul3A_931 = arith.mulf %gather3A_928, %gather3A_928 : vector<16xf32>
      %add3A_932 = arith.addf %broadcast_in_dim3A_918, %mul3A_931 : vector<16xf32>
      %mul3A_933 = arith.mulf %sub3A, %sub3A : vector<16xf32>
      %add3A_934 = arith.addf %broadcast_in_dim3A_920, %mul3A_933 : vector<16xf32>
      %add3A_935 = arith.constant 1 : i32
      %add3A_936 = vector.broadcast %add3A_935 : i32 to vector<16xi32>
      %add3A_937 = arith.addi %shift_left3A_909, %add3A_936 : vector<16xi32>
      %gather3A_938 = tpu.vector_load_idx %arg7[%mul3A_883, %add3A_937] : memref<512x128xf32, #tpu.memory_space<vmem>>[vector<16xi32>, vector<16xi32>], vector<16xf32>,
      %add3A_939 = arith.constant 1 : i32
      %add3A_940 = vector.broadcast %add3A_939 : i32 to vector<16xi32>
      %add3A_941 = arith.addi %shift_left3A_915, %add3A_940 : vector<16xi32>
      %gather3A_942 = tpu.vector_load_idx %arg7[%add3A_886, %add3A_941] : memref<512x128xf32, #tpu.memory_space<vmem>>[vector<16xi32>, vector<16xi32>], vector<16xf32>,
      %sub3A_943 = arith.subf %gather3A_938, %gather3A_942 : vector<16xf32>
      %mul3A_944 = arith.mulf %gather3A_938, %gather3A_938 : vector<16xf32>
      %add3A_945 = arith.addf %add3A_930, %mul3A_944 : vector<16xf32>
      %mul3A_946 = arith.mulf %gather3A_942, %gather3A_942 : vector<16xf32>
      %add3A_947 = arith.addf %add3A_932, %mul3A_946 : vector<16xf32>
      %mul3A_948 = arith.mulf %sub3A_943, %sub3A_943 : vector<16xf32>
      %add3A_949 = arith.addf %add3A_934, %mul3A_948 : vector<16xf32>
      %add3A_950 = arith.constant 2 : i32
      %add3A_951 = vector.broadcast %add3A_950 : i32 to vector<16xi32>
      %add3A_952 = arith.addi %shift_left3A_909, %add3A_951 : vector<16xi32>
      %gather3A_953 = tpu.vector_load_idx %arg7[%mul3A_883, %add3A_952] : memref<512x128xf32, #tpu.memory_space<vmem>>[vector<16xi32>, vector<16xi32>], vector<16xf32>,
      %add3A_954 = arith.constant 2 : i32
      %add3A_955 = vector.broadcast %add3A_954 : i32 to vector<16xi32>
      %add3A_956 = arith.addi %shift_left3A_915, %add3A_955 : vector<16xi32>
      %gather3A_957 = tpu.vector_load_idx %arg7[%add3A_886, %add3A_956] : memref<512x128xf32, #tpu.memory_space<vmem>>[vector<16xi32>, vector<16xi32>], vector<16xf32>,
      %sub3A_958 = arith.subf %gather3A_953, %gather3A_957 : vector<16xf32>
      %mul3A_959 = arith.mulf %gather3A_953, %gather3A_953 : vector<16xf32>
      %add3A_960 = arith.addf %add3A_945, %mul3A_959 : vector<16xf32>
      %mul3A_961 = arith.mulf %gather3A_957, %gather3A_957 : vector<16xf32>
      %add3A_962 = arith.addf %add3A_947, %mul3A_961 : vector<16xf32>
      %mul3A_963 = arith.mulf %sub3A_958, %sub3A_958 : vector<16xf32>
      %add3A_964 = arith.addf %add3A_949, %mul3A_963 : vector<16xf32>
      %add3A_965 = arith.constant 3 : i32
      %add3A_966 = vector.broadcast %add3A_965 : i32 to vector<16xi32>
      %add3A_967 = arith.addi %shift_left3A_909, %add3A_966 : vector<16xi32>
      %gather3A_968 = tpu.vector_load_idx %arg7[%mul3A_883, %add3A_967] : memref<512x128xf32, #tpu.memory_space<vmem>>[vector<16xi32>, vector<16xi32>], vector<16xf32>,
      %add3A_969 = arith.constant 3 : i32
      %add3A_970 = vector.broadcast %add3A_969 : i32 to vector<16xi32>
      %add3A_971 = arith.addi %shift_left3A_915, %add3A_970 : vector<16xi32>
      %gather3A_972 = tpu.vector_load_idx %arg7[%add3A_886, %add3A_971] : memref<512x128xf32, #tpu.memory_space<vmem>>[vector<16xi32>, vector<16xi32>], vector<16xf32>,
      %sub3A_973 = arith.subf %gather3A_968, %gather3A_972 : vector<16xf32>
      %mul3A_974 = arith.mulf %gather3A_968, %gather3A_968 : vector<16xf32>
      %add3A_975 = arith.addf %add3A_960, %mul3A_974 : vector<16xf32>
      %mul3A_976 = arith.mulf %gather3A_972, %gather3A_972 : vector<16xf32>
      %add3A_977 = arith.addf %add3A_962, %mul3A_976 : vector<16xf32>
      %mul3A_978 = arith.mulf %sub3A_973, %sub3A_973 : vector<16xf32>
      %add3A_979 = arith.addf %add3A_964, %mul3A_978 : vector<16xf32>
      %add3A_980 = arith.constant 4 : i32
      %add3A_981 = vector.broadcast %add3A_980 : i32 to vector<16xi32>
      %add3A_982 = arith.addi %shift_left3A_909, %add3A_981 : vector<16xi32>
      %gather3A_983 = tpu.vector_load_idx %arg7[%mul3A_883, %add3A_982] : memref<512x128xf32, #tpu.memory_space<vmem>>[vector<16xi32>, vector<16xi32>], vector<16xf32>,
      %add3A_984 = arith.constant 4 : i32
      %add3A_985 = vector.broadcast %add3A_984 : i32 to vector<16xi32>
      %add3A_986 = arith.addi %shift_left3A_915, %add3A_985 : vector<16xi32>
      %gather3A_987 = tpu.vector_load_idx %arg7[%add3A_886, %add3A_986] : memref<512x128xf32, #tpu.memory_space<vmem>>[vector<16xi32>, vector<16xi32>], vector<16xf32>,
      %sub3A_988 = arith.subf %gather3A_983, %gather3A_987 : vector<16xf32>
      %mul3A_989 = arith.mulf %gather3A_983, %gather3A_983 : vector<16xf32>
      %add3A_990 = arith.addf %add3A_975, %mul3A_989 : vector<16xf32>
      %mul3A_991 = arith.mulf %gather3A_987, %gather3A_987 : vector<16xf32>
      %add3A_992 = arith.addf %add3A_977, %mul3A_991 : vector<16xf32>
      %mul3A_993 = arith.mulf %sub3A_988, %sub3A_988 : vector<16xf32>
      %add3A_994 = arith.addf %add3A_979, %mul3A_993 : vector<16xf32>
      %add3A_995 = arith.constant 5 : i32
      %add3A_996 = vector.broadcast %add3A_995 : i32 to vector<16xi32>
      %add3A_997 = arith.addi %shift_left3A_909, %add3A_996 : vector<16xi32>
      %gather3A_998 = tpu.vector_load_idx %arg7[%mul3A_883, %add3A_997] : memref<512x128xf32, #tpu.memory_space<vmem>>[vector<16xi32>, vector<16xi32>], vector<16xf32>,
      %add3A_999 = arith.constant 5 : i32
      %add3A_1000 = vector.broadcast %add3A_999 : i32 to vector<16xi32>
      %add3A_1001 = arith.addi %shift_left3A_915, %add3A_1000 : vector<16xi32>
      %gather3A_1002 = tpu.vector_load_idx %arg7[%add3A_886, %add3A_1001] : memref<512x128xf32, #tpu.memory_space<vmem>>[vector<16xi32>, vector<16xi32>], vector<16xf32>,
      %sub3A_1003 = arith.subf %gather3A_998, %gather3A_1002 : vector<16xf32>
      %mul3A_1004 = arith.mulf %gather3A_998, %gather3A_998 : vector<16xf32>
      %add3A_1005 = arith.addf %add3A_990, %mul3A_1004 : vector<16xf32>
      %mul3A_1006 = arith.mulf %gather3A_1002, %gather3A_1002 : vector<16xf32>
      %add3A_1007 = arith.addf %add3A_992, %mul3A_1006 : vector<16xf32>
      %mul3A_1008 = arith.mulf %sub3A_1003, %sub3A_1003 : vector<16xf32>
      %add3A_1009 = arith.addf %add3A_994, %mul3A_1008 : vector<16xf32>
      %add3A_1010 = arith.constant 6 : i32
      %add3A_1011 = vector.broadcast %add3A_1010 : i32 to vector<16xi32>
      %add3A_1012 = arith.addi %shift_left3A_909, %add3A_1011 : vector<16xi32>
      %gather3A_1013 = tpu.vector_load_idx %arg7[%mul3A_883, %add3A_1012] : memref<512x128xf32, #tpu.memory_space<vmem>>[vector<16xi32>, vector<16xi32>], vector<16xf32>,
      %add3A_1014 = arith.constant 6 : i32
      %add3A_1015 = vector.broadcast %add3A_1014 : i32 to vector<16xi32>
      %add3A_1016 = arith.addi %shift_left3A_915, %add3A_1015 : vector<16xi32>
      %gather3A_1017 = tpu.vector_load_idx %arg7[%add3A_886, %add3A_1016] : memref<512x128xf32, #tpu.memory_space<vmem>>[vector<16xi32>, vector<16xi32>], vector<16xf32>,
      %sub3A_1018 = arith.subf %gather3A_1013, %gather3A_1017 : vector<16xf32>
      %mul3A_1019 = arith.mulf %gather3A_1013, %gather3A_1013 : vector<16xf32>
      %add3A_1020 = arith.addf %add3A_1005, %mul3A_1019 : vector<16xf32>
      %mul3A_1021 = arith.mulf %gather3A_1017, %gather3A_1017 : vector<16xf32>
      %add3A_1022 = arith.addf %add3A_1007, %mul3A_1021 : vector<16xf32>
      %mul3A_1023 = arith.mulf %sub3A_1018, %sub3A_1018 : vector<16xf32>
      %add3A_1024 = arith.addf %add3A_1009, %mul3A_1023 : vector<16xf32>
      %add3A_1025 = arith.constant 7 : i32
      %add3A_1026 = vector.broadcast %add3A_1025 : i32 to vector<16xi32>
      %add3A_1027 = arith.addi %shift_left3A_909, %add3A_1026 : vector<16xi32>
      %gather3A_1028 = tpu.vector_load_idx %arg7[%mul3A_883, %add3A_1027] : memref<512x128xf32, #tpu.memory_space<vmem>>[vector<16xi32>, vector<16xi32>], vector<16xf32>,
      %add3A_1029 = arith.constant 7 : i32
      %add3A_1030 = vector.broadcast %add3A_1029 : i32 to vector<16xi32>
      %add3A_1031 = arith.addi %shift_left3A_915, %add3A_1030 : vector<16xi32>
      %gather3A_1032 = tpu.vector_load_idx %arg7[%add3A_886, %add3A_1031] : memref<512x128xf32, #tpu.memory_space<vmem>>[vector<16xi32>, vector<16xi32>], vector<16xf32>,
      %sub3A_1033 = arith.subf %gather3A_1028, %gather3A_1032 : vector<16xf32>
      %mul3A_1034 = arith.mulf %gather3A_1028, %gather3A_1028 : vector<16xf32>
      %add3A_1035 = arith.addf %add3A_1020, %mul3A_1034 : vector<16xf32>
      %mul3A_1036 = arith.mulf %gather3A_1032, %gather3A_1032 : vector<16xf32>
      %add3A_1037 = arith.addf %add3A_1022, %mul3A_1036 : vector<16xf32>
      %mul3A_1038 = arith.mulf %sub3A_1033, %sub3A_1033 : vector<16xf32>
      %add3A_1039 = arith.addf %add3A_1024, %mul3A_1038 : vector<16xf32>
      %add3A_1040 = arith.constant 8 : i32
      %add3A_1041 = vector.broadcast %add3A_1040 : i32 to vector<16xi32>
      %add3A_1042 = arith.addi %shift_left3A_909, %add3A_1041 : vector<16xi32>
      %gather3A_1043 = tpu.vector_load_idx %arg7[%mul3A_883, %add3A_1042] : memref<512x128xf32, #tpu.memory_space<vmem>>[vector<16xi32>, vector<16xi32>], vector<16xf32>,
      %add3A_1044 = arith.constant 8 : i32
      %add3A_1045 = vector.broadcast %add3A_1044 : i32 to vector<16xi32>
      %add3A_1046 = arith.addi %shift_left3A_915, %add3A_1045 : vector<16xi32>
      %gather3A_1047 = tpu.vector_load_idx %arg7[%add3A_886, %add3A_1046] : memref<512x128xf32, #tpu.memory_space<vmem>>[vector<16xi32>, vector<16xi32>], vector<16xf32>,
      %sub3A_1048 = arith.subf %gather3A_1043, %gather3A_1047 : vector<16xf32>
      %mul3A_1049 = arith.mulf %gather3A_1043, %gather3A_1043 : vector<16xf32>
      %add3A_1050 = arith.addf %add3A_1035, %mul3A_1049 : vector<16xf32>
      %mul3A_1051 = arith.mulf %gather3A_1047, %gather3A_1047 : vector<16xf32>
      %add3A_1052 = arith.addf %add3A_1037, %mul3A_1051 : vector<16xf32>
      %mul3A_1053 = arith.mulf %sub3A_1048, %sub3A_1048 : vector<16xf32>
      %add3A_1054 = arith.addf %add3A_1039, %mul3A_1053 : vector<16xf32>
      %add3A_1055 = arith.constant 9 : i32
      %add3A_1056 = vector.broadcast %add3A_1055 : i32 to vector<16xi32>
      %add3A_1057 = arith.addi %shift_left3A_909, %add3A_1056 : vector<16xi32>
      %gather3A_1058 = tpu.vector_load_idx %arg7[%mul3A_883, %add3A_1057] : memref<512x128xf32, #tpu.memory_space<vmem>>[vector<16xi32>, vector<16xi32>], vector<16xf32>,
      %add3A_1059 = arith.constant 9 : i32
      %add3A_1060 = vector.broadcast %add3A_1059 : i32 to vector<16xi32>
      %add3A_1061 = arith.addi %shift_left3A_915, %add3A_1060 : vector<16xi32>
      %gather3A_1062 = tpu.vector_load_idx %arg7[%add3A_886, %add3A_1061] : memref<512x128xf32, #tpu.memory_space<vmem>>[vector<16xi32>, vector<16xi32>], vector<16xf32>,
      %sub3A_1063 = arith.subf %gather3A_1058, %gather3A_1062 : vector<16xf32>
      %mul3A_1064 = arith.mulf %gather3A_1058, %gather3A_1058 : vector<16xf32>
      %add3A_1065 = arith.addf %add3A_1050, %mul3A_1064 : vector<16xf32>
      %mul3A_1066 = arith.mulf %gather3A_1062, %gather3A_1062 : vector<16xf32>
      %add3A_1067 = arith.addf %add3A_1052, %mul3A_1066 : vector<16xf32>
      %mul3A_1068 = arith.mulf %sub3A_1063, %sub3A_1063 : vector<16xf32>
      %add3A_1069 = arith.addf %add3A_1054, %mul3A_1068 : vector<16xf32>
      %add3A_1070 = arith.constant 10 : i32
      %add3A_1071 = vector.broadcast %add3A_1070 : i32 to vector<16xi32>
      %add3A_1072 = arith.addi %shift_left3A_909, %add3A_1071 : vector<16xi32>
      %gather3A_1073 = tpu.vector_load_idx %arg7[%mul3A_883, %add3A_1072] : memref<512x128xf32, #tpu.memory_space<vmem>>[vector<16xi32>, vector<16xi32>], vector<16xf32>,
      %add3A_1074 = arith.constant 10 : i32
      %add3A_1075 = vector.broadcast %add3A_1074 : i32 to vector<16xi32>
      %add3A_1076 = arith.addi %shift_left3A_915, %add3A_1075 : vector<16xi32>
      %gather3A_1077 = tpu.vector_load_idx %arg7[%add3A_886, %add3A_1076] : memref<512x128xf32, #tpu.memory_space<vmem>>[vector<16xi32>, vector<16xi32>], vector<16xf32>,
      %sub3A_1078 = arith.subf %gather3A_1073, %gather3A_1077 : vector<16xf32>
      %mul3A_1079 = arith.mulf %gather3A_1073, %gather3A_1073 : vector<16xf32>
      %add3A_1080 = arith.addf %add3A_1065, %mul3A_1079 : vector<16xf32>
      %mul3A_1081 = arith.mulf %gather3A_1077, %gather3A_1077 : vector<16xf32>
      %add3A_1082 = arith.addf %add3A_1067, %mul3A_1081 : vector<16xf32>
      %mul3A_1083 = arith.mulf %sub3A_1078, %sub3A_1078 : vector<16xf32>
      %add3A_1084 = arith.addf %add3A_1069, %mul3A_1083 : vector<16xf32>
      %add3A_1085 = arith.constant 11 : i32
      %add3A_1086 = vector.broadcast %add3A_1085 : i32 to vector<16xi32>
      %add3A_1087 = arith.addi %shift_left3A_909, %add3A_1086 : vector<16xi32>
      %gather3A_1088 = tpu.vector_load_idx %arg7[%mul3A_883, %add3A_1087] : memref<512x128xf32, #tpu.memory_space<vmem>>[vector<16xi32>, vector<16xi32>], vector<16xf32>,
      %add3A_1089 = arith.constant 11 : i32
      %add3A_1090 = vector.broadcast %add3A_1089 : i32 to vector<16xi32>
      %add3A_1091 = arith.addi %shift_left3A_915, %add3A_1090 : vector<16xi32>
      %gather3A_1092 = tpu.vector_load_idx %arg7[%add3A_886, %add3A_1091] : memref<512x128xf32, #tpu.memory_space<vmem>>[vector<16xi32>, vector<16xi32>], vector<16xf32>,
      %sub3A_1093 = arith.subf %gather3A_1088, %gather3A_1092 : vector<16xf32>
      %mul3A_1094 = arith.mulf %gather3A_1088, %gather3A_1088 : vector<16xf32>
      %add3A_1095 = arith.addf %add3A_1080, %mul3A_1094 : vector<16xf32>
      %mul3A_1096 = arith.mulf %gather3A_1092, %gather3A_1092 : vector<16xf32>
      %add3A_1097 = arith.addf %add3A_1082, %mul3A_1096 : vector<16xf32>
      %mul3A_1098 = arith.mulf %sub3A_1093, %sub3A_1093 : vector<16xf32>
      %add3A_1099 = arith.addf %add3A_1084, %mul3A_1098 : vector<16xf32>
      %add3A_1100 = arith.constant 12 : i32
      %add3A_1101 = vector.broadcast %add3A_1100 : i32 to vector<16xi32>
      %add3A_1102 = arith.addi %shift_left3A_909, %add3A_1101 : vector<16xi32>
      %gather3A_1103 = tpu.vector_load_idx %arg7[%mul3A_883, %add3A_1102] : memref<512x128xf32, #tpu.memory_space<vmem>>[vector<16xi32>, vector<16xi32>], vector<16xf32>,
      %add3A_1104 = arith.constant 12 : i32
      %add3A_1105 = vector.broadcast %add3A_1104 : i32 to vector<16xi32>
      %add3A_1106 = arith.addi %shift_left3A_915, %add3A_1105 : vector<16xi32>
      %gather3A_1107 = tpu.vector_load_idx %arg7[%add3A_886, %add3A_1106] : memref<512x128xf32, #tpu.memory_space<vmem>>[vector<16xi32>, vector<16xi32>], vector<16xf32>,
      %sub3A_1108 = arith.subf %gather3A_1103, %gather3A_1107 : vector<16xf32>
      %mul3A_1109 = arith.mulf %gather3A_1103, %gather3A_1103 : vector<16xf32>
      %add3A_1110 = arith.addf %add3A_1095, %mul3A_1109 : vector<16xf32>
      %mul3A_1111 = arith.mulf %gather3A_1107, %gather3A_1107 : vector<16xf32>
      %add3A_1112 = arith.addf %add3A_1097, %mul3A_1111 : vector<16xf32>
      %mul3A_1113 = arith.mulf %sub3A_1108, %sub3A_1108 : vector<16xf32>
      %add3A_1114 = arith.addf %add3A_1099, %mul3A_1113 : vector<16xf32>
      %add3A_1115 = arith.constant 13 : i32
      %add3A_1116 = vector.broadcast %add3A_1115 : i32 to vector<16xi32>
      %add3A_1117 = arith.addi %shift_left3A_909, %add3A_1116 : vector<16xi32>
      %gather3A_1118 = tpu.vector_load_idx %arg7[%mul3A_883, %add3A_1117] : memref<512x128xf32, #tpu.memory_space<vmem>>[vector<16xi32>, vector<16xi32>], vector<16xf32>,
      %add3A_1119 = arith.constant 13 : i32
      %add3A_1120 = vector.broadcast %add3A_1119 : i32 to vector<16xi32>
      %add3A_1121 = arith.addi %shift_left3A_915, %add3A_1120 : vector<16xi32>
      %gather3A_1122 = tpu.vector_load_idx %arg7[%add3A_886, %add3A_1121] : memref<512x128xf32, #tpu.memory_space<vmem>>[vector<16xi32>, vector<16xi32>], vector<16xf32>,
      %sub3A_1123 = arith.subf %gather3A_1118, %gather3A_1122 : vector<16xf32>
      %mul3A_1124 = arith.mulf %gather3A_1118, %gather3A_1118 : vector<16xf32>
      %add3A_1125 = arith.addf %add3A_1110, %mul3A_1124 : vector<16xf32>
      %mul3A_1126 = arith.mulf %gather3A_1122, %gather3A_1122 : vector<16xf32>
      %add3A_1127 = arith.addf %add3A_1112, %mul3A_1126 : vector<16xf32>
      %mul3A_1128 = arith.mulf %sub3A_1123, %sub3A_1123 : vector<16xf32>
      %add3A_1129 = arith.addf %add3A_1114, %mul3A_1128 : vector<16xf32>
      %add3A_1130 = arith.constant 14 : i32
      %add3A_1131 = vector.broadcast %add3A_1130 : i32 to vector<16xi32>
      %add3A_1132 = arith.addi %shift_left3A_909, %add3A_1131 : vector<16xi32>
      %gather3A_1133 = tpu.vector_load_idx %arg7[%mul3A_883, %add3A_1132] : memref<512x128xf32, #tpu.memory_space<vmem>>[vector<16xi32>, vector<16xi32>], vector<16xf32>,
      %add3A_1134 = arith.constant 14 : i32
      %add3A_1135 = vector.broadcast %add3A_1134 : i32 to vector<16xi32>
      %add3A_1136 = arith.addi %shift_left3A_915, %add3A_1135 : vector<16xi32>
      %gather3A_1137 = tpu.vector_load_idx %arg7[%add3A_886, %add3A_1136] : memref<512x128xf32, #tpu.memory_space<vmem>>[vector<16xi32>, vector<16xi32>], vector<16xf32>,
      %sub3A_1138 = arith.subf %gather3A_1133, %gather3A_1137 : vector<16xf32>
      %mul3A_1139 = arith.mulf %gather3A_1133, %gather3A_1133 : vector<16xf32>
      %add3A_1140 = arith.addf %add3A_1125, %mul3A_1139 : vector<16xf32>
      %mul3A_1141 = arith.mulf %gather3A_1137, %gather3A_1137 : vector<16xf32>
      %add3A_1142 = arith.addf %add3A_1127, %mul3A_1141 : vector<16xf32>
      %mul3A_1143 = arith.mulf %sub3A_1138, %sub3A_1138 : vector<16xf32>
      %add3A_1144 = arith.addf %add3A_1129, %mul3A_1143 : vector<16xf32>
      %add3A_1145 = arith.constant 15 : i32
      %add3A_1146 = vector.broadcast %add3A_1145 : i32 to vector<16xi32>
      %add3A_1147 = arith.addi %shift_left3A_909, %add3A_1146 : vector<16xi32>
      %gather3A_1148 = tpu.vector_load_idx %arg7[%mul3A_883, %add3A_1147] : memref<512x128xf32, #tpu.memory_space<vmem>>[vector<16xi32>, vector<16xi32>], vector<16xf32>,
      %add3A_1149 = arith.constant 15 : i32
      %add3A_1150 = vector.broadcast %add3A_1149 : i32 to vector<16xi32>
      %add3A_1151 = arith.addi %shift_left3A_915, %add3A_1150 : vector<16xi32>
      %gather3A_1152 = tpu.vector_load_idx %arg7[%add3A_886, %add3A_1151] : memref<512x128xf32, #tpu.memory_space<vmem>>[vector<16xi32>, vector<16xi32>], vector<16xf32>,
      %sub3A_1153 = arith.subf %gather3A_1148, %gather3A_1152 : vector<16xf32>
      %mul3A_1154 = arith.mulf %gather3A_1148, %gather3A_1148 : vector<16xf32>
      %add3A_1155 = arith.addf %add3A_1140, %mul3A_1154 : vector<16xf32>
      %mul3A_1156 = arith.mulf %gather3A_1152, %gather3A_1152 : vector<16xf32>
      %add3A_1157 = arith.addf %add3A_1142, %mul3A_1156 : vector<16xf32>
      %mul3A_1158 = arith.mulf %sub3A_1153, %sub3A_1153 : vector<16xf32>
      %add3A_1159 = arith.addf %add3A_1144, %mul3A_1158 : vector<16xf32>
      %mul3A_1160 = arith.constant 2.000000e+00 : f32
      %mul3A_1161 = vector.broadcast %mul3A_1160 : f32 to vector<16xf32>
      %mul3A_1162 = arith.mulf %mul3A_1161, %add3A_1159 : vector<16xf32>
      %sub3A_1163 = arith.constant 1.000000e+00 : f32
      %sub3A_1164 = vector.broadcast %sub3A_1163 : f32 to vector<16xf32>
      %sub3A_1165 = arith.subf %sub3A_1164, %add3A_1155 : vector<16xf32>
      %sub3A_1166 = arith.constant 1.000000e+00 : f32
      %sub3A_1167 = vector.broadcast %sub3A_1166 : f32 to vector<16xf32>
      %sub3A_1168 = arith.subf %sub3A_1167, %add3A_1157 : vector<16xf32>
      %mul3A_1169 = arith.mulf %sub3A_1165, %sub3A_1168 : vector<16xf32>
      %div3A = arith.divf %mul3A_1162, %mul3A_1169 : vector<16xf32>
      %add3A_1170 = arith.constant 1.000000e+00 : f32
      %add3A_1171 = vector.broadcast %add3A_1170 : f32 to vector<16xf32>
      %add3A_1172 = arith.addf %add3A_1171, %div3A : vector<16xf32>
      %mul3A_1173 = arith.constant 16 : i32
      %mul3A_1174 = arith.muli %scan3A_873, %mul3A_1173 : i32
      %add3A_1175 = arith.constant 256 : i32
      %add3A_1176 = arith.addi %add3A_1175, %mul3A_1174 : i32
      %swap3A_1177 = arith.index_cast %add3A_1176 : i32 to index
      %swap3A_1178 = tpu.vector_load %arg8[%swap3A_1177] {strides = array<i32>} : memref<512xf32, #tpu.memory_space<vmem>>, vector<16xf32>,
      tpu.vector_store %arg8[%swap3A_1177], %add3A_1172 {strides = array<i32>} : memref<512xf32, #tpu.memory_space<vmem>>, vector<16xf32>,
    }
    %scan3A_870 = arith.constant 16 : i32
    %mul3A_871 = arith.constant 512 : i32
    %mul3A_872 = arith.muli %add3A, %mul3A_871 : i32
    "tpu.region"() ({
      %run_scoped3A = tpu.sem_alloc : memref<!tpu.dma_semaphore, #tpu.memory_space<semaphore_mem>>
      %dma_start3A_873 = tpu.memref_slice %arg4[%mul3A_872] : memref<16384xf32, #tpu.memory_space<hbm>> -> memref<512xf32, #tpu.memory_space<hbm>>
      %dma_start3A_874 = tpu.memref_slice %arg4[%mul3A_872] : memref<16384xf32, #tpu.memory_space<hbm>> -> memref<512xf32, #tpu.memory_space<hbm>>
      tpu.enqueue_dma source(%arg8 : memref<512xf32, #tpu.memory_space<vmem>>) target(%dma_start3A_874 : memref<512xf32, #tpu.memory_space<hbm>>) target_semaphore(%run_scoped3A : memref<!tpu.dma_semaphore, #tpu.memory_space<semaphore_mem>>)
      %dma_wait3A_875 = tpu.memref_slice %arg4[%mul3A_872] : memref<16384xf32, #tpu.memory_space<hbm>> -> memref<512xf32, #tpu.memory_space<hbm>>
      %dma_wait3A_876 = tpu.memref_slice %arg4[%mul3A_872] : memref<16384xf32, #tpu.memory_space<hbm>> -> memref<512xf32, #tpu.memory_space<hbm>>
      tpu.wait_dma2 semaphore(%run_scoped3A : memref<!tpu.dma_semaphore, #tpu.memory_space<semaphore_mem>>) src(%arg8 : memref<512xf32, #tpu.memory_space<vmem>>) dst(%dma_wait3A_876 : memref<512xf32, #tpu.memory_space<hbm>>)
      tpu.yield
    }) : () -> ()
    return
  }
}

</mosaic_0001>

<sc_bundles>
// kernel: _sc_uu.3.cloned.1.call-start
scs
__scs_entry_jumppad:
0x0: {  	(pc) =	sbr.rel $0x88, $3  }
0x1: {  	(tag) =	ssettag $0x0;
	lr =	simm.s32 $0x1  }
0x2: {  	[smem:$0x3F9F] =	sst lr;
	_ =	strace $0xD0000000  }
0x3: {  	_ = 	snop  }
0x4: {  	_ = 	snop  }
0x5: {  	_ = 	snop  }
0x6: {  	_ = 	snop  }
0x7: {  	_ = 	snop  }
__scs_overlays_trampoline_lowered:
0x8: {  	[smem:$0x3FAE] =	sst s0  }
0x9: {  	[smem:$0x3FAF] =	sst s1  }
0xa: {  	[smem:$0x3FB0] =	sst s2  }
0xb: {  	[smem:$0x3FB1] =	sst s3  }
0xc: {  	[smem:$0x3FB2] =	sst s4  }
0xd: {  	[smem:$0x3FB3] =	sst s5  }
0xe: {  	[smem:$0x3FB4] =	sst s6  }
0xf: {  	[smem:$0x3FB5] =	sst s7  }
0x10: {  	[smem:$0x3FB6] =	sst s8  }
0x11: {  	[smem:$0x3FB7] =	sst s9;
	s0 =	simm.s32 @!p0 $0x0  }
0x12: {  	s1 =	sld [smem:$0x3F9D];
	s0 =	simm.s32 @p0 $0x1  }
0x13: {  	[smem:$0x3FB8] =	sst s0;
	s0 =	simm.s32 @!p1 $0x0  }
0x14: {  	s2 =	sld [smem:$0x3F9C];
	s0 =	simm.s32 @p1 $0x1  }
0x15: {  	[smem:$0x3FB9] =	sst s0;
	s0 =	simm.s32 @!p2 $0x0  }
0x16: {  	s3 =	sld [smem:$0x3FDB];
	s0 =	simm.s32 @p2 $0x1  }
0x17: {  	s4 =	simm.s32 $0x1BF5;
	[smem:$0x3FBB] =	sst s0  }
0x18: {  	s0 =	sld [smem:$0x3F9E];
	_ =	swait.ge [sflag:s4], $0x0  }
0x19: {  	s7 =	sld [smem:$0x3F9F]  }
0x1a: {  	s8 =	sadd.s32 $0xFFFFE003, lr  }
0x1b: {  	s9 =	sadd.s32 $0xFFFFFEF7, lr;
	s5 =	simm.s32 $0xFFFFFFFF;
	p2 =	slt.u32 s8, $0xFFFFF086  }
0x1c: {  	p1 =	slt.u32 s9, $0xF7A;
	s5 =	simm.s32 @!p2 $0x0  }
0x1d: {  	s5 =	simm.s32 @p1 $0x1;
	p0 =	seq.s32 s7, s2  }
0x1e: {  	s7 =	smul.u32 @!p0 $0xF7A, s2;
	p2 =	seq.s32 @!p0 s5, $0x0  }
0x1f: {  	s9 =	smul.u32 $0xF7A, s1;
	s8 =	simm.s32 @!p0 $0x1BF5;
	p2 =	por !p2, p0  }
0x20: {  	[sflag:s8] =	ssyncset.s32 @!p0 $0xFFFFF086;
	s6 =	sadd.s32 @!p0 s3, s7;
	s7 =	simm.s32 @!p0 $0x108  }
0x21: {  	s3 =	sadd.s32 s3, s9;
	s6 =	sadd.s32 @!p0 $0x88, s6;
	s7 =	simm.s32 @p2 $0x1082  }
0x22: {  	[simem:s7], [sflag:s8] =	dma.local @!p0 [hbm:s6], $0xF7A  }
0x23: {  	s9 =	sor.u32 $0xD0000000, s2;
	s6 =	simm.s32 $0x108;
	_ =	swait.ge @!p0 [sflag:s8], $0x0  }
0x24: {  	s3 =	sadd.s32 $0x88, s3;
	s6 =	simm.s32 @!p1 $0x1082;
	[sflag:s4] =	ssyncset.s32 $0xFFFFF086  }
0x25: {  	[simem:s6], [sflag:s4] =	dma.local [hbm:s3], $0xF7A  }
0x26: {  	[smem:$0x3F9F] =	sst s1;
	(tag) =	ssettag s2;
	_ =	strace s9  }
0x27: {  	s1 =	sld [smem:$0x3FAF]  }
0x28: {  	s2 =	sld [smem:$0x3FB0]  }
0x29: {  	s4 =	sld [smem:$0x3FB2]  }
0x2a: {  	p0 =	seq.s32 s5, $0x0;
	s5 =	sld [smem:$0x3FB3]  }
0x2b: {  	s6 =	sld [smem:$0x3FB4]  }
0x2c: {  	s7 =	sld [smem:$0x3FB5]  }
0x2d: {  	s3 =	simm.s32 $0x108;
	s8 =	sld [smem:$0x3FB6]  }
0x2e: {  	s3 =	simm.s32 @!p0 $0x1082;
	s9 =	sld [smem:$0x3FB7]  }
0x2f: {  	lr =	sadd.s32 s0, s3;
	s0 =	sld [smem:$0x3FAE]  }
0x30: {  	s3 =	sld [smem:$0x3FB1]  }
0x31: {  	[smem:$0x3FBA] =	sst s10  }
0x32: {  	s10 =	sld [smem:$0x3FB8];
	_ =	sdelay $0x3  }
0x33: {  	p0 =	seq.s32 s10, $0x1;
	s10 =	sld [smem:$0x3FBA];
	_ =	sdelay $0x3  }
0x34: {  	[smem:$0x3FBA] =	sst s10  }
0x35: {  	s10 =	sld [smem:$0x3FB9];
	_ =	sdelay $0x3  }
0x36: {  	p1 =	seq.s32 s10, $0x1;
	s10 =	sld [smem:$0x3FBA];
	_ =	sdelay $0x3  }
0x37: {  	[smem:$0x3FBA] =	sst s10  }
0x38: {  	s10 =	sld [smem:$0x3FBB]  }
0x39: {  	_ = 	snop;
	(pc) =	sbr.ind lr, $3  }
0x3a: {  	_ = 	snop  }
0x3b: {  	_ = 	snop  }
0x3c: {  	p2 =	seq.s32 s10, $0x1;
	s10 =	sld [smem:$0x3FBA]  }
0x3d: {  	_ =	shalt  }
0x3e: {  	_ =	shalt  }
0x3f: {  	_ =	shalt  }
0x40: {  	_ =	shalt  }
0x41: {  	_ =	shalt  }
0x42: {  	_ =	shalt  }
0x43: {  	_ =	shalt  }
0x44: {  	_ =	shalt  }
0x45: {  	_ =	shalt  }
0x46: {  	_ =	shalt  }
0x47: {  	_ =	shalt  }
0x48: {  	_ =	shalt  }
0x49: {  	_ =	shalt  }
0x4a: {  	_ =	shalt  }
0x4b: {  	_ =	shalt  }
0x4c: {  	_ =	shalt  }
0x4d: {  	_ =	shalt  }
0x4e: {  	_ =	shalt  }
0x4f: {  	_ =	shalt  }
0x50: {  	_ =	shalt  }
0x51: {  	_ =	shalt  }
0x52: {  	_ =	shalt  }
0x53: {  	_ =	shalt  }
0x54: {  	_ =	shalt  }
0x55: {  	_ =	shalt  }
0x56: {  	_ =	shalt  }
0x57: {  	_ =	shalt  }
0x58: {  	_ =	shalt  }
0x59: {  	_ =	shalt  }
0x5a: {  	_ =	shalt  }
0x5b: {  	_ =	shalt  }
0x5c: {  	_ =	shalt  }
0x5d: {  	_ =	shalt  }
0x5e: {  	_ =	shalt  }
0x5f: {  	_ =	shalt  }
0x60: {  	_ =	shalt  }
0x61: {  	_ =	shalt  }
0x62: {  	_ =	shalt  }
0x63: {  	_ =	shalt  }
0x64: {  	_ =	shalt  }
0x65: {  	_ =	shalt  }
0x66: {  	_ =	shalt  }
0x67: {  	_ =	shalt  }
0x68: {  	_ =	shalt  }
0x69: {  	_ =	shalt  }
0x6a: {  	_ =	shalt  }
0x6b: {  	_ =	shalt  }
0x6c: {  	_ =	shalt  }
0x6d: {  	_ =	shalt  }
0x6e: {  	_ =	shalt  }
0x6f: {  	_ =	shalt  }
0x70: {  	_ =	shalt  }
0x71: {  	_ =	shalt  }
0x72: {  	_ =	shalt  }
0x73: {  	_ =	shalt  }
0x74: {  	_ =	shalt  }
0x75: {  	_ =	shalt  }
0x76: {  	_ =	shalt  }
0x77: {  	_ =	shalt  }
0x78: {  	_ =	shalt  }
0x79: {  	_ =	shalt  }
0x7a: {  	_ =	shalt  }
0x7b: {  	_ =	shalt  }
0x7c: {  	_ =	shalt  }
0x7d: {  	_ =	shalt  }
0x7e: {  	_ =	shalt  }
0x7f: {  	_ =	shalt  }
0x80: {  	_ =	shalt  }
0x81: {  	_ =	shalt  }
0x82: {  	_ =	shalt  }
0x83: {  	_ =	shalt  }
0x84: {  	_ =	shalt  }
0x85: {  	_ =	shalt  }
0x86: {  	_ =	shalt  }
0x87: {  	_ =	shalt  }
.Lfunc_end0:
.L_simem_size_0:
called_computation_lowered:
.L_overlay_start_0:
0x88: {  	s2 =	sld [smem:$0x3FD9]  }
0x89: {  	s3 =	sld [smem:$0x3FFE];
	_ =	sdelay $0x1  }
0x8a: {  	s1 =	srdreg.scid  }
0x8b: {  	s0 =	sand.u32 $0x1, s1  }
0x8c: {  	s18 =	sshll.u32 s0, $0xA;
	s2 =	sadd.s32 s3, s2  }
0x8d: {  	s2 =	sadd.s32 s2, s18  }
0x8e: {  	[smem:$0x3FC6] =	sst s2  }
0x8f: {  	_ = 	snop  }
0x90: {  	s2 =	sld [smem:$0x3FC9]  }
0x91: {  	s19 =	sld [smem:$0x3FC8]  }
0x92: {  	s4 =	sld [smem:$0x3FD0];
	(tm) =	ssettm $0x1  }
0x93: {  	s5 =	sld [smem:$0x3FFB];
	_ =	sdelay $0x3  }
0x94: {  	_ =	strace s5  }
0x95: {  	s5 =	sld [smem:$0x3FFC];
	_ =	sdelay $0x3  }
0x96: {  	_ =	strace s5  }
0x97: {  	s5 =	sld [smem:$0x3FFD];
	_ =	sdelay $0x3  }
0x98: {  	_ =	strace s5  }
0x99: {  	_ =	strace $0x8FFFFFFF  }
0x9a: {  	s20 =	sld [smem:$0x3FDB];
	_ =	sdelay $0x1  }
0x9b: {  	s6 =	simm.s32 $_scs_section_size  }
0x9c: {  	s7 =	simm.s32 $_size__tile_overlayer_lowered;
	s8 =	simm.s32 $_tile_overlayer_lowered  }
0x9d: {  	s23 =	simm.s32 $0x1BFF;
	s22 =	sshll.u32 s8, $0x1;
	s5 =	sadd.s32 s6, s20  }
0x9e: {  	s9 =	simm.s32 $0x0;
	s21 =	sshll.u32 s7, $0x1;
	s7 =	sadd.s32 s22, s5  }
0x9f: {  	[timem:s9], [sflag:s23] =	dma.local [hbm:s7], s21  }
0xa0: {  	_ =	swait.ge [sflag:s23], s21  }
0xa1: {  	s6 =	ssub.s32 $0x0, s21;
	[sflag:s23] =	ssyncset.done $0x0  }
0xa2: {  	[sflag:s23] =	ssyncadd.s32 s6;
	_ =	sdelay $0x1  }
0xa3: {  	s24 =	simm.s32 $0x1B8B  }
0xa4: {  	_ =	swait.ge [sflag:s24], $0x1  }
0xa5: {  	[sflag:s24] =	ssyncset.done $0x0  }
0xa6: {  	s25 =	simm.s32 $0x1B8E;
	[sflag:s24] =	ssyncadd.s32 $0xFFFFFFFF  }
0xa7: {  	s26 =	simm.s32 $execute0_lowered;
	[smem:$0x3FD2] =	sst s25  }
0xa8: {  	s6 =	sshll.u32 s26, $0x1;
	_ =	strace $0x80000046;
	[dreg:$0x1] =	wrdreg $0xFFFFFFFF  }
0xa9: {  	s28 =	simm.s32 $_size_execute0_lowered;
	s5 =	sadd.s32 s5, s6;
	[dreg:$0x0] =	wrdreg $0x0  }
0xaa: {  	s6 =	sshll.u32 s28, $0x1;
	[dreg:$0x2] =	wrdreg s5  }
0xab: {  	[dreg:$0x3] =	wrdreg s6  }
0xac: {  	[dreg:$0x4] =	wrdreg $0xC0  }
0xad: {  	_ =	task [dreg:s9], $0x5FFFF  }
0xae: {  	[dreg:$0x1] =	wrdreg $0xFFFFFFFF  }
0xaf: {  	[dreg:$0x0] =	wrdreg $0x60  }
0xb0: {  	[dreg:$0x2] =	wrdreg s2  }
0xb1: {  	[dreg:$0x3] =	wrdreg s19  }
0xb2: {  	[dreg:$0x4] =	wrdreg s4  }
0xb3: {  	[dreg:$0x5] =	wrdreg $0x9  }
0xb4: {  	_ =	task.clear_ibuf [dreg:s9], $0x6FFFF;
	_ =	strace $0x90000046  }
0xb5: {  	s29 =	simm.s32 $0x9;
	_ =	strace $0x80000048  }
0xb6: {  	_ =	swait.ge [sflag:s29], $0x1  }
0xb7: {  	[sflag:s29] =	ssyncadd.s32 $0xFFFFFFFF  }
0xb8: {  	_ =	strace $0x90000048  }
0xb9: {  	_ =	sfence  }
0xba: {  	s30 =	sld [smem:$0x0];
	_ =	sdelay $0x2  }
0xbb: {  	s31 =	sshll.u32 s1, $0xD;
	s1 =	sshrl.u32 s1, $0x2  }
0xbc: {  	s3 =	sand.u32 $0x4000, s31;
	s1 =	sadd.s32 s1, s30  }
0xbd: {  	s0 =	sor.u32 s3, s0;
	s1 =	sshll.u32 s1, $0x11  }
0xbe: {  	s0 =	sor.u32 s1, s0  }
0xbf: {  	s0 =	sadd.s32 $0x8F2B, s0  }
0xc0: {  	[sflag:s0] =	ssyncadd.remote.s32 $0x1  }
0xc1: {  	_ =	sfence.sel $0xFFFF  }
0xc2: {  	[dreg:$0x0] =	wrdreg $0xFFFFFFFF;
	(pc) =	sbr.abs _section_cstart, $3  }
0xc3: {  	[dreg:$0x1] =	wrdreg $0xFFFFFFFF  }
0xc4: {  	_ =	task.clear_ibuf [dreg:s9], $0x2FFFF;
	_ =	strace $0x9FFFFFFF  }
0xc5: {  	(tm) =	ssettm $0x7FFFFFFF  }
tec
execute0_lowered:
.L_overlay_start_1:
0x0: {  	(tag) =	ssettag $0x1  }
0x1: {  	s1 =	rddreg [dreg:$0x0]  }
0x2: {  	s4 =	rddreg [dreg:$0x1]  }
0x3: {  	s5 =	rddreg [dreg:$0x2]  }
0x4: {  	s0 =	rddreg [dreg:$0x3]  }
0x5: {  	s3 =	simm.s32 $0x0;
	s6 =	srdreg.scid;
	s2 =	stileid.u32  }
0x6: {  	s10 =	simm.s32 $0x800;
	s11 =	simm.s32 $0x480;
	s12 =	simm.s32 $0x4800  }
0x7: {  	s13 =	simm.s32 $0x500;
	s14 =	simm.s32 $0x8800;
	s15 =	simm.s32 $0x580  }
0x8: {  	s16 =	simm.s32 $0xC800;
	s17 =	simm.s32 $0x1;
	s18 =	simm.s32 $0x600  }
0x9: {  	s19 =	simm.s32 $0x680;
	s20 =	simm.s32 $0x700;
	s21 =	simm.s32 $0x780  }
0xa: {  	s22 =	simm.s32 $0x10800;
	s23 =	simm.s32 $0x0;
	s6 =	sand.u32 $0x1, s6  }
0xb: {  	[smem:$0x7FF] =	sst s3;
	s7 =	sshll.u32 s2, $0x1;
	s8 =	ssub.s32 $0x2, s6  }
0xc: {  	v0 =	vlaneseq.u32;
	_ =	strace $0x80000047;
	s6 =	sor.u32 s6, s7;
	s31 =	sshrl.u32 s8, $0x1  }
0xd: {  	v2 =	vmul.u32 $0x2, v0;
	s9 =	sshll.u32 s6, $0x7;
	s6 =	sshll.u32 s6, $0x6;
	s7 =	ssub.s32 s8, s31  }
0xe: {  	s4 =	sadd.s32 s4, s9;
	s5 =	sadd.s32 s5, s6;
	s8 =	simm.s32 $0x80  }
0xf: {  	v1 =	vmul.u32 $0x100, v0;
	v2 =	vor.u32 $0x200, v2;
	s9 =	simm.s32 $0x400;
	s6 =	smax.u32 s7, $0x1;
	s7 =	simm.s32 $0x2  }
.LBB2_1:
0x10: {  	[tilespmem:s3], [sflag:$0x2] =	stream.linear.gather [hbm4b:s4+s3], $0x400, $0x38;
	[tilespmem:$0x10A00] =	vst v63  }
0x11: {  	_ =	swait.ge [sflag:s7], $0x400  }
0x12: {  	[sflag:s7] =	ssyncset.done $0x0  }
0x13: {  	[sflag:s7] =	ssyncadd.s32 $0xFFFFFC00  }
0x14: {  	v3 =	vld [tilespmem:$0x0]  }
0x15: {  	v4 =	vld [tilespmem:$0x10]  }
0x16: {  	v5 =	vld [tilespmem:$0x20]  }
0x17: {  	v6 =	vld [tilespmem:$0x30]  }
0x18: {  	v7 =	vld [tilespmem:$0x40]  }
0x19: {  	v8 =	vld [tilespmem:$0x50];
	v3 =	vshrl.u32 v3, $0x3  }
0x1a: {  	[tilespmem:$0x400] =	vst v3;
	v3 =	vshrl.u32 v4, $0x3;
	v4 =	vld [tilespmem:$0x60]  }
0x1b: {  	[tilespmem:$0x410] =	vst v3;
	v3 =	vshrl.u32 v5, $0x3;
	v5 =	vld [tilespmem:$0x70]  }
0x1c: {  	[tilespmem:$0x420] =	vst v3;
	v3 =	vshrl.u32 v6, $0x3;
	v6 =	vld [tilespmem:$0x80]  }
0x1d: {  	[tilespmem:$0x430] =	vst v3;
	v3 =	vshrl.u32 v7, $0x3;
	v7 =	vld [tilespmem:$0x90]  }
0x1e: {  	[tilespmem:$0x440] =	vst v3;
	v3 =	vshrl.u32 v8, $0x3;
	v8 =	vld [tilespmem:$0xA0]  }
0x1f: {  	[tilespmem:$0x450] =	vst v3;
	v3 =	vshrl.u32 v4, $0x3;
	v4 =	vld [tilespmem:$0xB0]  }
0x20: {  	[tilespmem:$0x460] =	vst v3;
	v3 =	vshrl.u32 v5, $0x3;
	v5 =	vld [tilespmem:$0xC0]  }
0x21: {  	[tilespmem:$0x470] =	vst v3;
	v3 =	vshrl.u32 v6, $0x3;
	v6 =	vld [tilespmem:$0xD0]  }
0x22: {  	[tilespmem:$0x480] =	vst v3;
	v3 =	vshrl.u32 v7, $0x3;
	v7 =	vld [tilespmem:$0xE0]  }
0x23: {  	[tilespmem:$0x490] =	vst v3;
	v3 =	vshrl.u32 v8, $0x3;
	v8 =	vld [tilespmem:$0xF0]  }
0x24: {  	[tilespmem:$0x4A0] =	vst v3;
	v3 =	vshrl.u32 v4, $0x3;
	v4 =	vld [tilespmem:$0x100]  }
0x25: {  	[tilespmem:$0x4B0] =	vst v3;
	v3 =	vshrl.u32 v5, $0x3;
	v5 =	vld [tilespmem:$0x110]  }
0x26: {  	[tilespmem:$0x4C0] =	vst v3;
	v3 =	vshrl.u32 v6, $0x3;
	v6 =	vld [tilespmem:$0x120]  }
0x27: {  	[tilespmem:$0x4D0] =	vst v3;
	v3 =	vshrl.u32 v7, $0x3;
	v7 =	vld [tilespmem:$0x130]  }
0x28: {  	[tilespmem:$0x4E0] =	vst v3;
	v3 =	vshrl.u32 v8, $0x3;
	v8 =	vld [tilespmem:$0x140]  }
0x29: {  	[tilespmem:$0x4F0] =	vst v3;
	v3 =	vshrl.u32 v4, $0x3;
	v4 =	vld [tilespmem:$0x150]  }
0x2a: {  	[tilespmem:$0x500] =	vst v3;
	v3 =	vshrl.u32 v5, $0x3;
	v5 =	vld [tilespmem:$0x160]  }
0x2b: {  	[tilespmem:$0x510] =	vst v3;
	v3 =	vshrl.u32 v6, $0x3;
	v6 =	vld [tilespmem:$0x170]  }
0x2c: {  	[tilespmem:$0x520] =	vst v3;
	v3 =	vshrl.u32 v7, $0x3;
	v7 =	vld [tilespmem:$0x180]  }
0x2d: {  	[tilespmem:$0x530] =	vst v3;
	v3 =	vshrl.u32 v8, $0x3;
	v8 =	vld [tilespmem:$0x190]  }
0x2e: {  	[tilespmem:$0x540] =	vst v3;
	v3 =	vshrl.u32 v4, $0x3;
	v4 =	vld [tilespmem:$0x1A0]  }
0x2f: {  	[tilespmem:$0x550] =	vst v3;
	v3 =	vshrl.u32 v5, $0x3;
	v5 =	vld [tilespmem:$0x1B0]  }
0x30: {  	[tilespmem:$0x560] =	vst v3;
	v3 =	vshrl.u32 v6, $0x3;
	v6 =	vld [tilespmem:$0x1C0]  }
0x31: {  	[tilespmem:$0x570] =	vst v3;
	v3 =	vshrl.u32 v7, $0x3;
	v7 =	vld [tilespmem:$0x1D0]  }
0x32: {  	[tilespmem:$0x580] =	vst v3;
	v3 =	vshrl.u32 v8, $0x3;
	v8 =	vld [tilespmem:$0x1E0]  }
0x33: {  	[tilespmem:$0x590] =	vst v3;
	v3 =	vshrl.u32 v4, $0x3;
	v4 =	vld [tilespmem:$0x1F0]  }
0x34: {  	[tilespmem:$0x5A0] =	vst v3;
	v3 =	vshrl.u32 v5, $0x3;
	v5 =	vld [tilespmem:$0x200]  }
0x35: {  	[tilespmem:$0x5B0] =	vst v3;
	v3 =	vshrl.u32 v6, $0x3;
	v6 =	vld [tilespmem:$0x210]  }
0x36: {  	[tilespmem:$0x5C0] =	vst v3;
	v3 =	vshrl.u32 v7, $0x3;
	v7 =	vld [tilespmem:$0x220]  }
0x37: {  	[tilespmem:$0x5D0] =	vst v3;
	v3 =	vshrl.u32 v8, $0x3;
	v8 =	vld [tilespmem:$0x230]  }
0x38: {  	[tilespmem:$0x5E0] =	vst v3;
	v3 =	vshrl.u32 v4, $0x3;
	v4 =	vld [tilespmem:$0x240]  }
0x39: {  	[tilespmem:$0x5F0] =	vst v3;
	v3 =	vshrl.u32 v5, $0x3;
	v5 =	vld [tilespmem:$0x250]  }
0x3a: {  	[tilespmem:$0x600] =	vst v3;
	v3 =	vshrl.u32 v6, $0x3;
	v6 =	vld [tilespmem:$0x260]  }
0x3b: {  	[tilespmem:$0x610] =	vst v3;
	v3 =	vshrl.u32 v7, $0x3;
	v7 =	vld [tilespmem:$0x270]  }
0x3c: {  	[tilespmem:$0x620] =	vst v3;
	v3 =	vshrl.u32 v8, $0x3;
	v8 =	vld [tilespmem:$0x280]  }
0x3d: {  	[tilespmem:$0x630] =	vst v3;
	v3 =	vshrl.u32 v4, $0x3;
	v4 =	vld [tilespmem:$0x290]  }
0x3e: {  	[tilespmem:$0x640] =	vst v3;
	v3 =	vshrl.u32 v5, $0x3;
	v5 =	vld [tilespmem:$0x2A0]  }
0x3f: {  	[tilespmem:$0x650] =	vst v3;
	v3 =	vshrl.u32 v6, $0x3;
	v6 =	vld [tilespmem:$0x2B0]  }
0x40: {  	[tilespmem:$0x660] =	vst v3;
	v3 =	vshrl.u32 v7, $0x3;
	v7 =	vld [tilespmem:$0x2C0]  }
0x41: {  	[tilespmem:$0x670] =	vst v3;
	v3 =	vshrl.u32 v8, $0x3;
	v8 =	vld [tilespmem:$0x2D0]  }
0x42: {  	[tilespmem:$0x680] =	vst v3;
	v3 =	vshrl.u32 v4, $0x3;
	v4 =	vld [tilespmem:$0x2E0]  }
0x43: {  	[tilespmem:$0x690] =	vst v3;
	v3 =	vshrl.u32 v5, $0x3;
	v5 =	vld [tilespmem:$0x2F0]  }
0x44: {  	[tilespmem:$0x6A0] =	vst v3;
	v3 =	vshrl.u32 v6, $0x3;
	v6 =	vld [tilespmem:$0x300]  }
0x45: {  	[tilespmem:$0x6B0] =	vst v3;
	v3 =	vshrl.u32 v7, $0x3;
	v7 =	vld [tilespmem:$0x310]  }
0x46: {  	[tilespmem:$0x6C0] =	vst v3;
	v3 =	vshrl.u32 v8, $0x3;
	v8 =	vld [tilespmem:$0x320]  }
0x47: {  	[tilespmem:$0x6D0] =	vst v3;
	v3 =	vshrl.u32 v4, $0x3;
	v4 =	vld [tilespmem:$0x330]  }
0x48: {  	[tilespmem:$0x6E0] =	vst v3;
	v3 =	vshrl.u32 v5, $0x3;
	v5 =	vld [tilespmem:$0x340]  }
0x49: {  	[tilespmem:$0x6F0] =	vst v3;
	v3 =	vshrl.u32 v6, $0x3;
	v6 =	vld [tilespmem:$0x350]  }
0x4a: {  	[tilespmem:$0x700] =	vst v3;
	v3 =	vshrl.u32 v7, $0x3;
	v7 =	vld [tilespmem:$0x360]  }
0x4b: {  	[tilespmem:$0x710] =	vst v3;
	v3 =	vshrl.u32 v8, $0x3;
	v8 =	vld [tilespmem:$0x370]  }
0x4c: {  	[tilespmem:$0x720] =	vst v3;
	v3 =	vshrl.u32 v4, $0x3;
	v4 =	vld [tilespmem:$0x380]  }
0x4d: {  	[tilespmem:$0x730] =	vst v3;
	v3 =	vshrl.u32 v5, $0x3;
	v5 =	vld [tilespmem:$0x390]  }
0x4e: {  	[tilespmem:$0x740] =	vst v3;
	v3 =	vshrl.u32 v6, $0x3;
	v6 =	vld [tilespmem:$0x3A0]  }
0x4f: {  	[tilespmem:$0x750] =	vst v3;
	v3 =	vshrl.u32 v7, $0x3;
	v7 =	vld [tilespmem:$0x3B0]  }
0x50: {  	[tilespmem:$0x760] =	vst v3;
	v3 =	vshrl.u32 v8, $0x3;
	v8 =	vld [tilespmem:$0x3C0]  }
0x51: {  	[tilespmem:$0x770] =	vst v3;
	v3 =	vshrl.u32 v4, $0x3;
	v4 =	vld [tilespmem:$0x3D0]  }
0x52: {  	[tilespmem:$0x780] =	vst v3;
	v3 =	vshrl.u32 v5, $0x3;
	v5 =	vld [tilespmem:$0x3E0]  }
0x53: {  	[tilespmem:$0x790] =	vst v3;
	v3 =	vshrl.u32 v6, $0x3;
	v6 =	vld [tilespmem:$0x3F0]  }
0x54: {  	[tilespmem:$0x7A0] =	vst v3;
	v3 =	vshrl.u32 v7, $0x3  }
0x55: {  	[tilespmem:$0x7B0] =	vst v3;
	v3 =	vshrl.u32 v8, $0x3  }
0x56: {  	[tilespmem:$0x7C0] =	vst v3;
	v3 =	vshrl.u32 v4, $0x3  }
0x57: {  	[tilespmem:$0x7D0] =	vst v3;
	v3 =	vshrl.u32 v5, $0x3  }
0x58: {  	[tilespmem:$0x7E0] =	vst v3;
	v3 =	vshrl.u32 v6, $0x3  }
0x59: {  	[tilespmem:$0x7F0] =	vst v3  }
0x5a: {  	[tilespmem:s10], [sflag:$0x1] =	stream.indirect.gather [hbm4b:s1+s8], $0x80, s9, s8, $0xb8;
	[tilespmem:$0x10A00] =	vst v63  }
0x5b: {  	_ = 	snop  }
0x5c: {  	[tilespmem:s12], [sflag:$0x1] =	stream.indirect.gather [hbm4b:s1+s8], $0x80, s11, s8, $0xb8;
	[tilespmem:$0x10A00] =	vst v63  }
0x5d: {  	_ = 	snop  }
0x5e: {  	[tilespmem:s14], [sflag:$0x1] =	stream.indirect.gather [hbm4b:s1+s8], $0x80, s13, s8, $0xb8;
	[tilespmem:$0x10A00] =	vst v63  }
0x5f: {  	_ = 	snop  }
0x60: {  	[tilespmem:s16], [sflag:$0x1] =	stream.indirect.gather [hbm4b:s1+s8], $0x80, s15, s8, $0xb8;
	[tilespmem:$0x10A00] =	vst v63  }
0x61: {  	_ =	swait.ge [sflag:s17], $0x4000  }
0x62: {  	[sflag:s17] =	ssyncset.done $0x0  }
0x63: {  	[sflag:s17] =	ssyncadd.s32 $0xFFFFC000  }
0x64: {  	_ =	swait.ge [sflag:s17], $0x4000  }
0x65: {  	[sflag:s17] =	ssyncset.done $0x0  }
0x66: {  	[sflag:s17] =	ssyncadd.s32 $0xFFFFC000  }
0x67: {  	v3 =	vor.u32 s3, v0;
	_ =	swait.ge [sflag:s17], $0x4000  }
0x68: {  	v4 =	vshll.u32 v3, $0x1;
	[sflag:s17] =	ssyncset.done $0x0  }
0x69: {  	v5 =	vor.u32 $0x1, v4;
	[sflag:s17] =	ssyncadd.s32 $0xFFFFC000  }
0x6a: {  	_ =	swait.ge [sflag:s17], $0x4000  }
0x6b: {  	[sflag:s17] =	ssyncset.done $0x0  }
0x6c: {  	[sflag:s17] =	ssyncadd.s32 $0xFFFFC000  }
0x6d: {  	v4 =	vld.idx.msk [tilespmem:v4+s3+$0x0], $0xffff  }
0x6e: {  	v5 =	vld.idx.msk [tilespmem:v5+s3+$0x0], $0xffff;
	_ =	sdelay $0x3  }
0x6f: {  	v4 =	vshll.u32 v4, $0x4  }
0x70: {  	v3 =	vshll.u32 v3, $0x8;
	v5 =	vshll.u32 v5, $0x4;
	v4 =	vand.u32 $0x70, v4  }
0x71: {  	v5 =	vand.u32 $0x70, v5;
	v4 =	vor.u32 v3, v4  }
0x72: {  	v3 =	vor.u32 v5, v3;
	v5 =	vor.u32 $0x1, v4  }
0x73: {  	v6 =	vor.u32 $0x81, v3  }
0x74: {  	v7 =	vor.u32 $0x80, v3;
	v8 =	vor.u32 $0x2, v4  }
0x75: {  	v9 =	vor.u32 $0x3, v4;
	v12 =	vor.u32 $0x4, v4;
	v13 =	vor.u32 $0x84, v3  }
0x76: {  	v14 =	vor.u32 $0x5, v4;
	v15 =	vor.u32 $0x6, v4;
	v19 =	vor.u32 $0x7, v4;
	v16 =	vld.idx.msk [tilespmem:v4+s10+$0x0], $0xffff  }
0x77: {  	v21 =	vor.u32 $0x8, v4;
	v22 =	vor.u32 $0x9, v4;
	v23 =	vor.u32 $0x88, v3;
	v5 =	vld.idx.msk [tilespmem:v5+s10+$0x0], $0xffff  }
0x78: {  	v25 =	vor.u32 $0xA, v4;
	v27 =	vor.u32 $0xB, v4;
	v30 =	vor.u32 $0xC, v4;
	v6 =	vld.idx.msk [tilespmem:v6+s10+$0x0], $0xffff  }
0x79: {  	v32 =	vor.u32 $0xD, v4;
	v36 =	vor.u32 $0xE, v4;
	v10 =	vor.u32 $0x2, v7;
	v8 =	vld.idx.msk [tilespmem:v8+s10+$0x0], $0xffff  }
0x7a: {  	v3 =	vor.u32 $0xF, v4;
	v11 =	vor.u32 $0x3, v7;
	v17 =	vor.u32 $0x5, v7;
	v29 =	vld.idx.msk [tilespmem:v7+s10+$0x0], $0xffff  }
0x7b: {  	v18 =	vor.u32 $0x6, v7;
	v20 =	vor.u32 $0x7, v7;
	v24 =	vor.u32 $0x9, v7;
	v9 =	vld.idx.msk [tilespmem:v9+s10+$0x0], $0xffff  }
0x7c: {  	v26 =	vor.u32 $0xA, v7;
	v28 =	vor.u32 $0xB, v7;
	v31 =	vor.u32 $0xC, v7;
	v12 =	vld.idx.msk [tilespmem:v12+s10+$0x0], $0xffff  }
0x7d: {  	v33 =	vor.u32 $0xD, v7;
	v37 =	vor.u32 $0xE, v7;
	v4 =	vor.u32 $0xF, v7;
	v7 =	vld.idx.msk [tilespmem:v13+s10+$0x0], $0xffff  }
0x7e: {  	v10 =	vld.idx.msk [tilespmem:v10+s10+$0x0], $0xffff;
	v34 =	vmul.f32 v16, v16;
	v35 =	vmul.f32 v5, v5  }
0x7f: {  	v5 =	vsub.f32 v5, v6  }
0x80: {  	v11 =	vld.idx.msk [tilespmem:v11+s10+$0x0], $0xffff;
	v57 =	vmul.f32 v8, v8;
	v6 =	vmul.f32 v6, v6;
	v34 =	vadd.f32 v35, v34  }
0x81: {  	v14 =	vld.idx.msk [tilespmem:v14+s10+$0x0], $0xffff;
	v16 =	vsub.f32 v16, v29;
	v29 =	vmul.f32 v29, v29;
	v58 =	vmul.f32 v9, v9  }
0x82: {  	v60 =	vmul.f32 v12, v12;
	v12 =	vsub.f32 v12, v7;
	v13 =	vadd.f32 v57, v34  }
0x83: {  	v15 =	vld.idx.msk [tilespmem:v15+s10+$0x0], $0xffff;
	v59 =	vmul.f32 v10, v10;
	v8 =	vsub.f32 v8, v10;
	v6 =	vadd.f32 v6, v29  }
0x84: {  	v17 =	vld.idx.msk [tilespmem:v17+s10+$0x0], $0xffff;
	v5 =	vmul.f32 v5, v5;
	v16 =	vmul.f32 v16, v16;
	v13 =	vadd.f32 v58, v13  }
0x85: {  	v19 =	vld.idx.msk [tilespmem:v19+s10+$0x0], $0xffff;
	v10 =	vmul.f32 v11, v11;
	v9 =	vsub.f32 v9, v11;
	v6 =	vadd.f32 v59, v6  }
0x86: {  	v5 =	vadd.f32 v5, v16;
	v16 =	vld.idx.msk [tilespmem:v18+s10+$0x0], $0xffff;
	v18 =	vmul.f32 v14, v14;
	v13 =	vadd.f32 v60, v13  }
0x87: {  	v61 =	vld.idx.msk [tilespmem:v21+s10+$0x0], $0xffff;
	v8 =	vmul.f32 v8, v8;
	v6 =	vadd.f32 v10, v6;
	v10 =	vmul.f32 v7, v7  }
0x88: {  	v20 =	vld.idx.msk [tilespmem:v20+s10+$0x0], $0xffff;
	v21 =	vmul.f32 v9, v9;
	v7 =	vadd.f32 v18, v13;
	v13 =	vmul.f32 v15, v15  }
0x89: {  	v8 =	vadd.f32 v8, v5;
	v5 =	vadd.f32 v10, v6;
	v10 =	vmul.f32 v17, v17;
	v18 =	vld.idx.msk [tilespmem:v22+s10+$0x0], $0xffff  }
0x8a: {  	v14 =	vsub.f32 v14, v17;
	v22 =	vld.idx.msk [tilespmem:v23+s10+$0x0], $0xffff;
	v7 =	vadd.f32 v13, v7;
	v13 =	vmul.f32 v19, v19  }
0x8b: {  	v9 =	vld.idx.msk [tilespmem:v27+s10+$0x0], $0xffff;
	v10 =	vadd.f32 v10, v5;
	v15 =	vsub.f32 v15, v16;
	v16 =	vmul.f32 v16, v16  }
0x8c: {  	v17 =	vld.idx.msk [tilespmem:v24+s10+$0x0], $0xffff;
	v8 =	vadd.f32 v21, v8;
	v11 =	vadd.f32 v13, v7;
	v13 =	vmul.f32 v61, v61  }
0x8d: {  	v6 =	vld.idx.msk [tilespmem:v25+s10+$0x0], $0xffff;
	v16 =	vadd.f32 v16, v10;
	v10 =	vmul.f32 v15, v15;
	v15 =	vmul.f32 v20, v20  }
0x8e: {  	v23 =	vmul.f32 v14, v14;
	v7 =	vld.idx.msk [tilespmem:v26+s10+$0x0], $0xffff;
	v11 =	vadd.f32 v13, v11;
	v13 =	vsub.f32 v19, v20  }
0x8f: {  	v5 =	vld.idx.msk [tilespmem:v36+s10+$0x0], $0xffff;
	v15 =	vadd.f32 v15, v16;
	v19 =	vmul.f32 v22, v22;
	v20 =	vmul.f32 v12, v12  }
0x90: {  	v14 =	vld.idx.msk [tilespmem:v28+s10+$0x0], $0xffff;
	v21 =	vmul.f32 v18, v18;
	v16 =	vmul.f32 v13, v13  }
0x91: {  	v12 =	vld.idx.msk [tilespmem:v30+s10+$0x0], $0xffff;
	v13 =	vadd.f32 v19, v15;
	v19 =	vmul.f32 v17, v17;
	v20 =	vadd.f32 v20, v8  }
0x92: {  	v15 =	vld.idx.msk [tilespmem:v31+s10+$0x0], $0xffff;
	v11 =	vadd.f32 v21, v11;
	v21 =	vmul.f32 v6, v6;
	v17 =	vsub.f32 v18, v17  }
0x93: {  	v8 =	vld.idx.msk [tilespmem:v32+s10+$0x0], $0xffff;
	v18 =	vsub.f32 v61, v22;
	v63 =	vmul.f32 v7, v7;
	v62 =	vadd.f32 v19, v13  }
0x94: {  	s25 =	simm.s32 $0x10;
	v13 =	vld.idx.msk [tilespmem:v33+s10+$0x0], $0xffff;
	v19 =	vadd.f32 v23, v20;
	v20 =	vadd.f32 v21, v11  }
0x95: {  	s28 =	simm.s32 $0x20;
	s24 =	simm.s32 $0x10800;
	s26 =	simm.s32 $0x10800;
	v21 =	vmul.f32 v9, v9;
	v23 =	vmul.f32 v14, v14;
	v11 =	vld.idx.msk [tilespmem:v37+s10+$0x0], $0xffff;
	v22 =	vadd.f32 v63, v62  }
.LBB2_2:
0x96: {  	p0 =	sne.s32 s28, $0xF0  }
0x97: {  	v24 =	vor.u32 s25, v0;
	v25 =	vmul.f32 v12, v12;
	v26 =	vmul.f32 v5, v5;
	s24 =	sadd.s32 $0x10, s24;
	s25 =	smov.u32 s28;
	s28 =	sadd.s32 $0x10, s28  }
0x98: {  	v27 =	vshll.u32 v24, $0x1;
	v22 =	vadd.f32 v23, v22;
	v23 =	vmul.f32 v15, v15;
	v4 =	vld.idx.msk [tilespmem:v4+s10+$0x0], $0xffff  }
0x99: {  	v9 =	vsub.f32 v9, v14;
	v14 =	vadd.f32 v21, v20;
	v28 =	vor.u32 $0x1, v27;
	v3 =	vld.idx.msk [tilespmem:v3+s10+$0x0], $0xffff  }
0x9a: {  	v10 =	vadd.f32 v10, v19;
	v20 =	vmul.f32 v13, v13;
	v19 =	vadd.f32 v23, v22  }
0x9b: {  	v12 =	vsub.f32 v12, v15;
	v15 =	vmul.f32 v8, v8;
	v14 =	vadd.f32 v25, v14  }
0x9c: {  	v10 =	vadd.f32 v16, v10;
	v16 =	vmul.f32 v18, v18;
	v18 =	vadd.f32 v20, v19  }
0x9d: {  	v6 =	vsub.f32 v6, v7;
	v7 =	vadd.f32 v15, v14;
	v14 =	vmul.f32 v11, v11  }
0x9e: {  	v10 =	vadd.f32 v16, v10;
	v15 =	vmul.f32 v17, v17;
	v16 =	vmul.f32 v4, v4  }
0x9f: {  	v7 =	vadd.f32 v26, v7;
	v14 =	vadd.f32 v14, v18;
	v17 =	vmul.f32 v3, v3  }
0xa0: {  	v6 =	vmul.f32 v6, v6;
	v8 =	vsub.f32 v8, v13;
	v10 =	vadd.f32 v15, v10  }
0xa1: {  	v7 =	vadd.f32 v17, v7;
	v13 =	vadd.f32 v16, v14  }
0xa2: {  	v9 =	vmul.f32 v9, v9;
	v3 =	vsub.f32 v3, v4;
	v6 =	vadd.f32 v6, v10  }
0xa3: {  	v4 =	vmul.f32 v12, v12;
	v7 =	vsub.f32 $1.000000000e+00, v7;
	v10 =	vsub.f32 $1.000000000e+00, v13  }
0xa4: {  	v5 =	vsub.f32 v5, v11;
	v12 =	vshll.u32 v24, $0x8;
	v6 =	vadd.f32 v9, v6  }
0xa5: {  	v7 =	vmul.f32 v10, v7  }
0xa6: {  	v4 =	vadd.f32 v4, v6;
	v6 =	vmul.f32 v8, v8  }
0xa7: {  	(erf) = vrcp.f32 v7  }
0xa8: {  	v5 =	vmul.f32 v5, v5;
	v4 =	vadd.f32 v6, v4;
	_ =	sdelay $0x1  }
0xa9: {  	v3 =	vmul.f32 v3, v3;
	v4 =	vadd.f32 v5, v4;
	_ =	sdelay $0x1  }
0xaa: {  	v3 =	vadd.f32 v3, v4;
	_ =	sdelay $0x2  }
0xab: {  	v3 =	vadd.f32 v3, v3  }
0xac: {  	v4 =	vpop (erf)  }
0xad: {  	v3 =	vmul.f32 v4, v3;
	_ =	sdelay $0x1  }
0xae: {  	v3 =	vadd.f32 $1.000000000e+00, v3;
	_ =	sdelay $0x1  }
0xaf: {  	[tilespmem:s26+$0x0] =	vst v3;
	s26 =	smov.u32 s24;
	_ =	sdelay $0x1  }
0xb0: {  	v3 =	vld.idx.msk [tilespmem:v28+s3+$0x0], $0xffff  }
0xb1: {  	v4 =	vld.idx.msk [tilespmem:v27+s3+$0x0], $0xffff;
	_ =	sdelay $0x4  }
0xb2: {  	v3 =	vshll.u32 v3, $0x4  }
0xb3: {  	v4 =	vshll.u32 v4, $0x4;
	v3 =	vand.u32 $0x70, v3  }
0xb4: {  	v4 =	vand.u32 $0x70, v4;
	v3 =	vor.u32 v3, v12  }
0xb5: {  	v4 =	vor.u32 v12, v4;
	v5 =	vor.u32 $0x80, v3;
	v6 =	vor.u32 $0x81, v3  }
0xb6: {  	v7 =	vor.u32 $0x1, v4;
	v8 =	vor.u32 $0x2, v4;
	v9 =	vor.u32 $0x3, v4  }
0xb7: {  	v10 =	vor.u32 $0x2, v5;
	v11 =	vor.u32 $0x3, v5;
	v12 =	vor.u32 $0x4, v4  }
0xb8: {  	v13 =	vor.u32 $0x84, v3;
	v14 =	vor.u32 $0x5, v4;
	v15 =	vor.u32 $0x6, v4  }
0xb9: {  	v16 =	vor.u32 $0x5, v5;
	v17 =	vor.u32 $0x6, v5;
	v18 =	vor.u32 $0x7, v4  }
0xba: {  	v20 =	vor.u32 $0x7, v5;
	v21 =	vor.u32 $0x8, v4;
	v22 =	vor.u32 $0x9, v4;
	v19 =	vld.idx.msk [tilespmem:v4+s10+$0x0], $0xffff  }
0xbb: {  	v23 =	vor.u32 $0x88, v3;
	v24 =	vor.u32 $0x9, v5;
	v25 =	vor.u32 $0xA, v4;
	v7 =	vld.idx.msk [tilespmem:v7+s10+$0x0], $0xffff  }
0xbc: {  	v26 =	vor.u32 $0xA, v5;
	v27 =	vor.u32 $0xB, v4;
	v28 =	vor.u32 $0xB, v5;
	v6 =	vld.idx.msk [tilespmem:v6+s10+$0x0], $0xffff  }
0xbd: {  	v29 =	vor.u32 $0xC, v4;
	v30 =	vor.u32 $0xC, v5;
	v31 =	vor.u32 $0xD, v4;
	v8 =	vld.idx.msk [tilespmem:v8+s10+$0x0], $0xffff  }
0xbe: {  	v33 =	vor.u32 $0xD, v5;
	v34 =	vor.u32 $0xE, v4;
	v35 =	vor.u32 $0xE, v5;
	v32 =	vld.idx.msk [tilespmem:v5+s10+$0x0], $0xffff  }
0xbf: {  	v3 =	vor.u32 $0xF, v4;
	v4 =	vor.u32 $0xF, v5;
	v9 =	vld.idx.msk [tilespmem:v9+s10+$0x0], $0xffff  }
0xc0: {  	v5 =	vld.idx.msk [tilespmem:v10+s10+$0x0], $0xffff  }
0xc1: {  	v10 =	vmul.f32 v19, v19;
	v36 =	vmul.f32 v7, v7;
	v12 =	vld.idx.msk [tilespmem:v12+s10+$0x0], $0xffff  }
0xc2: {  	v7 =	vsub.f32 v7, v6;
	v6 =	vmul.f32 v6, v6;
	v11 =	vld.idx.msk [tilespmem:v11+s10+$0x0], $0xffff  }
0xc3: {  	v10 =	vadd.f32 v36, v10;
	v36 =	vmul.f32 v8, v8;
	v14 =	vld.idx.msk [tilespmem:v14+s10+$0x0], $0xffff  }
0xc4: {  	v19 =	vsub.f32 v19, v32;
	v32 =	vmul.f32 v32, v32;
	v13 =	vld.idx.msk [tilespmem:v13+s10+$0x0], $0xffff  }
0xc5: {  	v7 =	vmul.f32 v7, v7;
	v10 =	vadd.f32 v36, v10;
	v36 =	vmul.f32 v9, v9;
	v15 =	vld.idx.msk [tilespmem:v15+s10+$0x0], $0xffff  }
0xc6: {  	v19 =	vmul.f32 v19, v19;
	v6 =	vadd.f32 v6, v32;
	v32 =	vmul.f32 v5, v5;
	v16 =	vld.idx.msk [tilespmem:v16+s10+$0x0], $0xffff  }
0xc7: {  	v5 =	vsub.f32 v8, v5;
	v8 =	vadd.f32 v36, v10;
	v10 =	vmul.f32 v12, v12;
	v18 =	vld.idx.msk [tilespmem:v18+s10+$0x0], $0xffff  }
0xc8: {  	v7 =	vadd.f32 v7, v19;
	v6 =	vadd.f32 v32, v6;
	v19 =	vmul.f32 v11, v11;
	v17 =	vld.idx.msk [tilespmem:v17+s10+$0x0], $0xffff  }
0xc9: {  	v5 =	vmul.f32 v5, v5;
	v8 =	vadd.f32 v10, v8;
	v10 =	vmul.f32 v14, v14;
	v32 =	vld.idx.msk [tilespmem:v21+s10+$0x0], $0xffff  }
0xca: {  	v6 =	vadd.f32 v19, v6;
	v12 =	vsub.f32 v12, v13;
	v13 =	vmul.f32 v13, v13;
	v19 =	vld.idx.msk [tilespmem:v20+s10+$0x0], $0xffff  }
0xcb: {  	v20 =	vadd.f32 v5, v7;
	v5 =	vadd.f32 v10, v8;
	v7 =	vmul.f32 v15, v15;
	v21 =	vld.idx.msk [tilespmem:v22+s10+$0x0], $0xffff  }
0xcc: {  	v8 =	vadd.f32 v13, v6;
	v13 =	vsub.f32 v14, v16;
	v10 =	vmul.f32 v16, v16;
	v22 =	vld.idx.msk [tilespmem:v23+s10+$0x0], $0xffff  }
0xcd: {  	v5 =	vadd.f32 v7, v5;
	v7 =	vmul.f32 v18, v18;
	v6 =	vld.idx.msk [tilespmem:v25+s10+$0x0], $0xffff  }
0xce: {  	v8 =	vadd.f32 v10, v8;
	v10 =	vsub.f32 v15, v17;
	v14 =	vmul.f32 v17, v17;
	v17 =	vld.idx.msk [tilespmem:v24+s10+$0x0], $0xffff  }
0xcf: {  	v9 =	vsub.f32 v9, v11;
	v11 =	vadd.f32 v7, v5;
	v15 =	vmul.f32 v32, v32;
	v5 =	vld.idx.msk [tilespmem:v34+s10+$0x0], $0xffff  }
0xd0: {  	v8 =	vadd.f32 v14, v8;
	v10 =	vmul.f32 v10, v10;
	v14 =	vmul.f32 v19, v19;
	v7 =	vld.idx.msk [tilespmem:v26+s10+$0x0], $0xffff  }
0xd1: {  	v16 =	vmul.f32 v9, v9;
	v23 =	vmul.f32 v13, v13;
	v11 =	vadd.f32 v15, v11;
	v9 =	vld.idx.msk [tilespmem:v27+s10+$0x0], $0xffff  }
0xd2: {  	v13 =	vsub.f32 v18, v19;
	v8 =	vadd.f32 v14, v8;
	v15 =	vmul.f32 v22, v22;
	v14 =	vld.idx.msk [tilespmem:v28+s10+$0x0], $0xffff  }
0xd3: {  	v18 =	vadd.f32 v16, v20;
	v19 =	vmul.f32 v12, v12;
	v20 =	vmul.f32 v21, v21;
	v12 =	vld.idx.msk [tilespmem:v29+s10+$0x0], $0xffff  }
.Ltmp0:
0xd4: {  	v16 =	vmul.f32 v13, v13;
	v13 =	vadd.f32 v15, v8;
	v24 =	vmul.f32 v17, v17;
	v15 =	vld.idx.msk [tilespmem:v30+s10+$0x0], $0xffff;
	(pc) =	sbr.rel @p0 .LBB2_2-.Ltmp0, $4  }
0xd5: {  	v18 =	vadd.f32 v19, v18;
	v11 =	vadd.f32 v20, v11;
	v20 =	vmul.f32 v6, v6;
	v8 =	vld.idx.msk [tilespmem:v31+s10+$0x0], $0xffff  }
0xd6: {  	v17 =	vsub.f32 v21, v17;
	v24 =	vadd.f32 v24, v13;
	v25 =	vmul.f32 v7, v7;
	v13 =	vld.idx.msk [tilespmem:v33+s10+$0x0], $0xffff  }
0xd7: {  	v19 =	vadd.f32 v23, v18;
	v20 =	vadd.f32 v20, v11;
	v21 =	vmul.f32 v9, v9  }
0xd8: {  	v18 =	vsub.f32 v32, v22;
	v22 =	vadd.f32 v25, v24;
	v23 =	vmul.f32 v14, v14;
	v11 =	vld.idx.msk [tilespmem:v35+s10+$0x0], $0xffff  }
0xd9: {  	_ =	sdelay $0x2  }
0xda: {  	v24 =	vmul.f32 v12, v12  }
0xdb: {  	v4 =	vld.idx.msk [tilespmem:v4+s10+$0x0], $0xffff;
	v20 =	vadd.f32 v21, v20;
	v22 =	vadd.f32 v23, v22;
	v23 =	vmul.f32 v15, v15  }
0xdc: {  	v3 =	vld.idx.msk [tilespmem:v3+s10+$0x0], $0xffff;
	v10 =	vadd.f32 v10, v19;
	v6 =	vsub.f32 v6, v7;
	v21 =	vmul.f32 v13, v13  }
0xdd: {  	v20 =	vadd.f32 v24, v20;
	v19 =	vadd.f32 v23, v22;
	v23 =	vmul.f32 v8, v8  }
0xde: {  	v10 =	vadd.f32 v16, v10;
	v16 =	vmul.f32 v18, v18;
	v22 =	vmul.f32 v5, v5  }
0xdf: {  	v18 =	vadd.f32 v21, v19;
	v7 =	vadd.f32 v23, v20;
	v19 =	vmul.f32 v11, v11  }
0xe0: {  	v10 =	vadd.f32 v16, v10;
	v16 =	vmul.f32 v17, v17;
	v17 =	vmul.f32 v4, v4  }
0xe1: {  	v7 =	vadd.f32 v22, v7;
	v18 =	vadd.f32 v19, v18;
	v19 =	vmul.f32 v3, v3  }
0xe2: {  	v9 =	vsub.f32 v9, v14;
	v6 =	vmul.f32 v6, v6;
	v10 =	vadd.f32 v16, v10  }
0xe3: {  	v7 =	vadd.f32 v19, v7;
	v14 =	vadd.f32 v17, v18  }
0xe4: {  	v12 =	vsub.f32 v12, v15;
	v6 =	vadd.f32 v6, v10  }
0xe5: {  	v9 =	vmul.f32 v9, v9;
	v7 =	vsub.f32 $1.000000000e+00, v7;
	v10 =	vsub.f32 $1.000000000e+00, v14  }
0xe6: {  	v12 =	vmul.f32 v12, v12  }
0xe7: {  	v8 =	vsub.f32 v8, v13;
	v6 =	vadd.f32 v9, v6;
	v7 =	vmul.f32 v10, v7  }
0xe8: {  	v5 =	vsub.f32 v5, v11  }
0xe9: {  	v8 =	vmul.f32 v8, v8;
	v6 =	vadd.f32 v12, v6;
	(erf) = vrcp.f32 v7;
	_ =	sdelay $0x1  }
0xea: {  	v5 =	vmul.f32 v5, v5;
	v3 =	vsub.f32 v3, v4;
	v4 =	vadd.f32 v8, v6;
	_ =	sdelay $0x1  }
0xeb: {  	v3 =	vmul.f32 v3, v3;
	v4 =	vadd.f32 v5, v4;
	_ =	sdelay $0x1  }
0xec: {  	v3 =	vadd.f32 v3, v4;
	_ =	sdelay $0x1  }
0xed: {  	v3 =	vadd.f32 v3, v3  }
0xee: {  	v4 =	vor.u32 s25, v0;
	v5 =	vpop (erf)  }
0xef: {  	v6 =	vshll.u32 v4, $0x1;
	v3 =	vmul.f32 v5, v3  }
0xf0: {  	v5 =	vor.u32 $0x1, v6  }
0xf1: {  	v3 =	vadd.f32 $1.000000000e+00, v3;
	_ =	sdelay $0x1  }
0xf2: {  	[tilespmem:s26+$0x0] =	vst v3  }
0xf3: {  	v3 =	vld.idx.msk [tilespmem:v6+s3+$0x0], $0xffff  }
0xf4: {  	v5 =	vld.idx.msk [tilespmem:v5+s3+$0x0], $0xffff;
	_ =	sdelay $0x3  }
0xf5: {  	v3 =	vshll.u32 v3, $0x4  }
0xf6: {  	v4 =	vshll.u32 v4, $0x8;
	v5 =	vshll.u32 v5, $0x4;
	v3 =	vand.u32 $0x70, v3  }
0xf7: {  	v5 =	vand.u32 $0x70, v5;
	v3 =	vor.u32 v4, v3  }
0xf8: {  	v4 =	vor.u32 v5, v4;
	v5 =	vor.u32 $0x1, v3  }
0xf9: {  	v6 =	vor.u32 $0x81, v4  }
0xfa: {  	v7 =	vor.u32 $0x80, v4  }
0xfb: {  	v8 =	vor.u32 $0x2, v3  }
0xfc: {  	v9 =	vor.u32 $0x3, v3;
	v14 =	vld.idx.msk [tilespmem:v3+s10+$0x0], $0xffff  }
0xfd: {  	v12 =	vor.u32 $0x4, v3;
	v5 =	vld.idx.msk [tilespmem:v5+s10+$0x0], $0xffff  }
0xfe: {  	v13 =	vor.u32 $0x84, v4;
	v15 =	vor.u32 $0x5, v3;
	v16 =	vor.u32 $0x6, v3;
	v6 =	vld.idx.msk [tilespmem:v6+s10+$0x0], $0xffff  }
0xff: {  	v19 =	vor.u32 $0x7, v3;
	v21 =	vor.u32 $0x8, v3;
	v10 =	vor.u32 $0x2, v7;
	v23 =	vld.idx.msk [tilespmem:v7+s10+$0x0], $0xffff  }
0x100: {  	v22 =	vor.u32 $0x9, v3;
	v4 =	vor.u32 $0x88, v4;
	v25 =	vor.u32 $0xA, v3;
	v8 =	vld.idx.msk [tilespmem:v8+s10+$0x0], $0xffff  }
0x101: {  	v27 =	vor.u32 $0xB, v3;
	v29 =	vor.u32 $0xC, v3;
	v11 =	vor.u32 $0x3, v7;
	v9 =	vld.idx.msk [tilespmem:v9+s10+$0x0], $0xffff  }
0x102: {  	v31 =	vor.u32 $0xD, v3;
	v33 =	vor.u32 $0xE, v3;
	v17 =	vor.u32 $0x5, v7;
	v12 =	vld.idx.msk [tilespmem:v12+s10+$0x0], $0xffff  }
0x103: {  	v18 =	vor.u32 $0x6, v7;
	v20 =	vor.u32 $0x7, v7;
	v57 =	vor.u32 $0x9, v7;
	v13 =	vld.idx.msk [tilespmem:v13+s10+$0x0], $0xffff  }
0x104: {  	v26 =	vor.u32 $0xA, v7;
	v28 =	vor.u32 $0xB, v7;
	v30 =	vor.u32 $0xC, v7;
	v10 =	vld.idx.msk [tilespmem:v10+s10+$0x0], $0xffff  }
0x105: {  	v32 =	vor.u32 $0xD, v7;
	v3 =	vor.u32 $0xF, v3;
	v15 =	vld.idx.msk [tilespmem:v15+s10+$0x0], $0xffff;
	v34 =	vmul.f32 v14, v14  }
0x106: {  	v11 =	vld.idx.msk [tilespmem:v11+s10+$0x0], $0xffff;
	v35 =	vmul.f32 v5, v5;
	v5 =	vsub.f32 v5, v6;
	v6 =	vmul.f32 v6, v6  }
0x107: {  	v17 =	vld.idx.msk [tilespmem:v17+s10+$0x0], $0xffff;
	v36 =	vmul.f32 v23, v23;
	v58 =	vmul.f32 v8, v8;
	v14 =	vsub.f32 v14, v23  }
0x108: {  	v16 =	vld.idx.msk [tilespmem:v16+s10+$0x0], $0xffff;
	v23 =	vor.u32 $0xE, v7;
	v60 =	vmul.f32 v9, v9;
	v34 =	vadd.f32 v35, v34  }
0x109: {  	v18 =	vld.idx.msk [tilespmem:v18+s10+$0x0], $0xffff;
	v62 =	vmul.f32 v12, v12;
	v59 =	vmul.f32 v10, v10;
	v6 =	vadd.f32 v6, v36  }
0x10a: {  	v63 =	vmul.f32 v13, v13;
	v12 =	vsub.f32 v12, v13;
	v34 =	vadd.f32 v58, v34  }
0x10b: {  	v61 =	vmul.f32 v11, v11;
	v8 =	vsub.f32 v8, v10;
	v6 =	vadd.f32 v59, v6  }
0x10c: {  	v40 =	vmul.f32 v15, v15;
	v15 =	vsub.f32 v15, v17;
	v34 =	vadd.f32 v60, v34  }
0x10d: {  	v19 =	vld.idx.msk [tilespmem:v19+s10+$0x0], $0xffff;
	v5 =	vmul.f32 v5, v5;
	v14 =	vmul.f32 v14, v14;
	v6 =	vadd.f32 v61, v6  }
0x10e: {  	v20 =	vld.idx.msk [tilespmem:v20+s10+$0x0], $0xffff;
	v41 =	vmul.f32 v16, v16;
	v16 =	vsub.f32 v16, v18;
	v10 =	vadd.f32 v62, v34  }
0x10f: {  	v5 =	vadd.f32 v5, v14;
	v14 =	vld.idx.msk [tilespmem:v21+s10+$0x0], $0xffff;
	v21 =	vmul.f32 v17, v17;
	v6 =	vadd.f32 v63, v6  }
0x110: {  	v4 =	vld.idx.msk [tilespmem:v4+s10+$0x0], $0xffff;
	v7 =	vor.u32 $0xF, v7;
	v9 =	vsub.f32 v9, v11;
	v10 =	vadd.f32 v40, v10  }
0x111: {  	v13 =	vld.idx.msk [tilespmem:v22+s10+$0x0], $0xffff;
	v8 =	vmul.f32 v8, v8;
	v6 =	vadd.f32 v21, v6;
	v21 =	vmul.f32 v18, v18  }
0x112: {  	v22 =	vld.idx.msk [tilespmem:v57+s10+$0x0], $0xffff;
	v12 =	vmul.f32 v12, v12;
	v17 =	vmul.f32 v19, v19;
	v10 =	vadd.f32 v41, v10  }
0x113: {  	v42 =	vld.idx.msk [tilespmem:v25+s10+$0x0], $0xffff;
	v5 =	vadd.f32 v8, v5;
	v18 =	vmul.f32 v20, v20;
	v6 =	vadd.f32 v21, v6  }
0x114: {  	v8 =	vmul.f32 v9, v9;
	v11 =	vmul.f32 v14, v14;
	v10 =	vadd.f32 v17, v10;
	v17 =	vld.idx.msk [tilespmem:v26+s10+$0x0], $0xffff  }
0x115: {  	v9 =	vmul.f32 v15, v15;
	v15 =	vld.idx.msk [tilespmem:v28+s10+$0x0], $0xffff;
	v6 =	vadd.f32 v18, v6;
	v18 =	vmul.f32 v4, v4  }
0x116: {  	v5 =	vadd.f32 v8, v5;
	v8 =	vmul.f32 v13, v13;
	v10 =	vadd.f32 v11, v10;
	v11 =	vld.idx.msk [tilespmem:v27+s10+$0x0], $0xffff  }
0x117: {  	v43 =	vld.idx.msk [tilespmem:v29+s10+$0x0], $0xffff;
	v19 =	vsub.f32 v19, v20;
	v6 =	vadd.f32 v18, v6;
	v18 =	vmul.f32 v22, v22  }
0x118: {  	v20 =	vld.idx.msk [tilespmem:v30+s10+$0x0], $0xffff;
	v5 =	vadd.f32 v12, v5;
	v8 =	vadd.f32 v8, v10;
	v10 =	vmul.f32 v42, v42  }
0x119: {  	v44 =	vld.idx.msk [tilespmem:v32+s10+$0x0], $0xffff;
	v16 =	vmul.f32 v16, v16;
	v6 =	vadd.f32 v18, v6;
	v18 =	vmul.f32 v17, v17  }
0x11a: {  	v19 =	vmul.f32 v19, v19;
	v12 =	vld.idx.msk [tilespmem:v31+s10+$0x0], $0xffff;
	v5 =	vadd.f32 v9, v5;
	v8 =	vadd.f32 v10, v8  }
0x11b: {  	v21 =	vld.idx.msk [tilespmem:v33+s10+$0x0], $0xffff;
	v6 =	vadd.f32 v18, v6;
	v18 =	vmul.f32 v15, v15;
	v10 =	vmul.f32 v11, v11  }
0x11c: {  	v9 =	vld.idx.msk [tilespmem:v23+s10+$0x0], $0xffff;
	v4 =	vsub.f32 v14, v4;
	v14 =	vmul.f32 v43, v43;
	v5 =	vadd.f32 v16, v5  }
0x11d: {  	v7 =	vld.idx.msk [tilespmem:v7+s10+$0x0], $0xffff;
	v6 =	vadd.f32 v18, v6;
	v18 =	vmul.f32 v20, v20;
	v8 =	vadd.f32 v10, v8  }
0x11e: {  	v3 =	vld.idx.msk [tilespmem:v3+s10+$0x0], $0xffff;
	v5 =	vadd.f32 v19, v5;
	v4 =	vmul.f32 v4, v4;
	v10 =	vmul.f32 v44, v44  }
0x11f: {  	v6 =	vadd.f32 v18, v6;
	v8 =	vadd.f32 v14, v8;
	v14 =	vmul.f32 v12, v12  }
0x120: {  	v13 =	vsub.f32 v13, v22;
	v16 =	vmul.f32 v21, v21;
	v4 =	vadd.f32 v4, v5  }
0x121: {  	v6 =	vadd.f32 v10, v6;
	v8 =	vadd.f32 v14, v8;
	v14 =	vmul.f32 v9, v9  }
0x122: {  	v5 =	vmul.f32 v13, v13;
	v13 =	vmul.f32 v7, v7;
	v10 =	vsub.f32 v42, v17  }
0x123: {  	v8 =	vadd.f32 v16, v8;
	v6 =	vadd.f32 v14, v6;
	v14 =	vmul.f32 v3, v3  }
0x124: {  	v4 =	vadd.f32 v5, v4;
	v11 =	vsub.f32 v11, v15;
	v5 =	vmul.f32 v10, v10  }
0x125: {  	v8 =	vadd.f32 v14, v8;
	v6 =	vadd.f32 v13, v6  }
0x126: {  	v10 =	vsub.f32 v43, v20;
	v4 =	vadd.f32 v5, v4  }
0x127: {  	v5 =	vmul.f32 v11, v11;
	v8 =	vsub.f32 $1.000000000e+00, v8;
	v6 =	vsub.f32 $1.000000000e+00, v6  }
0x128: {  	v11 =	vsub.f32 v12, v44  }
0x129: {  	v10 =	vmul.f32 v10, v10;
	v4 =	vadd.f32 v5, v4;
	v5 =	vmul.f32 v6, v8  }
0x12a: {  	v6 =	vsub.f32 v21, v9  }
0x12b: {  	v4 =	vadd.f32 v10, v4;
	v8 =	vmul.f32 v11, v11;
	(erf) = vrcp.f32 v5;
	_ =	sdelay $0x1  }
0x12c: {  	v3 =	vsub.f32 v3, v7;
	v4 =	vadd.f32 v8, v4;
	v5 =	vmul.f32 v6, v6;
	_ =	sdelay $0x1  }
0x12d: {  	v3 =	vmul.f32 v3, v3;
	v4 =	vadd.f32 v5, v4;
	_ =	sdelay $0x1  }
0x12e: {  	v3 =	vadd.f32 v3, v4;
	_ =	sdelay $0x1  }
0x12f: {  	v3 =	vadd.f32 v3, v3  }
0x130: {  	v4 =	vpop (erf)  }
0x131: {  	v3 =	vmul.f32 v4, v3;
	_ =	sdelay $0x1  }
0x132: {  	v3 =	vadd.f32 $1.000000000e+00, v3  }
0x133: {  	s24 =	sadd.s32 $0x10, s24  }
0x134: {  	[tilespmem:s24+$0x0] =	vst v3  }
0x135: {  	[tilespmem:s10], [sflag:$0x1] =	stream.indirect.gather [hbm4b:s1+s8], $0x80, s18, s8, $0xb8;
	[tilespmem:$0x10A00] =	vst v63  }
0x136: {  	_ = 	snop  }
0x137: {  	[tilespmem:s12], [sflag:$0x1] =	stream.indirect.gather [hbm4b:s1+s8], $0x80, s19, s8, $0xb8;
	[tilespmem:$0x10A00] =	vst v63  }
0x138: {  	_ = 	snop  }
0x139: {  	[tilespmem:s14], [sflag:$0x1] =	stream.indirect.gather [hbm4b:s1+s8], $0x80, s20, s8, $0xb8;
	[tilespmem:$0x10A00] =	vst v63  }
0x13a: {  	_ = 	snop  }
0x13b: {  	[tilespmem:s16], [sflag:$0x1] =	stream.indirect.gather [hbm4b:s1+s8], $0x80, s21, s8, $0xb8;
	[tilespmem:$0x10A00] =	vst v63  }
0x13c: {  	_ =	swait.ge [sflag:s17], $0x4000  }
0x13d: {  	[sflag:s17] =	ssyncset.done $0x0  }
0x13e: {  	[sflag:s17] =	ssyncadd.s32 $0xFFFFC000  }
0x13f: {  	s25 =	simm.s32 $0x0;
	_ =	swait.ge [sflag:s17], $0x4000  }
0x140: {  	v3 =	vmov s25;
	[sflag:s17] =	ssyncset.done $0x0  }
0x141: {  	v4 =	vshll.u32 v3, $0x1;
	[sflag:s17] =	ssyncadd.s32 $0xFFFFC000  }
0x142: {  	v4 =	vor.u32 v2, v4;
	_ =	swait.ge [sflag:s17], $0x4000  }
0x143: {  	v5 =	vor.u32 $0x1, v4;
	[sflag:s17] =	ssyncset.done $0x0  }
0x144: {  	[sflag:s17] =	ssyncadd.s32 $0xFFFFC000  }
0x145: {  	_ =	swait.ge [sflag:s17], $0x4000  }
0x146: {  	[sflag:s17] =	ssyncset.done $0x0  }
0x147: {  	[sflag:s17] =	ssyncadd.s32 $0xFFFFC000  }
0x148: {  	v5 =	vld.idx.msk [tilespmem:v5+s3+$0x0], $0xffff  }
0x149: {  	v4 =	vld.idx.msk [tilespmem:v4+s3+$0x0], $0xffff;
	_ =	sdelay $0x4  }
0x14a: {  	v3 =	vshll.u32 v3, $0x8;
	v5 =	vshll.u32 v5, $0x4;
	v4 =	vshll.u32 v4, $0x4  }
0x14b: {  	v3 =	vor.u32 v1, v3;
	v5 =	vand.u32 $0x70, v5;
	v4 =	vand.u32 $0x70, v4  }
0x14c: {  	v5 =	vor.u32 v5, v3;
	v3 =	vor.u32 v3, v4  }
0x14d: {  	v6 =	vor.u32 $0x1, v3  }
0x14e: {  	v8 =	vor.u32 $0x2, v3  }
0x14f: {  	v4 =	vor.u32 $0x80, v5  }
0x150: {  	v10 =	vor.u32 $0x3, v3  }
0x151: {  	v9 =	vor.u32 $0x81, v5;
	v14 =	vld.idx.msk [tilespmem:v3+s10+$0x0], $0xffff  }
0x152: {  	v12 =	vor.u32 $0x4, v3;
	v6 =	vld.idx.msk [tilespmem:v6+s10+$0x0], $0xffff  }
0x153: {  	v13 =	vor.u32 $0x84, v5;
	v15 =	vor.u32 $0x5, v3;
	v16 =	vor.u32 $0x6, v3;
	v8 =	vld.idx.msk [tilespmem:v8+s10+$0x0], $0xffff  }
0x154: {  	v19 =	vor.u32 $0x7, v3;
	v21 =	vor.u32 $0x8, v3;
	v22 =	vor.u32 $0x9, v3;
	v47 =	vld.idx.msk [tilespmem:v4+s10+$0x0], $0xffff  }
0x155: {  	v5 =	vor.u32 $0x88, v5;
	v45 =	vor.u32 $0xA, v3;
	v7 =	vor.u32 $0x2, v4;
	v10 =	vld.idx.msk [tilespmem:v10+s10+$0x0], $0xffff  }
0x156: {  	v48 =	vor.u32 $0xB, v3;
	v50 =	vor.u32 $0xC, v3;
	v11 =	vor.u32 $0x3, v4;
	v9 =	vld.idx.msk [tilespmem:v9+s10+$0x0], $0xffff  }
0x157: {  	v54 =	vor.u32 $0xD, v3;
	v56 =	vor.u32 $0xE, v3;
	v17 =	vor.u32 $0x5, v4;
	v12 =	vld.idx.msk [tilespmem:v12+s10+$0x0], $0xffff  }
0x158: {  	v18 =	vor.u32 $0x6, v4;
	v20 =	vor.u32 $0x7, v4;
	v23 =	vor.u32 $0x9, v4;
	v15 =	vld.idx.msk [tilespmem:v15+s10+$0x0], $0xffff  }
0x159: {  	v46 =	vor.u32 $0xA, v4;
	v49 =	vor.u32 $0xB, v4;
	v51 =	vor.u32 $0xC, v4;
	v13 =	vld.idx.msk [tilespmem:v13+s10+$0x0], $0xffff  }
0x15a: {  	v55 =	vor.u32 $0xD, v4;
	v7 =	vld.idx.msk [tilespmem:v7+s10+$0x0], $0xffff;
	v52 =	vmul.f32 v14, v14;
	v53 =	vmul.f32 v6, v6  }
0x15b: {  	v57 =	vor.u32 $0xE, v4;
	v11 =	vld.idx.msk [tilespmem:v11+s10+$0x0], $0xffff;
	v58 =	vmul.f32 v8, v8;
	v14 =	vsub.f32 v14, v47  }
0x15c: {  	v59 =	vmul.f32 v10, v10;
	v26 =	vmul.f32 v47, v47;
	v31 =	vadd.f32 v53, v52  }
0x15d: {  	v6 =	vsub.f32 v6, v9;
	v9 =	vmul.f32 v9, v9;
	v60 =	vmul.f32 v12, v12  }
0x15e: {  	v16 =	vld.idx.msk [tilespmem:v16+s10+$0x0], $0xffff;
	v62 =	vmul.f32 v15, v15;
	v12 =	vsub.f32 v12, v13;
	v31 =	vadd.f32 v58, v31  }
0x15f: {  	v19 =	vld.idx.msk [tilespmem:v19+s10+$0x0], $0xffff;
	v8 =	vsub.f32 v8, v7;
	v7 =	vmul.f32 v7, v7;
	v9 =	vadd.f32 v9, v26  }
0x160: {  	v17 =	vld.idx.msk [tilespmem:v17+s10+$0x0], $0xffff;
	v10 =	vsub.f32 v10, v11;
	v14 =	vmul.f32 v14, v14;
	v31 =	vadd.f32 v59, v31  }
0x161: {  	v18 =	vld.idx.msk [tilespmem:v18+s10+$0x0], $0xffff;
	v6 =	vmul.f32 v6, v6;
	v7 =	vadd.f32 v7, v9;
	v9 =	vmul.f32 v11, v11  }
0x162: {  	v12 =	vmul.f32 v12, v12;
	v8 =	vmul.f32 v8, v8;
	v61 =	vadd.f32 v60, v31  }
0x163: {  	v21 =	vld.idx.msk [tilespmem:v21+s10+$0x0], $0xffff;
	v6 =	vadd.f32 v6, v14;
	v7 =	vadd.f32 v9, v7;
	v9 =	vmul.f32 v13, v13  }
0x164: {  	v10 =	vmul.f32 v10, v10;
	v11 =	vld.idx.msk [tilespmem:v20+s10+$0x0], $0xffff;
	v20 =	vmul.f32 v16, v16;
	v14 =	vadd.f32 v62, v61  }
0x165: {  	v22 =	vld.idx.msk [tilespmem:v22+s10+$0x0], $0xffff;
	v6 =	vadd.f32 v8, v6;
	v8 =	vmul.f32 v17, v17;
	v7 =	vadd.f32 v9, v7  }
0x166: {  	v5 =	vld.idx.msk [tilespmem:v5+s10+$0x0], $0xffff;
	v16 =	vsub.f32 v16, v18;
	v13 =	vadd.f32 v20, v14;
	v14 =	vmul.f32 v19, v19  }
0x167: {  	v6 =	vadd.f32 v10, v6;
	v10 =	vmul.f32 v18, v18;
	v8 =	vadd.f32 v8, v7;
	v20 =	vld.idx.msk [tilespmem:v45+s10+$0x0], $0xffff  }
0x168: {  	v9 =	vsub.f32 v15, v17;
	v13 =	vadd.f32 v14, v13;
	v14 =	vmul.f32 v21, v21  }
0x169: {  	v15 =	vld.idx.msk [tilespmem:v23+s10+$0x0], $0xffff;
	v7 =	vsub.f32 v19, v11;
	v8 =	vadd.f32 v10, v8;
	v10 =	vmul.f32 v11, v11  }
0x16a: {  	v63 =	vld.idx.msk [tilespmem:v48+s10+$0x0], $0xffff;
	v6 =	vadd.f32 v12, v6;
	v13 =	vadd.f32 v14, v13;
	v14 =	vmul.f32 v22, v22  }
0x16b: {  	v9 =	vmul.f32 v9, v9;
	v19 =	vld.idx.msk [tilespmem:v46+s10+$0x0], $0xffff;
	v8 =	vadd.f32 v10, v8;
	v21 =	vsub.f32 v21, v5  }
0x16c: {  	v23 =	vld.idx.msk [tilespmem:v49+s10+$0x0], $0xffff;
	v5 =	vmul.f32 v5, v5;
	v11 =	vadd.f32 v14, v13;
	v13 =	vmul.f32 v20, v20  }
0x16d: {  	v4 =	vor.u32 $0xF, v4;
	v12 =	vmul.f32 v16, v16;
	v9 =	vadd.f32 v9, v6;
	v6 =	vld.idx.msk [tilespmem:v55+s10+$0x0], $0xffff  }
0x16e: {  	v10 =	vmul.f32 v15, v15;
	v5 =	vadd.f32 v5, v8;
	v17 =	vadd.f32 v13, v11;
	v11 =	vld.idx.msk [tilespmem:v50+s10+$0x0], $0xffff  }
0x16f: {  	v3 =	vor.u32 $0xF, v3;
	v18 =	vadd.f32 v12, v9;
	v14 =	vld.idx.msk [tilespmem:v51+s10+$0x0], $0xffff;
	v13 =	vsub.f32 v22, v15  }
0x170: {  	v9 =	vld.idx.msk [tilespmem:v57+s10+$0x0], $0xffff;
	v22 =	vadd.f32 v10, v5;
	v15 =	vsub.f32 v20, v19;
	v19 =	vmul.f32 v19, v19  }
0x171: {  	s24 =	simm.s32 $0x10;
	v8 =	vsub.f32 v63, v23;
	v16 =	vmul.f32 v21, v21;
	v10 =	vld.idx.msk [tilespmem:v54+s10+$0x0], $0xffff;
	v20 =	vmul.f32 v63, v63  }
0x172: {  	s26 =	simm.s32 $0x20;
	v12 =	vld.idx.msk [tilespmem:v56+s10+$0x0], $0xffff;
	v21 =	vmul.f32 v23, v23;
	v5 =	vmov s24;
	v19 =	vadd.f32 v19, v22  }
.LBB2_4:
0x173: {  	p0 =	sne.s32 s26, $0xF0;
	v22 =	vshll.u32 v5, $0x1;
	v17 =	vadd.f32 v20, v17;
	v20 =	vmul.f32 v11, v11;
	v4 =	vld.idx.msk [tilespmem:v4+s10+$0x0], $0xffff;
	s28 =	smov.u32 s26;
	s26 =	sadd.s32 $0x10, s26  }
0x174: {  	v22 =	vor.u32 v2, v22;
	v19 =	vadd.f32 v21, v19;
	v21 =	vmul.f32 v14, v14;
	v3 =	vld.idx.msk [tilespmem:v3+s10+$0x0], $0xffff  }
0x175: {  	v7 =	vmul.f32 v7, v7;
	v24 =	vmul.f32 v6, v6;
	v23 =	vor.u32 $0x1, v22  }
0x176: {  	v17 =	vadd.f32 v20, v17;
	v20 =	vmul.f32 v10, v10;
	v19 =	vadd.f32 v21, v19  }
0x177: {  	v11 =	vsub.f32 v11, v14;
	v7 =	vadd.f32 v7, v18;
	v14 =	vmul.f32 v9, v9  }
0x178: {  	v17 =	vadd.f32 v20, v17;
	v18 =	vadd.f32 v24, v19;
	v19 =	vmul.f32 v12, v12  }
0x179: {  	v13 =	vmul.f32 v13, v13;
	v7 =	vadd.f32 v16, v7;
	v16 =	vmul.f32 v4, v4  }
0x17a: {  	v17 =	vadd.f32 v19, v17;
	v14 =	vadd.f32 v14, v18;
	v18 =	vmul.f32 v3, v3  }
0x17b: {  	v7 =	vadd.f32 v13, v7;
	v13 =	vmul.f32 v15, v15;
	v3 =	vsub.f32 v3, v4  }
0x17c: {  	v4 =	vadd.f32 v18, v17;
	v14 =	vadd.f32 v16, v14  }
0x17d: {  	v8 =	vmul.f32 v8, v8;
	v6 =	vsub.f32 v10, v6;
	v7 =	vadd.f32 v13, v7  }
0x17e: {  	v4 =	vsub.f32 $1.000000000e+00, v4;
	v10 =	vsub.f32 $1.000000000e+00, v14  }
0x17f: {  	v5 =	vshll.u32 v5, $0x8;
	v7 =	vadd.f32 v8, v7;
	v8 =	vmul.f32 v11, v11  }
0x180: {  	v5 =	vor.u32 v1, v5;
	v9 =	vsub.f32 v12, v9;
	v4 =	vmul.f32 v10, v4  }
0x181: {  	v6 =	vmul.f32 v6, v6;
	v7 =	vadd.f32 v8, v7  }
0x182: {  	(erf) = vrcp.f32 v4  }
0x183: {  	v4 =	vadd.f32 v6, v7;
	v6 =	vmul.f32 v9, v9;
	_ =	sdelay $0x1  }
0x184: {  	v3 =	vmul.f32 v3, v3;
	v4 =	vadd.f32 v6, v4;
	_ =	sdelay $0x1  }
0x185: {  	v3 =	vadd.f32 v3, v4;
	_ =	sdelay $0x2  }
0x186: {  	v3 =	vadd.f32 v3, v3  }
0x187: {  	v4 =	vpop (erf)  }
0x188: {  	v3 =	vmul.f32 v4, v3;
	_ =	sdelay $0x1  }
0x189: {  	v3 =	vadd.f32 $1.000000000e+00, v3  }
0x18a: {  	s29 =	sand.u32 $0xF0, s25;
	s25 =	smov.u32 s24;
	s24 =	smov.u32 s28  }
0x18b: {  	[tilespmem:s29+$0x10900] =	vst v3  }
0x18c: {  	v3 =	vld.idx.msk [tilespmem:v23+s3+$0x0], $0xffff  }
0x18d: {  	v4 =	vld.idx.msk [tilespmem:v22+s3+$0x0], $0xffff;
	_ =	sdelay $0x4  }
0x18e: {  	v3 =	vshll.u32 v3, $0x4  }
0x18f: {  	v3 =	vand.u32 $0x70, v3;
	v4 =	vshll.u32 v4, $0x4  }
0x190: {  	v3 =	vor.u32 v3, v5;
	v4 =	vand.u32 $0x70, v4  }
0x191: {  	v4 =	vor.u32 v5, v4;
	v5 =	vor.u32 $0x80, v3;
	v6 =	vor.u32 $0x81, v3  }
0x192: {  	v7 =	vor.u32 $0x1, v4;
	v8 =	vor.u32 $0x2, v4;
	v9 =	vor.u32 $0x3, v4  }
0x193: {  	v10 =	vor.u32 $0x2, v5;
	v11 =	vor.u32 $0x3, v5;
	v12 =	vor.u32 $0x4, v4  }
0x194: {  	v13 =	vor.u32 $0x84, v3;
	v14 =	vor.u32 $0x5, v4;
	v15 =	vor.u32 $0x6, v4  }
0x195: {  	v16 =	vor.u32 $0x5, v5;
	v17 =	vor.u32 $0x6, v5;
	v18 =	vor.u32 $0x7, v4  }
0x196: {  	v20 =	vor.u32 $0x7, v5;
	v21 =	vor.u32 $0x8, v4;
	v22 =	vor.u32 $0x9, v4;
	v19 =	vld.idx.msk [tilespmem:v4+s10+$0x0], $0xffff  }
0x197: {  	v23 =	vor.u32 $0x88, v3;
	v24 =	vor.u32 $0x9, v5;
	v25 =	vor.u32 $0xA, v4;
	v7 =	vld.idx.msk [tilespmem:v7+s10+$0x0], $0xffff  }
0x198: {  	v26 =	vor.u32 $0xA, v5;
	v27 =	vor.u32 $0xB, v4;
	v28 =	vor.u32 $0xB, v5;
	v10 =	vld.idx.msk [tilespmem:v10+s10+$0x0], $0xffff  }
0x199: {  	v29 =	vor.u32 $0xC, v4;
	v30 =	vor.u32 $0xC, v5;
	v31 =	vor.u32 $0xD, v4;
	v8 =	vld.idx.msk [tilespmem:v8+s10+$0x0], $0xffff  }
0x19a: {  	v33 =	vor.u32 $0xD, v5;
	v34 =	vor.u32 $0xE, v4;
	v35 =	vor.u32 $0xE, v5;
	v32 =	vld.idx.msk [tilespmem:v5+s10+$0x0], $0xffff  }
0x19b: {  	v3 =	vor.u32 $0xF, v4;
	v4 =	vor.u32 $0xF, v5;
	v9 =	vld.idx.msk [tilespmem:v9+s10+$0x0], $0xffff  }
0x19c: {  	v5 =	vld.idx.msk [tilespmem:v6+s10+$0x0], $0xffff  }
0x19d: {  	v6 =	vmul.f32 v19, v19;
	v36 =	vmul.f32 v7, v7;
	v12 =	vld.idx.msk [tilespmem:v12+s10+$0x0], $0xffff  }
0x19e: {  	v11 =	vld.idx.msk [tilespmem:v11+s10+$0x0], $0xffff  }
0x19f: {  	v6 =	vadd.f32 v36, v6;
	v36 =	vsub.f32 v8, v10;
	v8 =	vmul.f32 v8, v8;
	v14 =	vld.idx.msk [tilespmem:v14+s10+$0x0], $0xffff  }
0x1a0: {  	v19 =	vsub.f32 v19, v32;
	v13 =	vld.idx.msk [tilespmem:v13+s10+$0x0], $0xffff  }
0x1a1: {  	v6 =	vadd.f32 v8, v6;
	v8 =	vmul.f32 v36, v36;
	v36 =	vmul.f32 v9, v9;
	v15 =	vld.idx.msk [tilespmem:v15+s10+$0x0], $0xffff  }
0x1a2: {  	v32 =	vmul.f32 v32, v32;
	v7 =	vsub.f32 v7, v5;
	v5 =	vmul.f32 v5, v5;
	v16 =	vld.idx.msk [tilespmem:v16+s10+$0x0], $0xffff  }
0x1a3: {  	v19 =	vmul.f32 v19, v19;
	v6 =	vadd.f32 v36, v6;
	v36 =	vmul.f32 v12, v12;
	v18 =	vld.idx.msk [tilespmem:v18+s10+$0x0], $0xffff  }
0x1a4: {  	v10 =	vmul.f32 v10, v10;
	v5 =	vadd.f32 v5, v32;
	v7 =	vmul.f32 v7, v7;
	v17 =	vld.idx.msk [tilespmem:v17+s10+$0x0], $0xffff  }
0x1a5: {  	v9 =	vsub.f32 v9, v11;
	v6 =	vadd.f32 v36, v6;
	v32 =	vmul.f32 v14, v14;
	v21 =	vld.idx.msk [tilespmem:v21+s10+$0x0], $0xffff  }
0x1a6: {  	v7 =	vadd.f32 v7, v19;
	v5 =	vadd.f32 v10, v5;
	v10 =	vmul.f32 v11, v11;
	v11 =	vld.idx.msk [tilespmem:v20+s10+$0x0], $0xffff  }
0x1a7: {  	v9 =	vmul.f32 v9, v9;
	v6 =	vadd.f32 v32, v6;
	v19 =	vmul.f32 v15, v15;
	v20 =	vld.idx.msk [tilespmem:v22+s10+$0x0], $0xffff  }
0x1a8: {  	v5 =	vadd.f32 v10, v5;
	v10 =	vsub.f32 v12, v13;
	v12 =	vmul.f32 v13, v13;
	v13 =	vld.idx.msk [tilespmem:v23+s10+$0x0], $0xffff  }
0x1a9: {  	v14 =	vsub.f32 v14, v16;
	v6 =	vadd.f32 v19, v6;
	v19 =	vmul.f32 v18, v18;
	v22 =	vld.idx.msk [tilespmem:v25+s10+$0x0], $0xffff  }
0x1aa: {  	v7 =	vadd.f32 v8, v7;
	v8 =	vmul.f32 v16, v16;
	v5 =	vadd.f32 v12, v5  }
0x1ab: {  	v12 =	vmul.f32 v14, v14;
	v6 =	vadd.f32 v19, v6;
	v14 =	vmul.f32 v21, v21;
	v19 =	vld.idx.msk [tilespmem:v27+s10+$0x0], $0xffff  }
0x1ac: {  	v9 =	vadd.f32 v9, v7;
	v5 =	vadd.f32 v8, v5;
	v8 =	vmul.f32 v17, v17;
	v16 =	vld.idx.msk [tilespmem:v24+s10+$0x0], $0xffff  }
0x1ad: {  	v7 =	vsub.f32 v18, v11;
	v6 =	vadd.f32 v14, v6;
	v14 =	vmul.f32 v20, v20;
	v23 =	vld.idx.msk [tilespmem:v28+s10+$0x0], $0xffff  }
0x1ae: {  	v10 =	vmul.f32 v10, v10;
	v5 =	vadd.f32 v8, v5;
	v8 =	vmul.f32 v11, v11;
	v18 =	vld.idx.msk [tilespmem:v26+s10+$0x0], $0xffff  }
0x1af: {  	v11 =	vsub.f32 v15, v17;
	v6 =	vadd.f32 v14, v6;
	v14 =	vmul.f32 v22, v22  }
0x1b0: {  	v21 =	vsub.f32 v21, v13;
	v5 =	vadd.f32 v8, v5;
	v8 =	vmul.f32 v13, v13  }
0x1b1: {  	v9 =	vadd.f32 v10, v9;
	v24 =	vmul.f32 v11, v11;
	v17 =	vadd.f32 v14, v6;
	v11 =	vld.idx.msk [tilespmem:v29+s10+$0x0], $0xffff  }
.Ltmp1:
0x1b2: {  	v5 =	vadd.f32 v8, v5;
	v13 =	vsub.f32 v20, v16;
	v10 =	vmul.f32 v16, v16;
	v14 =	vld.idx.msk [tilespmem:v30+s10+$0x0], $0xffff;
	(pc) =	sbr.rel @p0 .LBB2_4-.Ltmp1, $4  }
0x1b3: {  	v9 =	vadd.f32 v12, v9;
	v8 =	vsub.f32 v19, v23;
	v6 =	vld.idx.msk [tilespmem:v33+s10+$0x0], $0xffff  }
0x1b4: {  	v12 =	vadd.f32 v10, v5;
	v15 =	vsub.f32 v22, v18;
	v22 =	vmul.f32 v18, v18;
	v10 =	vld.idx.msk [tilespmem:v31+s10+$0x0], $0xffff  }
0x1b5: {  	v16 =	vmul.f32 v21, v21;
	v20 =	vmul.f32 v19, v19;
	v18 =	vadd.f32 v24, v9;
	v9 =	vld.idx.msk [tilespmem:v35+s10+$0x0], $0xffff  }
0x1b6: {  	v21 =	vmul.f32 v23, v23;
	v5 =	vmov s24;
	v19 =	vadd.f32 v22, v12;
	v12 =	vld.idx.msk [tilespmem:v34+s10+$0x0], $0xffff  }
0x1b7: {  	_ =	sdelay $0x2  }
0x1b8: {  	v17 =	vadd.f32 v20, v17  }
0x1b9: {  	v25 =	vmul.f32 v11, v11;
	v4 =	vld.idx.msk [tilespmem:v4+s10+$0x0], $0xffff;
	v26 =	vmul.f32 v14, v14;
	v19 =	vadd.f32 v21, v19  }
0x1ba: {  	v3 =	vld.idx.msk [tilespmem:v3+s10+$0x0], $0xffff;
	v7 =	vmul.f32 v7, v7;
	v22 =	vmul.f32 v6, v6  }
0x1bb: {  	v17 =	vadd.f32 v25, v17;
	v27 =	vmul.f32 v10, v10;
	v19 =	vadd.f32 v26, v19  }
0x1bc: {  	v7 =	vadd.f32 v7, v18;
	v28 =	vmul.f32 v9, v9  }
0x1bd: {  	v17 =	vadd.f32 v27, v17;
	v29 =	vmul.f32 v12, v12;
	v19 =	vadd.f32 v22, v19  }
0x1be: {  	v13 =	vmul.f32 v13, v13;
	v7 =	vadd.f32 v16, v7;
	v30 =	vmul.f32 v4, v4  }
0x1bf: {  	v31 =	vmul.f32 v3, v3;
	v17 =	vadd.f32 v29, v17;
	v18 =	vadd.f32 v28, v19  }
0x1c0: {  	v32 =	vmul.f32 v15, v15;
	v7 =	vadd.f32 v13, v7  }
0x1c1: {  	v33 =	vadd.f32 v31, v17;
	v16 =	vadd.f32 v30, v18  }
0x1c2: {  	v34 =	vsub.f32 v11, v14;
	v7 =	vadd.f32 v32, v7  }
0x1c3: {  	v8 =	vmul.f32 v8, v8;
	v35 =	vsub.f32 $1.000000000e+00, v33;
	v36 =	vsub.f32 $1.000000000e+00, v16  }
0x1c4: {  	v37 =	vsub.f32 v10, v6  }
0x1c5: {  	v38 =	vmul.f32 v34, v34;
	v7 =	vadd.f32 v8, v7;
	v39 =	vmul.f32 v36, v35  }
0x1c6: {  	v40 =	vsub.f32 v12, v9  }
0x1c7: {  	v6 =	vmul.f32 v37, v37;
	v7 =	vadd.f32 v38, v7;
	(erf) = vrcp.f32 v39;
	_ =	sdelay $0x1  }
0x1c8: {  	v3 =	vsub.f32 v3, v4;
	v42 =	vmul.f32 v40, v40;
	v41 =	vadd.f32 v6, v7;
	_ =	sdelay $0x1  }
0x1c9: {  	v3 =	vmul.f32 v3, v3;
	v4 =	vadd.f32 v42, v41;
	_ =	sdelay $0x1  }
0x1ca: {  	v3 =	vadd.f32 v3, v4;
	_ =	sdelay $0x1  }
0x1cb: {  	v3 =	vadd.f32 v3, v3  }
0x1cc: {  	v43 =	vshll.u32 v5, $0x1;
	v44 =	vpop (erf)  }
0x1cd: {  	v4 =	vor.u32 v2, v43;
	v3 =	vmul.f32 v44, v3;
	_ =	sdelay $0x1  }
0x1ce: {  	v45 =	vor.u32 $0x1, v4;
	v3 =	vadd.f32 $1.000000000e+00, v3  }
0x1cf: {  	s25 =	sand.u32 $0xF0, s25  }
0x1d0: {  	[tilespmem:s25+$0x10900] =	vst v3  }
0x1d1: {  	v3 =	vld.idx.msk [tilespmem:v4+s3+$0x0], $0xffff;
	_ =	sdelay $0x1  }
0x1d2: {  	v46 =	vld.idx.msk [tilespmem:v45+s3+$0x0], $0xffff;
	_ =	sdelay $0x2  }
0x1d3: {  	v47 =	vshll.u32 v5, $0x8;
	v3 =	vshll.u32 v3, $0x4  }
0x1d4: {  	v5 =	vor.u32 v1, v47;
	v3 =	vand.u32 $0x70, v3  }
0x1d5: {  	v4 =	vshll.u32 v46, $0x4;
	v3 =	vor.u32 v5, v3  }
0x1d6: {  	v4 =	vand.u32 $0x70, v4;
	v48 =	vor.u32 $0x1, v3  }
0x1d7: {  	v4 =	vor.u32 v4, v5;
	v49 =	vor.u32 $0x2, v3  }
0x1d8: {  	v50 =	vor.u32 $0x80, v4  }
0x1d9: {  	v51 =	vor.u32 $0x81, v4  }
0x1da: {  	v52 =	vor.u32 $0x3, v3;
	v54 =	vld.idx.msk [tilespmem:v3+s10+$0x0], $0xffff  }
0x1db: {  	v56 =	vor.u32 $0x4, v3;
	v6 =	vld.idx.msk [tilespmem:v48+s10+$0x0], $0xffff  }
0x1dc: {  	v57 =	vor.u32 $0x84, v4;
	v5 =	vld.idx.msk [tilespmem:v49+s10+$0x0], $0xffff  }
0x1dd: {  	v58 =	vor.u32 $0x5, v3;
	v23 =	vld.idx.msk [tilespmem:v50+s10+$0x0], $0xffff  }
0x1de: {  	v59 =	vor.u32 $0x6, v3;
	v8 =	vld.idx.msk [tilespmem:v51+s10+$0x0], $0xffff  }
0x1df: {  	v62 =	vor.u32 $0x7, v3;
	v9 =	vld.idx.msk [tilespmem:v52+s10+$0x0], $0xffff  }
0x1e0: {  	v53 =	vor.u32 $0x2, v50;
	v13 =	vld.idx.msk [tilespmem:v56+s10+$0x0], $0xffff  }
0x1e1: {  	v4 =	vor.u32 $0x88, v4;
	v14 =	vld.idx.msk [tilespmem:v57+s10+$0x0], $0xffff  }
0x1e2: {  	v40 =	vor.u32 $0x8, v3;
	v41 =	vor.u32 $0x9, v3;
	v25 =	vor.u32 $0xA, v3;
	v15 =	vld.idx.msk [tilespmem:v58+s10+$0x0], $0xffff  }
0x1e3: {  	v27 =	vor.u32 $0xB, v3;
	v31 =	vor.u32 $0xC, v3;
	v55 =	vor.u32 $0x3, v50;
	v16 =	vld.idx.msk [tilespmem:v59+s10+$0x0], $0xffff  }
0x1e4: {  	v33 =	vor.u32 $0xD, v3;
	v35 =	vor.u32 $0xE, v3;
	v60 =	vor.u32 $0x5, v50;
	v19 =	vld.idx.msk [tilespmem:v62+s10+$0x0], $0xffff  }
0x1e5: {  	v61 =	vor.u32 $0x6, v50;
	v63 =	vor.u32 $0x7, v50;
	v24 =	vor.u32 $0x9, v50;
	v10 =	vld.idx.msk [tilespmem:v53+s10+$0x0], $0xffff  }
0x1e6: {  	v26 =	vor.u32 $0xA, v50;
	v30 =	vor.u32 $0xB, v50;
	v32 =	vor.u32 $0xC, v50;
	v4 =	vld.idx.msk [tilespmem:v4+s10+$0x0], $0xffff  }
0x1e7: {  	v34 =	vor.u32 $0xD, v50;
	v36 =	vor.u32 $0xE, v50;
	v7 =	vor.u32 $0xF, v50;
	v56 =	vld.idx.msk [tilespmem:v41+s10+$0x0], $0xffff  }
0x1e8: {  	v3 =	vor.u32 $0xF, v3;
	v12 =	vld.idx.msk [tilespmem:v55+s10+$0x0], $0xffff;
	v28 =	vmul.f32 v54, v54;
	v29 =	vmul.f32 v6, v6  }
0x1e9: {  	v45 =	vld.idx.msk [tilespmem:v60+s10+$0x0], $0xffff;
	v11 =	vsub.f32 v54, v23;
	v23 =	vmul.f32 v23, v23;
	v43 =	vmul.f32 v8, v8  }
0x1ea: {  	v18 =	vld.idx.msk [tilespmem:v61+s10+$0x0], $0xffff;
	v42 =	vmul.f32 v5, v5;
	v44 =	vmul.f32 v9, v9;
	v5 =	vsub.f32 v5, v10  }
0x1eb: {  	v52 =	vld.idx.msk [tilespmem:v63+s10+$0x0], $0xffff;
	v10 =	vmul.f32 v10, v10;
	v28 =	vadd.f32 v29, v28;
	v23 =	vadd.f32 v43, v23  }
0x1ec: {  	v53 =	vld.idx.msk [tilespmem:v40+s10+$0x0], $0xffff;
	v6 =	vsub.f32 v6, v8;
	v48 =	vmul.f32 v13, v13;
	v49 =	vmul.f32 v14, v14  }
0x1ed: {  	v60 =	vld.idx.msk [tilespmem:v24+s10+$0x0], $0xffff;
	v46 =	vmul.f32 v12, v12;
	v28 =	vadd.f32 v42, v28;
	v10 =	vadd.f32 v10, v23  }
0x1ee: {  	v61 =	vld.idx.msk [tilespmem:v25+s10+$0x0], $0xffff;
	v51 =	vmul.f32 v15, v15;
	v55 =	vmul.f32 v16, v16;
	v13 =	vsub.f32 v13, v14  }
0x1ef: {  	v24 =	vld.idx.msk [tilespmem:v26+s10+$0x0], $0xffff;
	v59 =	vmul.f32 v19, v19;
	v47 =	vadd.f32 v44, v28;
	v10 =	vadd.f32 v46, v10  }
0x1f0: {  	v25 =	vld.idx.msk [tilespmem:v27+s10+$0x0], $0xffff;
	v26 =	vmul.f32 v4, v4;
	v27 =	vmul.f32 v56, v56;
	v9 =	vsub.f32 v9, v12  }
0x1f1: {  	v54 =	vmul.f32 v45, v45;
	v50 =	vadd.f32 v48, v47;
	v10 =	vadd.f32 v49, v10  }
0x1f2: {  	v8 =	vsub.f32 v15, v45;
	v57 =	vmul.f32 v18, v18;
	v16 =	vsub.f32 v16, v18  }
0x1f3: {  	v62 =	vmul.f32 v52, v52;
	v17 =	vadd.f32 v51, v50;
	v10 =	vadd.f32 v54, v10  }
0x1f4: {  	v4 =	vsub.f32 v53, v4;
	v11 =	vmul.f32 v11, v11;
	v6 =	vmul.f32 v6, v6  }
0x1f5: {  	v63 =	vmul.f32 v53, v53;
	v58 =	vadd.f32 v55, v17;
	v10 =	vadd.f32 v57, v10  }
0x1f6: {  	v39 =	vmul.f32 v24, v24;
	v5 =	vmul.f32 v5, v5;
	v6 =	vadd.f32 v6, v11  }
0x1f7: {  	v37 =	vld.idx.msk [tilespmem:v32+s10+$0x0], $0xffff;
	v41 =	vmul.f32 v25, v25;
	v15 =	vadd.f32 v59, v58;
	v10 =	vadd.f32 v62, v10  }
0x1f8: {  	v13 =	vmul.f32 v13, v13;
	v9 =	vmul.f32 v9, v9;
	v5 =	vadd.f32 v5, v6;
	v28 =	vld.idx.msk [tilespmem:v30+s10+$0x0], $0xffff  }
0x1f9: {  	v7 =	vld.idx.msk [tilespmem:v7+s10+$0x0], $0xffff;
	v30 =	vmul.f32 v60, v60;
	v15 =	vadd.f32 v63, v15;
	v10 =	vadd.f32 v26, v10  }
0x1fa: {  	v29 =	vld.idx.msk [tilespmem:v31+s10+$0x0], $0xffff;
	v31 =	vmul.f32 v61, v61;
	v8 =	vmul.f32 v8, v8;
	v5 =	vadd.f32 v9, v5  }
0x1fb: {  	v38 =	vld.idx.msk [tilespmem:v34+s10+$0x0], $0xffff;
	v16 =	vmul.f32 v16, v16;
	v15 =	vadd.f32 v27, v15;
	v10 =	vadd.f32 v30, v10  }
0x1fc: {  	v40 =	vld.idx.msk [tilespmem:v33+s10+$0x0], $0xffff;
	v4 =	vmul.f32 v4, v4;
	v11 =	vsub.f32 v19, v52;
	v5 =	vadd.f32 v13, v5  }
0x1fd: {  	v42 =	vld.idx.msk [tilespmem:v36+s10+$0x0], $0xffff;
	v43 =	vmul.f32 v28, v28;
	v15 =	vadd.f32 v31, v15;
	v10 =	vadd.f32 v39, v10  }
0x1fe: {  	v52 =	vmul.f32 v7, v7;
	v44 =	vld.idx.msk [tilespmem:v35+s10+$0x0], $0xffff;
	v46 =	vmul.f32 v37, v37;
	v5 =	vadd.f32 v8, v5  }
0x1ff: {  	v45 =	vmul.f32 v29, v29;
	v15 =	vadd.f32 v41, v15;
	v10 =	vadd.f32 v43, v10  }
0x200: {  	v3 =	vld.idx.msk [tilespmem:v3+s10+$0x0], $0xffff;
	v11 =	vmul.f32 v11, v11;
	v47 =	vmul.f32 v38, v38;
	v5 =	vadd.f32 v16, v5  }
0x201: {  	v48 =	vmul.f32 v40, v40;
	v15 =	vadd.f32 v45, v15;
	v10 =	vadd.f32 v46, v10  }
0x202: {  	v6 =	vsub.f32 v56, v60;
	v49 =	vmul.f32 v42, v42;
	v5 =	vadd.f32 v11, v5  }
0x203: {  	v50 =	vmul.f32 v44, v44;
	v12 =	vadd.f32 v48, v15;
	v10 =	vadd.f32 v47, v10  }
0x204: {  	v9 =	vsub.f32 v61, v24;
	v51 =	vmul.f32 v6, v6;
	v4 =	vadd.f32 v4, v5  }
0x205: {  	v53 =	vmul.f32 v3, v3;
	v12 =	vadd.f32 v50, v12;
	v10 =	vadd.f32 v49, v10  }
0x206: {  	v54 =	vsub.f32 v25, v28;
	v55 =	vmul.f32 v9, v9;
	v4 =	vadd.f32 v51, v4  }
0x207: {  	v56 =	vadd.f32 v53, v12;
	v6 =	vadd.f32 v52, v10  }
0x208: {  	v57 =	vsub.f32 v29, v37;
	v4 =	vadd.f32 v55, v4  }
0x209: {  	v58 =	vmul.f32 v54, v54;
	v9 =	vsub.f32 $1.000000000e+00, v56;
	v6 =	vsub.f32 $1.000000000e+00, v6  }
0x20a: {  	v59 =	vsub.f32 v40, v38  }
0x20b: {  	v60 =	vmul.f32 v57, v57;
	v4 =	vadd.f32 v58, v4;
	v6 =	vmul.f32 v6, v9  }
0x20c: {  	v8 =	vsub.f32 v44, v42  }
0x20d: {  	v61 =	vmul.f32 v59, v59;
	v4 =	vadd.f32 v60, v4;
	(erf) = vrcp.f32 v6;
	_ =	sdelay $0x1  }
0x20e: {  	v3 =	vsub.f32 v3, v7;
	v62 =	vmul.f32 v8, v8;
	v4 =	vadd.f32 v61, v4;
	_ =	sdelay $0x1  }
0x20f: {  	v3 =	vmul.f32 v3, v3;
	v4 =	vadd.f32 v62, v4;
	_ =	sdelay $0x1  }
0x210: {  	v3 =	vadd.f32 v3, v4;
	_ =	sdelay $0x1  }
0x211: {  	v3 =	vadd.f32 v3, v3  }
0x212: {  	v63 =	vpop (erf)  }
0x213: {  	v3 =	vmul.f32 v63, v3;
	_ =	sdelay $0x1  }
0x214: {  	s23 =	sadd.s32 $0x1, s23;
	v3 =	vadd.f32 $1.000000000e+00, v3  }
0x215: {  	s24 =	sand.u32 $0xF0, s24;
	p0 =	sne.s32 s23, s6  }
.Ltmp2:
0x216: {  	[tilespmem:s24+$0x10900] =	vst v3;
	(pc) =	sbr.rel @p0 .LBB2_1-.Ltmp2, $4  }
0x217: {  	[hbm4b:s5+s3] =	stream.linear.scatter [tilespmem:s22], [sflag:$0x2], $0x200, $0x38;
	[tilespmem:$0x10A00] =	vst v63  }
0x218: {  	_ =	swait.ge [sflag:s7], $0x200  }
0x219: {  	[sflag:s7] =	ssyncset.done $0x0  }
0x21a: {  	[sflag:s7] =	ssyncadd.s32 $0xFFFFFE00  }
0x21b: {  	_ =	sfence.sel $0x180000  }
0x21c: {  	[bflag:$0x0] =	sbarrier.arrive $0xFFFF  }
0x21d: {  	p0 =	sne.s32 s2, $0x0;
	_ =	strace $0x90000047  }
0x21e: {  	s0 =	sadd.s32 @!p0 $0x100000, s0;
	[bflag:$0x2] =	sbarrier.arrive $0xFFFF  }
0x21f: {  	[sflag:s0] =	ssyncadd.tile.s32 @!p0 $0x1;
	_ =	shalt  }
.Lfunc_end2:
_tile_overlayer_lowered:
.L_overlay_start_2:
0x220: {  	(tag) =	ssettag $0x2  }
0x221: {  	s0 =	rddreg [dreg:$0x0];
	s2 =	stileid.u32  }
0x222: {  	s1 =	rddreg [dreg:$0x1];
	p0 =	sne.s32 s2, $0x0  }
0x223: {  	s3 =	rddreg [dreg:$0x2];
	[bflag:$0x3] =	sbarrier.arrive $0xFFFF;
	s2 =	simm.s32 @!p0 $0x1C02  }
0x224: {  	[timem:s3], [sflag:s2] =	dma.local @!p0 [hbm:s0], s1  }
0x225: {  	s0 =	simm.s32 @!p0 $0x2  }
0x226: {  	_ =	swait.ge @!p0 [sflag:s0], s1  }
0x227: {  	s1 =	ssub.s32 @!p0 $0x0, s1;
	[sflag:s0] =	ssyncset.done @!p0 $0x0  }
0x228: {  	[sflag:s0] =	ssyncadd.s32 @!p0 s1  }
0x229: {  	[bflag:$0x3] =	sbarrier.arrive $0xFFFF  }
0x22a: {  	_ =	shalt  }

</sc_bundles>
